<compile_context>
chip_gen: v7x
topology: tpu7x:2x2x1
jax: 0.10.2.dev20260603
libtpu: 0.0.44.dev20260713+nightly
codegen_flags: <defaults>
</compile_context>

<pallas_src>
import functools

import jax
import jax.numpy as jnp
from jax import lax
from jax.experimental import pallas as pl
from jax.experimental.pallas import tpu as pltpu
from jax.experimental.pallas import tpu_sc as plsc

N = 10000
NR = 10112
F = 128
NC = 2
NS = 16
NW = NC * NS
DEGW = 128
CH = 128
NB = 2


def _sc_mesh():
    return plsc.VectorSubcoreMesh(core_axis_name="c", subcore_axis_name="s")


def _deg_count(dstp, zeros_deg, ones_deg):
    nch = dstp.shape[1]
    rz = NR // NS

    @functools.partial(
        pl.kernel,
        out_type=jax.ShapeDtypeStruct((NC, NR, DEGW), jnp.float32),
        mesh=_sc_mesh(),
        scratch_types=[
            pltpu.VMEM((nch, CH), jnp.int32),
            pltpu.VMEM((CH, DEGW), jnp.float32),
            pltpu.VMEM_SHARED((NR, DEGW), jnp.float32),
            pltpu.SemaphoreType.DMA((8,)),
        ],
    )
    def k(dstp_hbm, zeros_hbm, ones_hbm, out_hbm, dst_v, ones_v, acc_sh, sem):
        c = lax.axis_index("c")
        s = lax.axis_index("s")
        wid = c * NS + s
        pltpu.sync_copy(dstp_hbm.at[wid], dst_v)
        pltpu.sync_copy(ones_hbm, ones_v)
        pltpu.sync_copy(zeros_hbm, acc_sh.at[pl.ds(s * rz, rz)])
        plsc.subcore_barrier()

        ND = 8
        for b in range(ND):
            pltpu.async_copy(ones_v, acc_sh.at[dst_v.at[b]], sem.at[b], add=True)

        def body(t, carry):
            for b in range(ND):
                j = t * ND + b
                pltpu.make_async_copy(ones_v, acc_sh.at[dst_v.at[j]], sem.at[b]).wait()

                @pl.when(j + ND < nch)
                def _():
                    pltpu.async_copy(
                        ones_v, acc_sh.at[dst_v.at[j + ND]], sem.at[b], add=True)
            return carry

        lax.fori_loop(0, nch // ND, body, 0)
        plsc.subcore_barrier()
        pltpu.sync_copy(acc_sh.at[pl.ds(s * rz, rz)], out_hbm.at[c, pl.ds(s * rz, rz)])

    return k(dstp, zeros_deg, ones_deg)


def _aggregate(srcp, dstp, g):
    nch = srcp.shape[1]
    hch = nch // 2
    ri = NR // NS

    @functools.partial(
        pl.kernel,
        out_type=jax.ShapeDtypeStruct((NC, NR, F), jnp.float32),
        mesh=_sc_mesh(),
        scratch_types=[
            pltpu.VMEM((hch, CH), jnp.int32),
            pltpu.VMEM((hch, CH), jnp.int32),
            pltpu.VMEM((NB, CH, F), jnp.float32),
            pltpu.VMEM_SHARED((NR, F), jnp.float32),
            pltpu.SemaphoreType.DMA((NB,)),
            pltpu.SemaphoreType.DMA((NB,)),
        ],
    )
    def k(srcp_hbm, dstp_hbm, g_hbm, out_hbm, src_v, dst_v, bufs, acc_sh, sem_g, sem_s):
        c = lax.axis_index("c")
        s = lax.axis_index("s")
        wid = c * NS + s
        pltpu.sync_copy(g_hbm.at[pl.ds(s * ri, ri)], acc_sh.at[pl.ds(s * ri, ri)])
        plsc.subcore_barrier()

        def grp(t, carry):
            for b in range(NB):
                j = t * NB + b
                pltpu.make_async_copy(
                    g_hbm.at[src_v.at[j]], bufs.at[b], sem_g.at[b]).wait()
                pltpu.async_copy(
                    bufs.at[b], acc_sh.at[dst_v.at[j]], sem_s.at[b], add=True).wait()

                @pl.when(j + NB < hch)
                def _():
                    pltpu.async_copy(
                        g_hbm.at[src_v.at[j + NB]], bufs.at[b], sem_g.at[b])
            return carry

        for h in range(2):
            pltpu.sync_copy(srcp_hbm.at[wid, pl.ds(h * hch, hch)], src_v)
            pltpu.sync_copy(dstp_hbm.at[wid, pl.ds(h * hch, hch)], dst_v)
            for b in range(NB):
                pltpu.async_copy(g_hbm.at[src_v.at[b]], bufs.at[b], sem_g.at[b])
            lax.fori_loop(0, hch // NB, grp, 0)
        plsc.subcore_barrier()
        pltpu.sync_copy(acc_sh.at[pl.ds(s * ri, ri)], out_hbm.at[c, pl.ds(s * ri, ri)])

    return k(srcp, dstp, g)


_TC_R = 1264


def _tc_prep(degcnt, xp, W):

    def body(deg_ref, x_ref, w_ref, g_ref, dinv_ref):
        dd = deg_ref[0, :, :1] + deg_ref[1, :, :1] + 1.0
        dinv = lax.rsqrt(dd)
        h = jnp.dot(x_ref[...], w_ref[...], preferred_element_type=jnp.float32)
        g_ref[...] = dinv * h
        dinv_ref[...] = jnp.broadcast_to(dinv, (_TC_R, F))

    return pl.pallas_call(
        body,
        grid=(NR // _TC_R,),
        in_specs=[
            pl.BlockSpec((NC, _TC_R, DEGW), lambda i: (0, i, 0)),
            pl.BlockSpec((_TC_R, F), lambda i: (i, 0)),
            pl.BlockSpec((F, F), lambda i: (0, 0)),
        ],
        out_specs=[
            pl.BlockSpec((_TC_R, F), lambda i: (i, 0)),
            pl.BlockSpec((_TC_R, F), lambda i: (i, 0)),
        ],
        out_shape=[
            jax.ShapeDtypeStruct((NR, F), jnp.float32),
            jax.ShapeDtypeStruct((NR, F), jnp.float32),
        ],
    )(degcnt, xp, W)


def _tc_mid(accs, g1, dinv_b, W_l, b1, vn0):

    def body(acc_ref, g_ref, dv_ref, w_ref, b_ref, vn_ref, g2_ref):
        out1 = dv_ref[...] * (acc_ref[0] + acc_ref[1] - g_ref[...])
        out1 = out1 + b_ref[...] + vn_ref[...]
        h2 = jnp.dot(out1, w_ref[...], preferred_element_type=jnp.float32)
        g2_ref[...] = dv_ref[...] * h2

    return pl.pallas_call(
        body,
        grid=(NR // _TC_R,),
        in_specs=[
            pl.BlockSpec((NC, _TC_R, F), lambda i: (0, i, 0)),
            pl.BlockSpec((_TC_R, F), lambda i: (i, 0)),
            pl.BlockSpec((_TC_R, F), lambda i: (i, 0)),
            pl.BlockSpec((F, F), lambda i: (0, 0)),
            pl.BlockSpec((1, F), lambda i: (0, 0)),
            pl.BlockSpec((1, F), lambda i: (0, 0)),
        ],
        out_specs=pl.BlockSpec((_TC_R, F), lambda i: (i, 0)),
        out_shape=jax.ShapeDtypeStruct((NR, F), jnp.float32),
    )(accs, g1, dinv_b, W_l, b1, vn0)


def _tc_final(accs, g2, dinv_b, b2):
    R = 1000

    def body(acc_ref, g_ref, dv_ref, b_ref, o_ref):
        o_ref[...] = dv_ref[...] * (acc_ref[0] + acc_ref[1] - g_ref[...]) + b_ref[...]

    return pl.pallas_call(
        body,
        grid=(N // R,),
        in_specs=[
            pl.BlockSpec((NC, R, F), lambda i: (0, i, 0)),
            pl.BlockSpec((R, F), lambda i: (i, 0)),
            pl.BlockSpec((R, F), lambda i: (i, 0)),
            pl.BlockSpec((1, F), lambda i: (0, 0)),
        ],
        out_specs=pl.BlockSpec((R, F), lambda i: (i, 0)),
        out_shape=jax.ShapeDtypeStruct((N, F), jnp.float32),
    )(accs, g2, dinv_b, b2)


def kernel(x, edge_index, h_blocks, h_levels, h_num,
           W_init, b_init, W_l, b_l, vn_emb, mW1, mb1, mW2, mb2):
    E = edge_index.shape[1]
    ept = E // NW
    nch = -(-ept // CH)
    nch = -(-nch // NB) * NB
    pad = nch * CH - ept

    src = edge_index[0].reshape(NW, ept)
    dst = edge_index[1].reshape(NW, ept)
    spread = jnp.arange(pad, dtype=jnp.int32)
    pad_src = jnp.broadcast_to(spread * 79 % N, (NW, pad))
    pad_dst = jnp.broadcast_to(N + spread % (NR - N), (NW, pad))
    srcp = jnp.concatenate([src, pad_src], axis=1).reshape(NW, nch, CH)
    dstp = jnp.concatenate([dst, pad_dst], axis=1).reshape(NW, nch, CH)
    xp = jnp.pad(x, ((0, NR - N), (0, 0)))
    zeros_deg = jnp.zeros((NR // NS, DEGW), jnp.float32)
    ones_deg = jnp.ones((CH, DEGW), jnp.float32)

    degcnt = _deg_count(dstp, zeros_deg, ones_deg)
    g1, dinv_b = _tc_prep(degcnt, xp, W_init)
    accs1 = _aggregate(srcp, dstp, g1)
    g2 = _tc_mid(accs1, g1, dinv_b, W_l, b_init.reshape(1, F), vn_emb)
    accs2 = _aggregate(srcp, dstp, g2)
    return _tc_final(accs2, g2, dinv_b, b_l.reshape(1, F))

# --- scband reference (transcript-rebuilt; emitter-appended) ---
"""Pipeline reference for scband-gnn-vn-hierarchical-89094801588812 (READ-ONLY COPY).

The authoritative reference and input builder live on the scoring server;
editing this copy changes nothing except your own understanding.
"""

import jax, jax.numpy as jnp
import numpy as np

N = 10000
E = 320000
F_IN = 128
HID = 128
H_NUM = 64


def _gcn_conv(x, edge_index, W, b):
    # PyG GCNConv: add self loops, symmetric normalization, linear transform, scatter-add
    n = x.shape[0]
    loop = jnp.arange(n, dtype=edge_index.dtype)
    src = jnp.concatenate([edge_index[0], loop])
    dst = jnp.concatenate([edge_index[1], loop])
    deg = jnp.zeros((n,), dtype=x.dtype).at[dst].add(1.0)
    dinv = jnp.where(deg > 0, 1.0 / jnp.sqrt(deg), 0.0)
    norm = dinv[src] * dinv[dst]
    xw = x @ W
    msg = xw[src] * norm[:, None]
    out = jnp.zeros((n, W.shape[1]), dtype=x.dtype).at[dst].add(msg)
    return out + b


def setup_inputs(seed: int = 0):
    key = jax.random.key(seed)
    ks = jax.random.split(key, 16)
    x = jax.random.normal(ks[0], (N, F_IN), dtype=jnp.float32)
    edge_index = jax.random.randint(ks[1], (2, E), 0, N, dtype=jnp.int32)
    h_blocks = jnp.sort(jax.random.randint(ks[2], (N,), 0, H_NUM, dtype=jnp.int32))
    h_levels = jax.random.randint(ks[3], (N,), 0, 4, dtype=jnp.int32)
    W_init = jax.random.normal(ks[4], (F_IN, HID), dtype=jnp.float32) * 0.05
    b_init = jax.random.normal(ks[5], (HID,), dtype=jnp.float32) * 0.05
    W_l = jax.random.normal(ks[6], (HID, HID), dtype=jnp.float32) * 0.05
    b_l = jax.random.normal(ks[7], (HID,), dtype=jnp.float32) * 0.05
    vn_emb = jax.random.normal(ks[8], (1, HID), dtype=jnp.float32) * 0.05
    mW1 = jax.random.normal(ks[9], (HID, HID), dtype=jnp.float32) * 0.05
    mb1 = jax.random.normal(ks[10], (HID,), dtype=jnp.float32) * 0.05
    mW2 = jax.random.normal(ks[11], (HID, HID), dtype=jnp.float32) * 0.05
    mb2 = jax.random.normal(ks[12], (HID,), dtype=jnp.float32) * 0.05
    return {"x": x, "edge_index": edge_index, "h_blocks": h_blocks, "h_levels": h_levels, "h_num": H_NUM,
            "W_init": W_init, "b_init": b_init, "W_l": W_l, "b_l": b_l, "vn_emb": vn_emb,
            "mW1": mW1, "mb1": mb1, "mW2": mW2, "mb2": mb2}


def reference(x, edge_index, h_blocks, h_levels, h_num, W_init, b_init, W_l, b_l, vn_emb, mW1, mb1, mW2, mb2):
    # initial conv
    out = _gcn_conv(x, edge_index, W_init, b_init)
    # virtual node embeddings (embedding lookup of index 0, repeated)
    vn_idx = jnp.zeros((H_NUM,), dtype=jnp.int32) * jnp.asarray(h_num, dtype=jnp.int32)
    vn_direct = vn_emb[vn_idx]
    vn_root = vn_emb[jnp.zeros((1,), dtype=jnp.int32)]
    # single hidden layer (layers=2 -> module_list has 1 conv, mlp list has 1 mlp)
    out = out + vn_direct[h_blocks]
    out = _gcn_conv(out, edge_index, W_l, b_l)
    vn_direct = jax.ops.segment_sum(out, h_blocks, num_segments=H_NUM) + vn_direct
    vn_direct = vn_direct + vn_root
    vn_root = jnp.sum(vn_direct, axis=0, keepdims=True) + vn_root

    def _mlp(v):
        return jax.nn.relu(jax.nn.relu(v @ mW1 + mb1) @ mW2 + mb2)

    vn_direct = _mlp(vn_direct)
    vn_root = _mlp(vn_root)
    # h_levels is accepted by the original forward but unused
    return out

if __name__ == "__main__":
    import jax
    _d = setup_inputs()
    print(jax.jit(kernel)(*tuple(_d.values())))

</pallas_src>

<mosaic_0001>
#map = affine_map<(d0, d1) -> (0, 0, 0)>
#map1 = affine_map<(d0, d1) -> (0, 0)>
module attributes {stable_mosaic.version = 14 : i64} {
  func.func @k(%arg0: i32, %arg1: i32, %arg2: memref<32x80x128xi32, #tpu.memory_space<hbm>>, %arg3: memref<32x80x128xi32, #tpu.memory_space<hbm>>, %arg4: memref<10112x128xf32, #tpu.memory_space<hbm>>, %arg5: memref<2x10112x128xf32, #tpu.memory_space<hbm>>, %arg6: memref<40x128xi32, #tpu.memory_space<vmem>>, %arg7: memref<40x128xi32, #tpu.memory_space<vmem>>, %arg8: memref<2x128x128xf32, #tpu.memory_space<vmem>>, %arg9: memref<10112x128xf32, #tpu.memory_space<vmem_shared>>, %arg10: memref<2x!tpu.dma_semaphore, #tpu.memory_space<semaphore_mem>>, %arg11: memref<2x!tpu.dma_semaphore, #tpu.memory_space<semaphore_mem>>) attributes {dimension_semantics = [#tpu.dimension_semantics<core_parallel>, #tpu.dimension_semantics<subcore_parallel>], iteration_bounds = array<i64: 2, 16>, scalar_prefetch = 0 : i64, scratch_operands = 6 : i64, tpu.core_type = #tpu.core_type<sc_vector_subcore>, window_params = [{transform_indices = #map}, {transform_indices = #map}, {transform_indices = #map1}, {transform_indices = #map}]} {
    %mul3A = arith.constant 16 : i32
    %mul3A_0 = arith.muli %arg0, %mul3A : i32
    %add3A = arith.addi %mul3A_0, %arg1 : i32
    %mul3A_1 = arith.constant 632 : i32
    %mul3A_2 = arith.muli %arg1, %mul3A_1 : i32
    %mul3A_3 = arith.constant 632 : i32
    %mul3A_4 = arith.muli %arg1, %mul3A_3 : i32
    "tpu.region"() ({
      %run_scoped3A = tpu.sem_alloc : memref<!tpu.dma_semaphore, #tpu.memory_space<semaphore_mem>>
      %dma_start3A_80 = arith.constant 0 : i32
      %dma_start3A_81 = tpu.memref_slice %arg9[%mul3A_4, %dma_start3A_80] : memref<10112x128xf32, #tpu.memory_space<vmem_shared>> -> memref<632x128xf32, #tpu.memory_space<vmem_shared>>
      %dma_start3A_82 = arith.constant 0 : i32
      %dma_start3A_83 = tpu.memref_slice %arg4[%mul3A_2, %dma_start3A_82] : memref<10112x128xf32, #tpu.memory_space<hbm>> -> memref<632x128xf32, #tpu.memory_space<hbm>>
      tpu.enqueue_dma source(%dma_start3A_83 : memref<632x128xf32, #tpu.memory_space<hbm>>) target(%dma_start3A_81 : memref<632x128xf32, #tpu.memory_space<vmem_shared>>) target_semaphore(%run_scoped3A : memref<!tpu.dma_semaphore, #tpu.memory_space<semaphore_mem>>)
      %dma_wait3A = arith.constant 0 : i32
      %dma_wait3A_84 = tpu.memref_slice %arg9[%mul3A_4, %dma_wait3A] : memref<10112x128xf32, #tpu.memory_space<vmem_shared>> -> memref<632x128xf32, #tpu.memory_space<vmem_shared>>
      %dma_wait3A_85 = arith.constant 0 : i32
      %dma_wait3A_86 = tpu.memref_slice %arg4[%mul3A_2, %dma_wait3A_85] : memref<10112x128xf32, #tpu.memory_space<hbm>> -> memref<632x128xf32, #tpu.memory_space<hbm>>
      tpu.wait_dma2 semaphore(%run_scoped3A : memref<!tpu.dma_semaphore, #tpu.memory_space<semaphore_mem>>) src(%dma_wait3A_86 : memref<632x128xf32, #tpu.memory_space<hbm>>) dst(%dma_wait3A_84 : memref<632x128xf32, #tpu.memory_space<vmem_shared>>)
      tpu.yield
    }) : () -> ()
    %barrier3A = arith.constant 0 : index
    tpu.barrier barrier_id(%barrier3A)
    "tpu.region"() ({
      %run_scoped3A = tpu.sem_alloc : memref<!tpu.dma_semaphore, #tpu.memory_space<semaphore_mem>>
      %dma_start3A_80 = arith.constant 0 : i32
      %dma_start3A_81 = arith.constant 0 : i32
      %dma_start3A_82 = tpu.memref_slice %arg2[%add3A, %dma_start3A_80, %dma_start3A_81] : memref<32x80x128xi32, #tpu.memory_space<hbm>> -> memref<1x40x128xi32, #tpu.memory_space<hbm>>
      %dma_start3A_83 = tpu.memref_squeeze %dma_start3A_82 : memref<1x40x128xi32, #tpu.memory_space<hbm>> -> memref<40x128xi32, #tpu.memory_space<hbm>>
      %dma_start3A_84 = arith.constant 0 : i32
      %dma_start3A_85 = arith.constant 0 : i32
      %dma_start3A_86 = tpu.memref_slice %arg2[%add3A, %dma_start3A_84, %dma_start3A_85] : memref<32x80x128xi32, #tpu.memory_space<hbm>> -> memref<1x40x128xi32, #tpu.memory_space<hbm>>
      %dma_start3A_87 = tpu.memref_squeeze %dma_start3A_86 : memref<1x40x128xi32, #tpu.memory_space<hbm>> -> memref<40x128xi32, #tpu.memory_space<hbm>>
      tpu.enqueue_dma source(%dma_start3A_87 : memref<40x128xi32, #tpu.memory_space<hbm>>) target(%arg6 : memref<40x128xi32, #tpu.memory_space<vmem>>) target_semaphore(%run_scoped3A : memref<!tpu.dma_semaphore, #tpu.memory_space<semaphore_mem>>)
      %dma_wait3A = arith.constant 0 : i32
      %dma_wait3A_88 = arith.constant 0 : i32
      %dma_wait3A_89 = tpu.memref_slice %arg2[%add3A, %dma_wait3A, %dma_wait3A_88] : memref<32x80x128xi32, #tpu.memory_space<hbm>> -> memref<1x40x128xi32, #tpu.memory_space<hbm>>
      %dma_wait3A_90 = tpu.memref_squeeze %dma_wait3A_89 : memref<1x40x128xi32, #tpu.memory_space<hbm>> -> memref<40x128xi32, #tpu.memory_space<hbm>>
      %dma_wait3A_91 = arith.constant 0 : i32
      %dma_wait3A_92 = arith.constant 0 : i32
      %dma_wait3A_93 = tpu.memref_slice %arg2[%add3A, %dma_wait3A_91, %dma_wait3A_92] : memref<32x80x128xi32, #tpu.memory_space<hbm>> -> memref<1x40x128xi32, #tpu.memory_space<hbm>>
      %dma_wait3A_94 = tpu.memref_squeeze %dma_wait3A_93 : memref<1x40x128xi32, #tpu.memory_space<hbm>> -> memref<40x128xi32, #tpu.memory_space<hbm>>
      tpu.wait_dma2 semaphore(%run_scoped3A : memref<!tpu.dma_semaphore, #tpu.memory_space<semaphore_mem>>) src(%dma_wait3A_94 : memref<40x128xi32, #tpu.memory_space<hbm>>) dst(%arg6 : memref<40x128xi32, #tpu.memory_space<vmem>>)
      tpu.yield
    }) : () -> ()
    "tpu.region"() ({
      %run_scoped3A = tpu.sem_alloc : memref<!tpu.dma_semaphore, #tpu.memory_space<semaphore_mem>>
      %dma_start3A_80 = arith.constant 0 : i32
      %dma_start3A_81 = arith.constant 0 : i32
      %dma_start3A_82 = tpu.memref_slice %arg3[%add3A, %dma_start3A_80, %dma_start3A_81] : memref<32x80x128xi32, #tpu.memory_space<hbm>> -> memref<1x40x128xi32, #tpu.memory_space<hbm>>
      %dma_start3A_83 = tpu.memref_squeeze %dma_start3A_82 : memref<1x40x128xi32, #tpu.memory_space<hbm>> -> memref<40x128xi32, #tpu.memory_space<hbm>>
      %dma_start3A_84 = arith.constant 0 : i32
      %dma_start3A_85 = arith.constant 0 : i32
      %dma_start3A_86 = tpu.memref_slice %arg3[%add3A, %dma_start3A_84, %dma_start3A_85] : memref<32x80x128xi32, #tpu.memory_space<hbm>> -> memref<1x40x128xi32, #tpu.memory_space<hbm>>
      %dma_start3A_87 = tpu.memref_squeeze %dma_start3A_86 : memref<1x40x128xi32, #tpu.memory_space<hbm>> -> memref<40x128xi32, #tpu.memory_space<hbm>>
      tpu.enqueue_dma source(%dma_start3A_87 : memref<40x128xi32, #tpu.memory_space<hbm>>) target(%arg7 : memref<40x128xi32, #tpu.memory_space<vmem>>) target_semaphore(%run_scoped3A : memref<!tpu.dma_semaphore, #tpu.memory_space<semaphore_mem>>)
      %dma_wait3A = arith.constant 0 : i32
      %dma_wait3A_88 = arith.constant 0 : i32
      %dma_wait3A_89 = tpu.memref_slice %arg3[%add3A, %dma_wait3A, %dma_wait3A_88] : memref<32x80x128xi32, #tpu.memory_space<hbm>> -> memref<1x40x128xi32, #tpu.memory_space<hbm>>
      %dma_wait3A_90 = tpu.memref_squeeze %dma_wait3A_89 : memref<1x40x128xi32, #tpu.memory_space<hbm>> -> memref<40x128xi32, #tpu.memory_space<hbm>>
      %dma_wait3A_91 = arith.constant 0 : i32
      %dma_wait3A_92 = arith.constant 0 : i32
      %dma_wait3A_93 = tpu.memref_slice %arg3[%add3A, %dma_wait3A_91, %dma_wait3A_92] : memref<32x80x128xi32, #tpu.memory_space<hbm>> -> memref<1x40x128xi32, #tpu.memory_space<hbm>>
      %dma_wait3A_94 = tpu.memref_squeeze %dma_wait3A_93 : memref<1x40x128xi32, #tpu.memory_space<hbm>> -> memref<40x128xi32, #tpu.memory_space<hbm>>
      tpu.wait_dma2 semaphore(%run_scoped3A : memref<!tpu.dma_semaphore, #tpu.memory_space<semaphore_mem>>) src(%dma_wait3A_94 : memref<40x128xi32, #tpu.memory_space<hbm>>) dst(%arg7 : memref<40x128xi32, #tpu.memory_space<vmem>>)
      tpu.yield
    }) : () -> ()
    %dma_start3A = arith.constant 0 : i32
    %dma_start3A_5 = arith.constant 0 : i32
    %dma_start3A_6 = arith.constant 0 : i32
    %dma_start3A_7 = arith.constant 0 : i32
    %dma_start3A_8 = arith.constant 0 : i32
    %dma_start3A_9 = tpu.memref_slice %arg8[%dma_start3A_5, %dma_start3A_7, %dma_start3A_8] : memref<2x128x128xf32, #tpu.memory_space<vmem>> -> memref<1x128x128xf32, #tpu.memory_space<vmem>>
    %dma_start3A_10 = tpu.memref_squeeze %dma_start3A_9 : memref<1x128x128xf32, #tpu.memory_space<vmem>> -> memref<128x128xf32, #tpu.memory_space<vmem>>
    %dma_start3A_11 = arith.constant 0 : i32
    %dma_start3A_12 = tpu.memref_slice %arg6[%dma_start3A, %dma_start3A_11] : memref<40x128xi32, #tpu.memory_space<vmem>> -> memref<1x128xi32, #tpu.memory_space<vmem>>
    %dma_start3A_13 = tpu.memref_squeeze %dma_start3A_12 : memref<1x128xi32, #tpu.memory_space<vmem>> -> memref<128xi32, #tpu.memory_space<vmem>>
    %dma_start3A_14 = arith.constant 0 : i32
    %dma_start3A_15 = arith.constant 0 : i32
    %dma_start3A_16 = tpu.memref_slice %arg4[%dma_start3A_14, %dma_start3A_15] : memref<10112x128xf32, #tpu.memory_space<hbm>> -> memref<10112x128xf32, #tpu.memory_space<hbm>>
    %dma_start3A_17 = tpu.memref_slice %arg10[%dma_start3A_6] : memref<2x!tpu.dma_semaphore, #tpu.memory_space<semaphore_mem>> -> memref<1x!tpu.dma_semaphore, #tpu.memory_space<semaphore_mem>>
    %dma_start3A_18 = tpu.memref_squeeze %dma_start3A_17 : memref<1x!tpu.dma_semaphore, #tpu.memory_space<semaphore_mem>> -> memref<!tpu.dma_semaphore, #tpu.memory_space<semaphore_mem>>
    tpu.enqueue_indirect_dma source(%dma_start3A_16 : memref<10112x128xf32, #tpu.memory_space<hbm>>) target(%dma_start3A_10 : memref<128x128xf32, #tpu.memory_space<vmem>>) offsets(%dma_start3A_13 : memref<128xi32, #tpu.memory_space<vmem>>) semaphore(%dma_start3A_18 : memref<!tpu.dma_semaphore, #tpu.memory_space<semaphore_mem>>)
    %dma_start3A_19 = arith.constant 1 : i32
    %dma_start3A_20 = arith.constant 1 : i32
    %dma_start3A_21 = arith.constant 1 : i32
    %dma_start3A_22 = arith.constant 0 : i32
    %dma_start3A_23 = arith.constant 0 : i32
    %dma_start3A_24 = tpu.memref_slice %arg8[%dma_start3A_20, %dma_start3A_22, %dma_start3A_23] : memref<2x128x128xf32, #tpu.memory_space<vmem>> -> memref<1x128x128xf32, #tpu.memory_space<vmem>>
    %dma_start3A_25 = tpu.memref_squeeze %dma_start3A_24 : memref<1x128x128xf32, #tpu.memory_space<vmem>> -> memref<128x128xf32, #tpu.memory_space<vmem>>
    %dma_start3A_26 = arith.constant 0 : i32
    %dma_start3A_27 = tpu.memref_slice %arg6[%dma_start3A_19, %dma_start3A_26] : memref<40x128xi32, #tpu.memory_space<vmem>> -> memref<1x128xi32, #tpu.memory_space<vmem>>
    %dma_start3A_28 = tpu.memref_squeeze %dma_start3A_27 : memref<1x128xi32, #tpu.memory_space<vmem>> -> memref<128xi32, #tpu.memory_space<vmem>>
    %dma_start3A_29 = arith.constant 0 : i32
    %dma_start3A_30 = arith.constant 0 : i32
    %dma_start3A_31 = tpu.memref_slice %arg4[%dma_start3A_29, %dma_start3A_30] : memref<10112x128xf32, #tpu.memory_space<hbm>> -> memref<10112x128xf32, #tpu.memory_space<hbm>>
    %dma_start3A_32 = tpu.memref_slice %arg10[%dma_start3A_21] : memref<2x!tpu.dma_semaphore, #tpu.memory_space<semaphore_mem>> -> memref<1x!tpu.dma_semaphore, #tpu.memory_space<semaphore_mem>>
    %dma_start3A_33 = tpu.memref_squeeze %dma_start3A_32 : memref<1x!tpu.dma_semaphore, #tpu.memory_space<semaphore_mem>> -> memref<!tpu.dma_semaphore, #tpu.memory_space<semaphore_mem>>
    tpu.enqueue_indirect_dma source(%dma_start3A_31 : memref<10112x128xf32, #tpu.memory_space<hbm>>) target(%dma_start3A_25 : memref<128x128xf32, #tpu.memory_space<vmem>>) offsets(%dma_start3A_28 : memref<128xi32, #tpu.memory_space<vmem>>) semaphore(%dma_start3A_33 : memref<!tpu.dma_semaphore, #tpu.memory_space<semaphore_mem>>)
    %scan3A = arith.constant 0 : i32
    %scan3A_34 = arith.constant 0 : i32
    %scan3A_35 = arith.constant 20 : i32
    %scan3A_36 = arith.addi %scan3A_34, %scan3A_35 : i32
    %scan3A_37 = arith.constant 1 : i32
    scf.for %scan3A_80 = %scan3A_34 to %scan3A_36 step %scan3A_37  : i32 {
      %mul3A_81 = arith.constant 2 : i32
      %mul3A_82 = arith.muli %scan3A_80, %mul3A_81 : i32
      %add3A_83 = arith.constant 0 : i32
      %add3A_84 = arith.addi %mul3A_82, %add3A_83 : i32
      %dma_wait3A = arith.constant 0 : i32
      %dma_wait3A_85 = arith.constant 0 : i32
      %dma_wait3A_86 = arith.constant 0 : i32
      %dma_wait3A_87 = arith.constant 0 : i32
      %dma_wait3A_88 = tpu.memref_slice %arg8[%dma_wait3A, %dma_wait3A_86, %dma_wait3A_87] : memref<2x128x128xf32, #tpu.memory_space<vmem>> -> memref<1x128x128xf32, #tpu.memory_space<vmem>>
      %dma_wait3A_89 = tpu.memref_squeeze %dma_wait3A_88 : memref<1x128x128xf32, #tpu.memory_space<vmem>> -> memref<128x128xf32, #tpu.memory_space<vmem>>
      %dma_wait3A_90 = arith.constant 0 : i32
      %dma_wait3A_91 = tpu.memref_slice %arg6[%add3A_84, %dma_wait3A_90] : memref<40x128xi32, #tpu.memory_space<vmem>> -> memref<1x128xi32, #tpu.memory_space<vmem>>
      %dma_wait3A_92 = tpu.memref_squeeze %dma_wait3A_91 : memref<1x128xi32, #tpu.memory_space<vmem>> -> memref<128xi32, #tpu.memory_space<vmem>>
      %dma_wait3A_93 = arith.constant 0 : i32
      %dma_wait3A_94 = arith.constant 0 : i32
      %dma_wait3A_95 = tpu.memref_slice %arg4[%dma_wait3A_93, %dma_wait3A_94] : memref<10112x128xf32, #tpu.memory_space<hbm>> -> memref<10112x128xf32, #tpu.memory_space<hbm>>
      %dma_wait3A_96 = tpu.memref_slice %arg10[%dma_wait3A_85] : memref<2x!tpu.dma_semaphore, #tpu.memory_space<semaphore_mem>> -> memref<1x!tpu.dma_semaphore, #tpu.memory_space<semaphore_mem>>
      %dma_wait3A_97 = tpu.memref_squeeze %dma_wait3A_96 : memref<1x!tpu.dma_semaphore, #tpu.memory_space<semaphore_mem>> -> memref<!tpu.dma_semaphore, #tpu.memory_space<semaphore_mem>>
      tpu.wait_indirect_dma semaphore(%dma_wait3A_97 : memref<!tpu.dma_semaphore, #tpu.memory_space<semaphore_mem>>) src(%dma_wait3A_95 : memref<10112x128xf32, #tpu.memory_space<hbm>>) dst(%dma_wait3A_89 : memref<128x128xf32, #tpu.memory_space<vmem>>)
      %dma_start3A_98 = arith.constant 0 : i32
      %dma_start3A_99 = arith.constant 0 : i32
      %dma_start3A_100 = arith.constant 0 : i32
      %dma_start3A_101 = arith.constant 0 : i32
      %dma_start3A_102 = tpu.memref_slice %arg8[%dma_start3A_98, %dma_start3A_100, %dma_start3A_101] : memref<2x128x128xf32, #tpu.memory_space<vmem>> -> memref<1x128x128xf32, #tpu.memory_space<vmem>>
      %dma_start3A_103 = tpu.memref_squeeze %dma_start3A_102 : memref<1x128x128xf32, #tpu.memory_space<vmem>> -> memref<128x128xf32, #tpu.memory_space<vmem>>
      %dma_start3A_104 = arith.constant 0 : i32
      %dma_start3A_105 = tpu.memref_slice %arg7[%add3A_84, %dma_start3A_104] : memref<40x128xi32, #tpu.memory_space<vmem>> -> memref<1x128xi32, #tpu.memory_space<vmem>>
      %dma_start3A_106 = tpu.memref_squeeze %dma_start3A_105 : memref<1x128xi32, #tpu.memory_space<vmem>> -> memref<128xi32, #tpu.memory_space<vmem>>
      %dma_start3A_107 = arith.constant 0 : i32
      %dma_start3A_108 = arith.constant 0 : i32
      %dma_start3A_109 = tpu.memref_slice %arg9[%dma_start3A_107, %dma_start3A_108] : memref<10112x128xf32, #tpu.memory_space<vmem_shared>> -> memref<10112x128xf32, #tpu.memory_space<vmem_shared>>
      %dma_start3A_110 = tpu.memref_slice %arg11[%dma_start3A_99] : memref<2x!tpu.dma_semaphore, #tpu.memory_space<semaphore_mem>> -> memref<1x!tpu.dma_semaphore, #tpu.memory_space<semaphore_mem>>
      %dma_start3A_111 = tpu.memref_squeeze %dma_start3A_110 : memref<1x!tpu.dma_semaphore, #tpu.memory_space<semaphore_mem>> -> memref<!tpu.dma_semaphore, #tpu.memory_space<semaphore_mem>>
      tpu.enqueue_indirect_dma source(%dma_start3A_103 : memref<128x128xf32, #tpu.memory_space<vmem>>) target(%dma_start3A_109 : memref<10112x128xf32, #tpu.memory_space<vmem_shared>>) offsets(%dma_start3A_106 : memref<128xi32, #tpu.memory_space<vmem>>) semaphore(%dma_start3A_111 : memref<!tpu.dma_semaphore, #tpu.memory_space<semaphore_mem>>) {add = true}
      %dma_wait3A_112 = arith.constant 0 : i32
      %dma_wait3A_113 = arith.constant 0 : i32
      %dma_wait3A_114 = arith.constant 0 : i32
      %dma_wait3A_115 = arith.constant 0 : i32
      %dma_wait3A_116 = tpu.memref_slice %arg8[%dma_wait3A_112, %dma_wait3A_114, %dma_wait3A_115] : memref<2x128x128xf32, #tpu.memory_space<vmem>> -> memref<1x128x128xf32, #tpu.memory_space<vmem>>
      %dma_wait3A_117 = tpu.memref_squeeze %dma_wait3A_116 : memref<1x128x128xf32, #tpu.memory_space<vmem>> -> memref<128x128xf32, #tpu.memory_space<vmem>>
      %dma_wait3A_118 = arith.constant 0 : i32
      %dma_wait3A_119 = tpu.memref_slice %arg7[%add3A_84, %dma_wait3A_118] : memref<40x128xi32, #tpu.memory_space<vmem>> -> memref<1x128xi32, #tpu.memory_space<vmem>>
      %dma_wait3A_120 = tpu.memref_squeeze %dma_wait3A_119 : memref<1x128xi32, #tpu.memory_space<vmem>> -> memref<128xi32, #tpu.memory_space<vmem>>
      %dma_wait3A_121 = arith.constant 0 : i32
      %dma_wait3A_122 = arith.constant 0 : i32
      %dma_wait3A_123 = tpu.memref_slice %arg9[%dma_wait3A_121, %dma_wait3A_122] : memref<10112x128xf32, #tpu.memory_space<vmem_shared>> -> memref<10112x128xf32, #tpu.memory_space<vmem_shared>>
      %dma_wait3A_124 = tpu.memref_slice %arg11[%dma_wait3A_113] : memref<2x!tpu.dma_semaphore, #tpu.memory_space<semaphore_mem>> -> memref<1x!tpu.dma_semaphore, #tpu.memory_space<semaphore_mem>>
      %dma_wait3A_125 = tpu.memref_squeeze %dma_wait3A_124 : memref<1x!tpu.dma_semaphore, #tpu.memory_space<semaphore_mem>> -> memref<!tpu.dma_semaphore, #tpu.memory_space<semaphore_mem>>
      tpu.wait_indirect_dma semaphore(%dma_wait3A_125 : memref<!tpu.dma_semaphore, #tpu.memory_space<semaphore_mem>>) src(%dma_wait3A_117 : memref<128x128xf32, #tpu.memory_space<vmem>>) dst(%dma_wait3A_123 : memref<10112x128xf32, #tpu.memory_space<vmem_shared>>)
      %add3A_126 = arith.constant 2 : i32
      %add3A_127 = arith.addi %add3A_84, %add3A_126 : i32
      %lt3A = arith.constant 40 : i32
      %lt3A_128 = arith.cmpi slt, %add3A_127, %lt3A : i32
      %convert_element_type3A = arith.extui %lt3A_128 : i1 to i32
      %cond3A = arith.constant 0 : i32
      %cond3A_129 = arith.cmpi ne, %convert_element_type3A, %cond3A : i32
      scf.if %cond3A_129 {
        %add3A_183 = arith.constant 2 : i32
        %add3A_184 = arith.addi %add3A_84, %add3A_183 : i32
        %dma_start3A_185 = arith.constant 0 : i32
        %dma_start3A_186 = arith.constant 0 : i32
        %dma_start3A_187 = arith.constant 0 : i32
        %dma_start3A_188 = arith.constant 0 : i32
        %dma_start3A_189 = tpu.memref_slice %arg8[%dma_start3A_185, %dma_start3A_187, %dma_start3A_188] : memref<2x128x128xf32, #tpu.memory_space<vmem>> -> memref<1x128x128xf32, #tpu.memory_space<vmem>>
        %dma_start3A_190 = tpu.memref_squeeze %dma_start3A_189 : memref<1x128x128xf32, #tpu.memory_space<vmem>> -> memref<128x128xf32, #tpu.memory_space<vmem>>
        %dma_start3A_191 = arith.constant 0 : i32
        %dma_start3A_192 = tpu.memref_slice %arg6[%add3A_184, %dma_start3A_191] : memref<40x128xi32, #tpu.memory_space<vmem>> -> memref<1x128xi32, #tpu.memory_space<vmem>>
        %dma_start3A_193 = tpu.memref_squeeze %dma_start3A_192 : memref<1x128xi32, #tpu.memory_space<vmem>> -> memref<128xi32, #tpu.memory_space<vmem>>
        %dma_start3A_194 = arith.constant 0 : i32
        %dma_start3A_195 = arith.constant 0 : i32
        %dma_start3A_196 = tpu.memref_slice %arg4[%dma_start3A_194, %dma_start3A_195] : memref<10112x128xf32, #tpu.memory_space<hbm>> -> memref<10112x128xf32, #tpu.memory_space<hbm>>
        %dma_start3A_197 = tpu.memref_slice %arg10[%dma_start3A_186] : memref<2x!tpu.dma_semaphore, #tpu.memory_space<semaphore_mem>> -> memref<1x!tpu.dma_semaphore, #tpu.memory_space<semaphore_mem>>
        %dma_start3A_198 = tpu.memref_squeeze %dma_start3A_197 : memref<1x!tpu.dma_semaphore, #tpu.memory_space<semaphore_mem>> -> memref<!tpu.dma_semaphore, #tpu.memory_space<semaphore_mem>>
        tpu.enqueue_indirect_dma source(%dma_start3A_196 : memref<10112x128xf32, #tpu.memory_space<hbm>>) target(%dma_start3A_190 : memref<128x128xf32, #tpu.memory_space<vmem>>) offsets(%dma_start3A_193 : memref<128xi32, #tpu.memory_space<vmem>>) semaphore(%dma_start3A_198 : memref<!tpu.dma_semaphore, #tpu.memory_space<semaphore_mem>>)
      } else {
      }
      %mul3A_130 = arith.constant 2 : i32
      %mul3A_131 = arith.muli %scan3A_80, %mul3A_130 : i32
      %add3A_132 = arith.constant 1 : i32
      %add3A_133 = arith.addi %mul3A_131, %add3A_132 : i32
      %dma_wait3A_134 = arith.constant 1 : i32
      %dma_wait3A_135 = arith.constant 1 : i32
      %dma_wait3A_136 = arith.constant 0 : i32
      %dma_wait3A_137 = arith.constant 0 : i32
      %dma_wait3A_138 = tpu.memref_slice %arg8[%dma_wait3A_134, %dma_wait3A_136, %dma_wait3A_137] : memref<2x128x128xf32, #tpu.memory_space<vmem>> -> memref<1x128x128xf32, #tpu.memory_space<vmem>>
      %dma_wait3A_139 = tpu.memref_squeeze %dma_wait3A_138 : memref<1x128x128xf32, #tpu.memory_space<vmem>> -> memref<128x128xf32, #tpu.memory_space<vmem>>
      %dma_wait3A_140 = arith.constant 0 : i32
      %dma_wait3A_141 = tpu.memref_slice %arg6[%add3A_133, %dma_wait3A_140] : memref<40x128xi32, #tpu.memory_space<vmem>> -> memref<1x128xi32, #tpu.memory_space<vmem>>
      %dma_wait3A_142 = tpu.memref_squeeze %dma_wait3A_141 : memref<1x128xi32, #tpu.memory_space<vmem>> -> memref<128xi32, #tpu.memory_space<vmem>>
      %dma_wait3A_143 = arith.constant 0 : i32
      %dma_wait3A_144 = arith.constant 0 : i32
      %dma_wait3A_145 = tpu.memref_slice %arg4[%dma_wait3A_143, %dma_wait3A_144] : memref<10112x128xf32, #tpu.memory_space<hbm>> -> memref<10112x128xf32, #tpu.memory_space<hbm>>
      %dma_wait3A_146 = tpu.memref_slice %arg10[%dma_wait3A_135] : memref<2x!tpu.dma_semaphore, #tpu.memory_space<semaphore_mem>> -> memref<1x!tpu.dma_semaphore, #tpu.memory_space<semaphore_mem>>
      %dma_wait3A_147 = tpu.memref_squeeze %dma_wait3A_146 : memref<1x!tpu.dma_semaphore, #tpu.memory_space<semaphore_mem>> -> memref<!tpu.dma_semaphore, #tpu.memory_space<semaphore_mem>>
      tpu.wait_indirect_dma semaphore(%dma_wait3A_147 : memref<!tpu.dma_semaphore, #tpu.memory_space<semaphore_mem>>) src(%dma_wait3A_145 : memref<10112x128xf32, #tpu.memory_space<hbm>>) dst(%dma_wait3A_139 : memref<128x128xf32, #tpu.memory_space<vmem>>)
      %dma_start3A_148 = arith.constant 1 : i32
      %dma_start3A_149 = arith.constant 1 : i32
      %dma_start3A_150 = arith.constant 0 : i32
      %dma_start3A_151 = arith.constant 0 : i32
      %dma_start3A_152 = tpu.memref_slice %arg8[%dma_start3A_148, %dma_start3A_150, %dma_start3A_151] : memref<2x128x128xf32, #tpu.memory_space<vmem>> -> memref<1x128x128xf32, #tpu.memory_space<vmem>>
      %dma_start3A_153 = tpu.memref_squeeze %dma_start3A_152 : memref<1x128x128xf32, #tpu.memory_space<vmem>> -> memref<128x128xf32, #tpu.memory_space<vmem>>
      %dma_start3A_154 = arith.constant 0 : i32
      %dma_start3A_155 = tpu.memref_slice %arg7[%add3A_133, %dma_start3A_154] : memref<40x128xi32, #tpu.memory_space<vmem>> -> memref<1x128xi32, #tpu.memory_space<vmem>>
      %dma_start3A_156 = tpu.memref_squeeze %dma_start3A_155 : memref<1x128xi32, #tpu.memory_space<vmem>> -> memref<128xi32, #tpu.memory_space<vmem>>
      %dma_start3A_157 = arith.constant 0 : i32
      %dma_start3A_158 = arith.constant 0 : i32
      %dma_start3A_159 = tpu.memref_slice %arg9[%dma_start3A_157, %dma_start3A_158] : memref<10112x128xf32, #tpu.memory_space<vmem_shared>> -> memref<10112x128xf32, #tpu.memory_space<vmem_shared>>
      %dma_start3A_160 = tpu.memref_slice %arg11[%dma_start3A_149] : memref<2x!tpu.dma_semaphore, #tpu.memory_space<semaphore_mem>> -> memref<1x!tpu.dma_semaphore, #tpu.memory_space<semaphore_mem>>
      %dma_start3A_161 = tpu.memref_squeeze %dma_start3A_160 : memref<1x!tpu.dma_semaphore, #tpu.memory_space<semaphore_mem>> -> memref<!tpu.dma_semaphore, #tpu.memory_space<semaphore_mem>>
      tpu.enqueue_indirect_dma source(%dma_start3A_153 : memref<128x128xf32, #tpu.memory_space<vmem>>) target(%dma_start3A_159 : memref<10112x128xf32, #tpu.memory_space<vmem_shared>>) offsets(%dma_start3A_156 : memref<128xi32, #tpu.memory_space<vmem>>) semaphore(%dma_start3A_161 : memref<!tpu.dma_semaphore, #tpu.memory_space<semaphore_mem>>) {add = true}
      %dma_wait3A_162 = arith.constant 1 : i32
      %dma_wait3A_163 = arith.constant 1 : i32
      %dma_wait3A_164 = arith.constant 0 : i32
      %dma_wait3A_165 = arith.constant 0 : i32
      %dma_wait3A_166 = tpu.memref_slice %arg8[%dma_wait3A_162, %dma_wait3A_164, %dma_wait3A_165] : memref<2x128x128xf32, #tpu.memory_space<vmem>> -> memref<1x128x128xf32, #tpu.memory_space<vmem>>
      %dma_wait3A_167 = tpu.memref_squeeze %dma_wait3A_166 : memref<1x128x128xf32, #tpu.memory_space<vmem>> -> memref<128x128xf32, #tpu.memory_space<vmem>>
      %dma_wait3A_168 = arith.constant 0 : i32
      %dma_wait3A_169 = tpu.memref_slice %arg7[%add3A_133, %dma_wait3A_168] : memref<40x128xi32, #tpu.memory_space<vmem>> -> memref<1x128xi32, #tpu.memory_space<vmem>>
      %dma_wait3A_170 = tpu.memref_squeeze %dma_wait3A_169 : memref<1x128xi32, #tpu.memory_space<vmem>> -> memref<128xi32, #tpu.memory_space<vmem>>
      %dma_wait3A_171 = arith.constant 0 : i32
      %dma_wait3A_172 = arith.constant 0 : i32
      %dma_wait3A_173 = tpu.memref_slice %arg9[%dma_wait3A_171, %dma_wait3A_172] : memref<10112x128xf32, #tpu.memory_space<vmem_shared>> -> memref<10112x128xf32, #tpu.memory_space<vmem_shared>>
      %dma_wait3A_174 = tpu.memref_slice %arg11[%dma_wait3A_163] : memref<2x!tpu.dma_semaphore, #tpu.memory_space<semaphore_mem>> -> memref<1x!tpu.dma_semaphore, #tpu.memory_space<semaphore_mem>>
      %dma_wait3A_175 = tpu.memref_squeeze %dma_wait3A_174 : memref<1x!tpu.dma_semaphore, #tpu.memory_space<semaphore_mem>> -> memref<!tpu.dma_semaphore, #tpu.memory_space<semaphore_mem>>
      tpu.wait_indirect_dma semaphore(%dma_wait3A_175 : memref<!tpu.dma_semaphore, #tpu.memory_space<semaphore_mem>>) src(%dma_wait3A_167 : memref<128x128xf32, #tpu.memory_space<vmem>>) dst(%dma_wait3A_173 : memref<10112x128xf32, #tpu.memory_space<vmem_shared>>)
      %add3A_176 = arith.constant 2 : i32
      %add3A_177 = arith.addi %add3A_133, %add3A_176 : i32
      %lt3A_178 = arith.constant 40 : i32
      %lt3A_179 = arith.cmpi slt, %add3A_177, %lt3A_178 : i32
      %convert_element_type3A_180 = arith.extui %lt3A_179 : i1 to i32
      %cond3A_181 = arith.constant 0 : i32
      %cond3A_182 = arith.cmpi ne, %convert_element_type3A_180, %cond3A_181 : i32
      scf.if %cond3A_182 {
        %add3A_183 = arith.constant 2 : i32
        %add3A_184 = arith.addi %add3A_133, %add3A_183 : i32
        %dma_start3A_185 = arith.constant 1 : i32
        %dma_start3A_186 = arith.constant 1 : i32
        %dma_start3A_187 = arith.constant 0 : i32
        %dma_start3A_188 = arith.constant 0 : i32
        %dma_start3A_189 = tpu.memref_slice %arg8[%dma_start3A_185, %dma_start3A_187, %dma_start3A_188] : memref<2x128x128xf32, #tpu.memory_space<vmem>> -> memref<1x128x128xf32, #tpu.memory_space<vmem>>
        %dma_start3A_190 = tpu.memref_squeeze %dma_start3A_189 : memref<1x128x128xf32, #tpu.memory_space<vmem>> -> memref<128x128xf32, #tpu.memory_space<vmem>>
        %dma_start3A_191 = arith.constant 0 : i32
        %dma_start3A_192 = tpu.memref_slice %arg6[%add3A_184, %dma_start3A_191] : memref<40x128xi32, #tpu.memory_space<vmem>> -> memref<1x128xi32, #tpu.memory_space<vmem>>
        %dma_start3A_193 = tpu.memref_squeeze %dma_start3A_192 : memref<1x128xi32, #tpu.memory_space<vmem>> -> memref<128xi32, #tpu.memory_space<vmem>>
        %dma_start3A_194 = arith.constant 0 : i32
        %dma_start3A_195 = arith.constant 0 : i32
        %dma_start3A_196 = tpu.memref_slice %arg4[%dma_start3A_194, %dma_start3A_195] : memref<10112x128xf32, #tpu.memory_space<hbm>> -> memref<10112x128xf32, #tpu.memory_space<hbm>>
        %dma_start3A_197 = tpu.memref_slice %arg10[%dma_start3A_186] : memref<2x!tpu.dma_semaphore, #tpu.memory_space<semaphore_mem>> -> memref<1x!tpu.dma_semaphore, #tpu.memory_space<semaphore_mem>>
        %dma_start3A_198 = tpu.memref_squeeze %dma_start3A_197 : memref<1x!tpu.dma_semaphore, #tpu.memory_space<semaphore_mem>> -> memref<!tpu.dma_semaphore, #tpu.memory_space<semaphore_mem>>
        tpu.enqueue_indirect_dma source(%dma_start3A_196 : memref<10112x128xf32, #tpu.memory_space<hbm>>) target(%dma_start3A_190 : memref<128x128xf32, #tpu.memory_space<vmem>>) offsets(%dma_start3A_193 : memref<128xi32, #tpu.memory_space<vmem>>) semaphore(%dma_start3A_198 : memref<!tpu.dma_semaphore, #tpu.memory_space<semaphore_mem>>)
      } else {
      }
    }
    %scan3A_38 = arith.constant 20 : i32
    "tpu.region"() ({
      %run_scoped3A = tpu.sem_alloc : memref<!tpu.dma_semaphore, #tpu.memory_space<semaphore_mem>>
      %dma_start3A_80 = arith.constant 40 : i32
      %dma_start3A_81 = arith.constant 0 : i32
      %dma_start3A_82 = tpu.memref_slice %arg2[%add3A, %dma_start3A_80, %dma_start3A_81] : memref<32x80x128xi32, #tpu.memory_space<hbm>> -> memref<1x40x128xi32, #tpu.memory_space<hbm>>
      %dma_start3A_83 = tpu.memref_squeeze %dma_start3A_82 : memref<1x40x128xi32, #tpu.memory_space<hbm>> -> memref<40x128xi32, #tpu.memory_space<hbm>>
      %dma_start3A_84 = arith.constant 40 : i32
      %dma_start3A_85 = arith.constant 0 : i32
      %dma_start3A_86 = tpu.memref_slice %arg2[%add3A, %dma_start3A_84, %dma_start3A_85] : memref<32x80x128xi32, #tpu.memory_space<hbm>> -> memref<1x40x128xi32, #tpu.memory_space<hbm>>
      %dma_start3A_87 = tpu.memref_squeeze %dma_start3A_86 : memref<1x40x128xi32, #tpu.memory_space<hbm>> -> memref<40x128xi32, #tpu.memory_space<hbm>>
      tpu.enqueue_dma source(%dma_start3A_87 : memref<40x128xi32, #tpu.memory_space<hbm>>) target(%arg6 : memref<40x128xi32, #tpu.memory_space<vmem>>) target_semaphore(%run_scoped3A : memref<!tpu.dma_semaphore, #tpu.memory_space<semaphore_mem>>)
      %dma_wait3A = arith.constant 40 : i32
      %dma_wait3A_88 = arith.constant 0 : i32
      %dma_wait3A_89 = tpu.memref_slice %arg2[%add3A, %dma_wait3A, %dma_wait3A_88] : memref<32x80x128xi32, #tpu.memory_space<hbm>> -> memref<1x40x128xi32, #tpu.memory_space<hbm>>
      %dma_wait3A_90 = tpu.memref_squeeze %dma_wait3A_89 : memref<1x40x128xi32, #tpu.memory_space<hbm>> -> memref<40x128xi32, #tpu.memory_space<hbm>>
      %dma_wait3A_91 = arith.constant 40 : i32
      %dma_wait3A_92 = arith.constant 0 : i32
      %dma_wait3A_93 = tpu.memref_slice %arg2[%add3A, %dma_wait3A_91, %dma_wait3A_92] : memref<32x80x128xi32, #tpu.memory_space<hbm>> -> memref<1x40x128xi32, #tpu.memory_space<hbm>>
      %dma_wait3A_94 = tpu.memref_squeeze %dma_wait3A_93 : memref<1x40x128xi32, #tpu.memory_space<hbm>> -> memref<40x128xi32, #tpu.memory_space<hbm>>
      tpu.wait_dma2 semaphore(%run_scoped3A : memref<!tpu.dma_semaphore, #tpu.memory_space<semaphore_mem>>) src(%dma_wait3A_94 : memref<40x128xi32, #tpu.memory_space<hbm>>) dst(%arg6 : memref<40x128xi32, #tpu.memory_space<vmem>>)
      tpu.yield
    }) : () -> ()
    "tpu.region"() ({
      %run_scoped3A = tpu.sem_alloc : memref<!tpu.dma_semaphore, #tpu.memory_space<semaphore_mem>>
      %dma_start3A_80 = arith.constant 40 : i32
      %dma_start3A_81 = arith.constant 0 : i32
      %dma_start3A_82 = tpu.memref_slice %arg3[%add3A, %dma_start3A_80, %dma_start3A_81] : memref<32x80x128xi32, #tpu.memory_space<hbm>> -> memref<1x40x128xi32, #tpu.memory_space<hbm>>
      %dma_start3A_83 = tpu.memref_squeeze %dma_start3A_82 : memref<1x40x128xi32, #tpu.memory_space<hbm>> -> memref<40x128xi32, #tpu.memory_space<hbm>>
      %dma_start3A_84 = arith.constant 40 : i32
      %dma_start3A_85 = arith.constant 0 : i32
      %dma_start3A_86 = tpu.memref_slice %arg3[%add3A, %dma_start3A_84, %dma_start3A_85] : memref<32x80x128xi32, #tpu.memory_space<hbm>> -> memref<1x40x128xi32, #tpu.memory_space<hbm>>
      %dma_start3A_87 = tpu.memref_squeeze %dma_start3A_86 : memref<1x40x128xi32, #tpu.memory_space<hbm>> -> memref<40x128xi32, #tpu.memory_space<hbm>>
      tpu.enqueue_dma source(%dma_start3A_87 : memref<40x128xi32, #tpu.memory_space<hbm>>) target(%arg7 : memref<40x128xi32, #tpu.memory_space<vmem>>) target_semaphore(%run_scoped3A : memref<!tpu.dma_semaphore, #tpu.memory_space<semaphore_mem>>)
      %dma_wait3A = arith.constant 40 : i32
      %dma_wait3A_88 = arith.constant 0 : i32
      %dma_wait3A_89 = tpu.memref_slice %arg3[%add3A, %dma_wait3A, %dma_wait3A_88] : memref<32x80x128xi32, #tpu.memory_space<hbm>> -> memref<1x40x128xi32, #tpu.memory_space<hbm>>
      %dma_wait3A_90 = tpu.memref_squeeze %dma_wait3A_89 : memref<1x40x128xi32, #tpu.memory_space<hbm>> -> memref<40x128xi32, #tpu.memory_space<hbm>>
      %dma_wait3A_91 = arith.constant 40 : i32
      %dma_wait3A_92 = arith.constant 0 : i32
      %dma_wait3A_93 = tpu.memref_slice %arg3[%add3A, %dma_wait3A_91, %dma_wait3A_92] : memref<32x80x128xi32, #tpu.memory_space<hbm>> -> memref<1x40x128xi32, #tpu.memory_space<hbm>>
      %dma_wait3A_94 = tpu.memref_squeeze %dma_wait3A_93 : memref<1x40x128xi32, #tpu.memory_space<hbm>> -> memref<40x128xi32, #tpu.memory_space<hbm>>
      tpu.wait_dma2 semaphore(%run_scoped3A : memref<!tpu.dma_semaphore, #tpu.memory_space<semaphore_mem>>) src(%dma_wait3A_94 : memref<40x128xi32, #tpu.memory_space<hbm>>) dst(%arg7 : memref<40x128xi32, #tpu.memory_space<vmem>>)
      tpu.yield
    }) : () -> ()
    %dma_start3A_39 = arith.constant 0 : i32
    %dma_start3A_40 = arith.constant 0 : i32
    %dma_start3A_41 = arith.constant 0 : i32
    %dma_start3A_42 = arith.constant 0 : i32
    %dma_start3A_43 = arith.constant 0 : i32
    %dma_start3A_44 = tpu.memref_slice %arg8[%dma_start3A_40, %dma_start3A_42, %dma_start3A_43] : memref<2x128x128xf32, #tpu.memory_space<vmem>> -> memref<1x128x128xf32, #tpu.memory_space<vmem>>
    %dma_start3A_45 = tpu.memref_squeeze %dma_start3A_44 : memref<1x128x128xf32, #tpu.memory_space<vmem>> -> memref<128x128xf32, #tpu.memory_space<vmem>>
    %dma_start3A_46 = arith.constant 0 : i32
    %dma_start3A_47 = tpu.memref_slice %arg6[%dma_start3A_39, %dma_start3A_46] : memref<40x128xi32, #tpu.memory_space<vmem>> -> memref<1x128xi32, #tpu.memory_space<vmem>>
    %dma_start3A_48 = tpu.memref_squeeze %dma_start3A_47 : memref<1x128xi32, #tpu.memory_space<vmem>> -> memref<128xi32, #tpu.memory_space<vmem>>
    %dma_start3A_49 = arith.constant 0 : i32
    %dma_start3A_50 = arith.constant 0 : i32
    %dma_start3A_51 = tpu.memref_slice %arg4[%dma_start3A_49, %dma_start3A_50] : memref<10112x128xf32, #tpu.memory_space<hbm>> -> memref<10112x128xf32, #tpu.memory_space<hbm>>
    %dma_start3A_52 = tpu.memref_slice %arg10[%dma_start3A_41] : memref<2x!tpu.dma_semaphore, #tpu.memory_space<semaphore_mem>> -> memref<1x!tpu.dma_semaphore, #tpu.memory_space<semaphore_mem>>
    %dma_start3A_53 = tpu.memref_squeeze %dma_start3A_52 : memref<1x!tpu.dma_semaphore, #tpu.memory_space<semaphore_mem>> -> memref<!tpu.dma_semaphore, #tpu.memory_space<semaphore_mem>>
    tpu.enqueue_indirect_dma source(%dma_start3A_51 : memref<10112x128xf32, #tpu.memory_space<hbm>>) target(%dma_start3A_45 : memref<128x128xf32, #tpu.memory_space<vmem>>) offsets(%dma_start3A_48 : memref<128xi32, #tpu.memory_space<vmem>>) semaphore(%dma_start3A_53 : memref<!tpu.dma_semaphore, #tpu.memory_space<semaphore_mem>>)
    %dma_start3A_54 = arith.constant 1 : i32
    %dma_start3A_55 = arith.constant 1 : i32
    %dma_start3A_56 = arith.constant 1 : i32
    %dma_start3A_57 = arith.constant 0 : i32
    %dma_start3A_58 = arith.constant 0 : i32
    %dma_start3A_59 = tpu.memref_slice %arg8[%dma_start3A_55, %dma_start3A_57, %dma_start3A_58] : memref<2x128x128xf32, #tpu.memory_space<vmem>> -> memref<1x128x128xf32, #tpu.memory_space<vmem>>
    %dma_start3A_60 = tpu.memref_squeeze %dma_start3A_59 : memref<1x128x128xf32, #tpu.memory_space<vmem>> -> memref<128x128xf32, #tpu.memory_space<vmem>>
    %dma_start3A_61 = arith.constant 0 : i32
    %dma_start3A_62 = tpu.memref_slice %arg6[%dma_start3A_54, %dma_start3A_61] : memref<40x128xi32, #tpu.memory_space<vmem>> -> memref<1x128xi32, #tpu.memory_space<vmem>>
    %dma_start3A_63 = tpu.memref_squeeze %dma_start3A_62 : memref<1x128xi32, #tpu.memory_space<vmem>> -> memref<128xi32, #tpu.memory_space<vmem>>
    %dma_start3A_64 = arith.constant 0 : i32
    %dma_start3A_65 = arith.constant 0 : i32
    %dma_start3A_66 = tpu.memref_slice %arg4[%dma_start3A_64, %dma_start3A_65] : memref<10112x128xf32, #tpu.memory_space<hbm>> -> memref<10112x128xf32, #tpu.memory_space<hbm>>
    %dma_start3A_67 = tpu.memref_slice %arg10[%dma_start3A_56] : memref<2x!tpu.dma_semaphore, #tpu.memory_space<semaphore_mem>> -> memref<1x!tpu.dma_semaphore, #tpu.memory_space<semaphore_mem>>
    %dma_start3A_68 = tpu.memref_squeeze %dma_start3A_67 : memref<1x!tpu.dma_semaphore, #tpu.memory_space<semaphore_mem>> -> memref<!tpu.dma_semaphore, #tpu.memory_space<semaphore_mem>>
    tpu.enqueue_indirect_dma source(%dma_start3A_66 : memref<10112x128xf32, #tpu.memory_space<hbm>>) target(%dma_start3A_60 : memref<128x128xf32, #tpu.memory_space<vmem>>) offsets(%dma_start3A_63 : memref<128xi32, #tpu.memory_space<vmem>>) semaphore(%dma_start3A_68 : memref<!tpu.dma_semaphore, #tpu.memory_space<semaphore_mem>>)
    %scan3A_69 = arith.constant 0 : i32
    %scan3A_70 = arith.constant 0 : i32
    %scan3A_71 = arith.constant 20 : i32
    %scan3A_72 = arith.addi %scan3A_70, %scan3A_71 : i32
    %scan3A_73 = arith.constant 1 : i32
    scf.for %scan3A_80 = %scan3A_70 to %scan3A_72 step %scan3A_73  : i32 {
      %mul3A_81 = arith.constant 2 : i32
      %mul3A_82 = arith.muli %scan3A_80, %mul3A_81 : i32
      %add3A_83 = arith.constant 0 : i32
      %add3A_84 = arith.addi %mul3A_82, %add3A_83 : i32
      %dma_wait3A = arith.constant 0 : i32
      %dma_wait3A_85 = arith.constant 0 : i32
      %dma_wait3A_86 = arith.constant 0 : i32
      %dma_wait3A_87 = arith.constant 0 : i32
      %dma_wait3A_88 = tpu.memref_slice %arg8[%dma_wait3A, %dma_wait3A_86, %dma_wait3A_87] : memref<2x128x128xf32, #tpu.memory_space<vmem>> -> memref<1x128x128xf32, #tpu.memory_space<vmem>>
      %dma_wait3A_89 = tpu.memref_squeeze %dma_wait3A_88 : memref<1x128x128xf32, #tpu.memory_space<vmem>> -> memref<128x128xf32, #tpu.memory_space<vmem>>
      %dma_wait3A_90 = arith.constant 0 : i32
      %dma_wait3A_91 = tpu.memref_slice %arg6[%add3A_84, %dma_wait3A_90] : memref<40x128xi32, #tpu.memory_space<vmem>> -> memref<1x128xi32, #tpu.memory_space<vmem>>
      %dma_wait3A_92 = tpu.memref_squeeze %dma_wait3A_91 : memref<1x128xi32, #tpu.memory_space<vmem>> -> memref<128xi32, #tpu.memory_space<vmem>>
      %dma_wait3A_93 = arith.constant 0 : i32
      %dma_wait3A_94 = arith.constant 0 : i32
      %dma_wait3A_95 = tpu.memref_slice %arg4[%dma_wait3A_93, %dma_wait3A_94] : memref<10112x128xf32, #tpu.memory_space<hbm>> -> memref<10112x128xf32, #tpu.memory_space<hbm>>
      %dma_wait3A_96 = tpu.memref_slice %arg10[%dma_wait3A_85] : memref<2x!tpu.dma_semaphore, #tpu.memory_space<semaphore_mem>> -> memref<1x!tpu.dma_semaphore, #tpu.memory_space<semaphore_mem>>
      %dma_wait3A_97 = tpu.memref_squeeze %dma_wait3A_96 : memref<1x!tpu.dma_semaphore, #tpu.memory_space<semaphore_mem>> -> memref<!tpu.dma_semaphore, #tpu.memory_space<semaphore_mem>>
      tpu.wait_indirect_dma semaphore(%dma_wait3A_97 : memref<!tpu.dma_semaphore, #tpu.memory_space<semaphore_mem>>) src(%dma_wait3A_95 : memref<10112x128xf32, #tpu.memory_space<hbm>>) dst(%dma_wait3A_89 : memref<128x128xf32, #tpu.memory_space<vmem>>)
      %dma_start3A_98 = arith.constant 0 : i32
      %dma_start3A_99 = arith.constant 0 : i32
      %dma_start3A_100 = arith.constant 0 : i32
      %dma_start3A_101 = arith.constant 0 : i32
      %dma_start3A_102 = tpu.memref_slice %arg8[%dma_start3A_98, %dma_start3A_100, %dma_start3A_101] : memref<2x128x128xf32, #tpu.memory_space<vmem>> -> memref<1x128x128xf32, #tpu.memory_space<vmem>>
      %dma_start3A_103 = tpu.memref_squeeze %dma_start3A_102 : memref<1x128x128xf32, #tpu.memory_space<vmem>> -> memref<128x128xf32, #tpu.memory_space<vmem>>
      %dma_start3A_104 = arith.constant 0 : i32
      %dma_start3A_105 = tpu.memref_slice %arg7[%add3A_84, %dma_start3A_104] : memref<40x128xi32, #tpu.memory_space<vmem>> -> memref<1x128xi32, #tpu.memory_space<vmem>>
      %dma_start3A_106 = tpu.memref_squeeze %dma_start3A_105 : memref<1x128xi32, #tpu.memory_space<vmem>> -> memref<128xi32, #tpu.memory_space<vmem>>
      %dma_start3A_107 = arith.constant 0 : i32
      %dma_start3A_108 = arith.constant 0 : i32
      %dma_start3A_109 = tpu.memref_slice %arg9[%dma_start3A_107, %dma_start3A_108] : memref<10112x128xf32, #tpu.memory_space<vmem_shared>> -> memref<10112x128xf32, #tpu.memory_space<vmem_shared>>
      %dma_start3A_110 = tpu.memref_slice %arg11[%dma_start3A_99] : memref<2x!tpu.dma_semaphore, #tpu.memory_space<semaphore_mem>> -> memref<1x!tpu.dma_semaphore, #tpu.memory_space<semaphore_mem>>
      %dma_start3A_111 = tpu.memref_squeeze %dma_start3A_110 : memref<1x!tpu.dma_semaphore, #tpu.memory_space<semaphore_mem>> -> memref<!tpu.dma_semaphore, #tpu.memory_space<semaphore_mem>>
      tpu.enqueue_indirect_dma source(%dma_start3A_103 : memref<128x128xf32, #tpu.memory_space<vmem>>) target(%dma_start3A_109 : memref<10112x128xf32, #tpu.memory_space<vmem_shared>>) offsets(%dma_start3A_106 : memref<128xi32, #tpu.memory_space<vmem>>) semaphore(%dma_start3A_111 : memref<!tpu.dma_semaphore, #tpu.memory_space<semaphore_mem>>) {add = true}
      %dma_wait3A_112 = arith.constant 0 : i32
      %dma_wait3A_113 = arith.constant 0 : i32
      %dma_wait3A_114 = arith.constant 0 : i32
      %dma_wait3A_115 = arith.constant 0 : i32
      %dma_wait3A_116 = tpu.memref_slice %arg8[%dma_wait3A_112, %dma_wait3A_114, %dma_wait3A_115] : memref<2x128x128xf32, #tpu.memory_space<vmem>> -> memref<1x128x128xf32, #tpu.memory_space<vmem>>
      %dma_wait3A_117 = tpu.memref_squeeze %dma_wait3A_116 : memref<1x128x128xf32, #tpu.memory_space<vmem>> -> memref<128x128xf32, #tpu.memory_space<vmem>>
      %dma_wait3A_118 = arith.constant 0 : i32
      %dma_wait3A_119 = tpu.memref_slice %arg7[%add3A_84, %dma_wait3A_118] : memref<40x128xi32, #tpu.memory_space<vmem>> -> memref<1x128xi32, #tpu.memory_space<vmem>>
      %dma_wait3A_120 = tpu.memref_squeeze %dma_wait3A_119 : memref<1x128xi32, #tpu.memory_space<vmem>> -> memref<128xi32, #tpu.memory_space<vmem>>
      %dma_wait3A_121 = arith.constant 0 : i32
      %dma_wait3A_122 = arith.constant 0 : i32
      %dma_wait3A_123 = tpu.memref_slice %arg9[%dma_wait3A_121, %dma_wait3A_122] : memref<10112x128xf32, #tpu.memory_space<vmem_shared>> -> memref<10112x128xf32, #tpu.memory_space<vmem_shared>>
      %dma_wait3A_124 = tpu.memref_slice %arg11[%dma_wait3A_113] : memref<2x!tpu.dma_semaphore, #tpu.memory_space<semaphore_mem>> -> memref<1x!tpu.dma_semaphore, #tpu.memory_space<semaphore_mem>>
      %dma_wait3A_125 = tpu.memref_squeeze %dma_wait3A_124 : memref<1x!tpu.dma_semaphore, #tpu.memory_space<semaphore_mem>> -> memref<!tpu.dma_semaphore, #tpu.memory_space<semaphore_mem>>
      tpu.wait_indirect_dma semaphore(%dma_wait3A_125 : memref<!tpu.dma_semaphore, #tpu.memory_space<semaphore_mem>>) src(%dma_wait3A_117 : memref<128x128xf32, #tpu.memory_space<vmem>>) dst(%dma_wait3A_123 : memref<10112x128xf32, #tpu.memory_space<vmem_shared>>)
      %add3A_126 = arith.constant 2 : i32
      %add3A_127 = arith.addi %add3A_84, %add3A_126 : i32
      %lt3A = arith.constant 40 : i32
      %lt3A_128 = arith.cmpi slt, %add3A_127, %lt3A : i32
      %convert_element_type3A = arith.extui %lt3A_128 : i1 to i32
      %cond3A = arith.constant 0 : i32
      %cond3A_129 = arith.cmpi ne, %convert_element_type3A, %cond3A : i32
      scf.if %cond3A_129 {
        %add3A_183 = arith.constant 2 : i32
        %add3A_184 = arith.addi %add3A_84, %add3A_183 : i32
        %dma_start3A_185 = arith.constant 0 : i32
        %dma_start3A_186 = arith.constant 0 : i32
        %dma_start3A_187 = arith.constant 0 : i32
        %dma_start3A_188 = arith.constant 0 : i32
        %dma_start3A_189 = tpu.memref_slice %arg8[%dma_start3A_185, %dma_start3A_187, %dma_start3A_188] : memref<2x128x128xf32, #tpu.memory_space<vmem>> -> memref<1x128x128xf32, #tpu.memory_space<vmem>>
        %dma_start3A_190 = tpu.memref_squeeze %dma_start3A_189 : memref<1x128x128xf32, #tpu.memory_space<vmem>> -> memref<128x128xf32, #tpu.memory_space<vmem>>
        %dma_start3A_191 = arith.constant 0 : i32
        %dma_start3A_192 = tpu.memref_slice %arg6[%add3A_184, %dma_start3A_191] : memref<40x128xi32, #tpu.memory_space<vmem>> -> memref<1x128xi32, #tpu.memory_space<vmem>>
        %dma_start3A_193 = tpu.memref_squeeze %dma_start3A_192 : memref<1x128xi32, #tpu.memory_space<vmem>> -> memref<128xi32, #tpu.memory_space<vmem>>
        %dma_start3A_194 = arith.constant 0 : i32
        %dma_start3A_195 = arith.constant 0 : i32
        %dma_start3A_196 = tpu.memref_slice %arg4[%dma_start3A_194, %dma_start3A_195] : memref<10112x128xf32, #tpu.memory_space<hbm>> -> memref<10112x128xf32, #tpu.memory_space<hbm>>
        %dma_start3A_197 = tpu.memref_slice %arg10[%dma_start3A_186] : memref<2x!tpu.dma_semaphore, #tpu.memory_space<semaphore_mem>> -> memref<1x!tpu.dma_semaphore, #tpu.memory_space<semaphore_mem>>
        %dma_start3A_198 = tpu.memref_squeeze %dma_start3A_197 : memref<1x!tpu.dma_semaphore, #tpu.memory_space<semaphore_mem>> -> memref<!tpu.dma_semaphore, #tpu.memory_space<semaphore_mem>>
        tpu.enqueue_indirect_dma source(%dma_start3A_196 : memref<10112x128xf32, #tpu.memory_space<hbm>>) target(%dma_start3A_190 : memref<128x128xf32, #tpu.memory_space<vmem>>) offsets(%dma_start3A_193 : memref<128xi32, #tpu.memory_space<vmem>>) semaphore(%dma_start3A_198 : memref<!tpu.dma_semaphore, #tpu.memory_space<semaphore_mem>>)
      } else {
      }
      %mul3A_130 = arith.constant 2 : i32
      %mul3A_131 = arith.muli %scan3A_80, %mul3A_130 : i32
      %add3A_132 = arith.constant 1 : i32
      %add3A_133 = arith.addi %mul3A_131, %add3A_132 : i32
      %dma_wait3A_134 = arith.constant 1 : i32
      %dma_wait3A_135 = arith.constant 1 : i32
      %dma_wait3A_136 = arith.constant 0 : i32
      %dma_wait3A_137 = arith.constant 0 : i32
      %dma_wait3A_138 = tpu.memref_slice %arg8[%dma_wait3A_134, %dma_wait3A_136, %dma_wait3A_137] : memref<2x128x128xf32, #tpu.memory_space<vmem>> -> memref<1x128x128xf32, #tpu.memory_space<vmem>>
      %dma_wait3A_139 = tpu.memref_squeeze %dma_wait3A_138 : memref<1x128x128xf32, #tpu.memory_space<vmem>> -> memref<128x128xf32, #tpu.memory_space<vmem>>
      %dma_wait3A_140 = arith.constant 0 : i32
      %dma_wait3A_141 = tpu.memref_slice %arg6[%add3A_133, %dma_wait3A_140] : memref<40x128xi32, #tpu.memory_space<vmem>> -> memref<1x128xi32, #tpu.memory_space<vmem>>
      %dma_wait3A_142 = tpu.memref_squeeze %dma_wait3A_141 : memref<1x128xi32, #tpu.memory_space<vmem>> -> memref<128xi32, #tpu.memory_space<vmem>>
      %dma_wait3A_143 = arith.constant 0 : i32
      %dma_wait3A_144 = arith.constant 0 : i32
      %dma_wait3A_145 = tpu.memref_slice %arg4[%dma_wait3A_143, %dma_wait3A_144] : memref<10112x128xf32, #tpu.memory_space<hbm>> -> memref<10112x128xf32, #tpu.memory_space<hbm>>
      %dma_wait3A_146 = tpu.memref_slice %arg10[%dma_wait3A_135] : memref<2x!tpu.dma_semaphore, #tpu.memory_space<semaphore_mem>> -> memref<1x!tpu.dma_semaphore, #tpu.memory_space<semaphore_mem>>
      %dma_wait3A_147 = tpu.memref_squeeze %dma_wait3A_146 : memref<1x!tpu.dma_semaphore, #tpu.memory_space<semaphore_mem>> -> memref<!tpu.dma_semaphore, #tpu.memory_space<semaphore_mem>>
      tpu.wait_indirect_dma semaphore(%dma_wait3A_147 : memref<!tpu.dma_semaphore, #tpu.memory_space<semaphore_mem>>) src(%dma_wait3A_145 : memref<10112x128xf32, #tpu.memory_space<hbm>>) dst(%dma_wait3A_139 : memref<128x128xf32, #tpu.memory_space<vmem>>)
      %dma_start3A_148 = arith.constant 1 : i32
      %dma_start3A_149 = arith.constant 1 : i32
      %dma_start3A_150 = arith.constant 0 : i32
      %dma_start3A_151 = arith.constant 0 : i32
      %dma_start3A_152 = tpu.memref_slice %arg8[%dma_start3A_148, %dma_start3A_150, %dma_start3A_151] : memref<2x128x128xf32, #tpu.memory_space<vmem>> -> memref<1x128x128xf32, #tpu.memory_space<vmem>>
      %dma_start3A_153 = tpu.memref_squeeze %dma_start3A_152 : memref<1x128x128xf32, #tpu.memory_space<vmem>> -> memref<128x128xf32, #tpu.memory_space<vmem>>
      %dma_start3A_154 = arith.constant 0 : i32
      %dma_start3A_155 = tpu.memref_slice %arg7[%add3A_133, %dma_start3A_154] : memref<40x128xi32, #tpu.memory_space<vmem>> -> memref<1x128xi32, #tpu.memory_space<vmem>>
      %dma_start3A_156 = tpu.memref_squeeze %dma_start3A_155 : memref<1x128xi32, #tpu.memory_space<vmem>> -> memref<128xi32, #tpu.memory_space<vmem>>
      %dma_start3A_157 = arith.constant 0 : i32
      %dma_start3A_158 = arith.constant 0 : i32
      %dma_start3A_159 = tpu.memref_slice %arg9[%dma_start3A_157, %dma_start3A_158] : memref<10112x128xf32, #tpu.memory_space<vmem_shared>> -> memref<10112x128xf32, #tpu.memory_space<vmem_shared>>
      %dma_start3A_160 = tpu.memref_slice %arg11[%dma_start3A_149] : memref<2x!tpu.dma_semaphore, #tpu.memory_space<semaphore_mem>> -> memref<1x!tpu.dma_semaphore, #tpu.memory_space<semaphore_mem>>
      %dma_start3A_161 = tpu.memref_squeeze %dma_start3A_160 : memref<1x!tpu.dma_semaphore, #tpu.memory_space<semaphore_mem>> -> memref<!tpu.dma_semaphore, #tpu.memory_space<semaphore_mem>>
      tpu.enqueue_indirect_dma source(%dma_start3A_153 : memref<128x128xf32, #tpu.memory_space<vmem>>) target(%dma_start3A_159 : memref<10112x128xf32, #tpu.memory_space<vmem_shared>>) offsets(%dma_start3A_156 : memref<128xi32, #tpu.memory_space<vmem>>) semaphore(%dma_start3A_161 : memref<!tpu.dma_semaphore, #tpu.memory_space<semaphore_mem>>) {add = true}
      %dma_wait3A_162 = arith.constant 1 : i32
      %dma_wait3A_163 = arith.constant 1 : i32
      %dma_wait3A_164 = arith.constant 0 : i32
      %dma_wait3A_165 = arith.constant 0 : i32
      %dma_wait3A_166 = tpu.memref_slice %arg8[%dma_wait3A_162, %dma_wait3A_164, %dma_wait3A_165] : memref<2x128x128xf32, #tpu.memory_space<vmem>> -> memref<1x128x128xf32, #tpu.memory_space<vmem>>
      %dma_wait3A_167 = tpu.memref_squeeze %dma_wait3A_166 : memref<1x128x128xf32, #tpu.memory_space<vmem>> -> memref<128x128xf32, #tpu.memory_space<vmem>>
      %dma_wait3A_168 = arith.constant 0 : i32
      %dma_wait3A_169 = tpu.memref_slice %arg7[%add3A_133, %dma_wait3A_168] : memref<40x128xi32, #tpu.memory_space<vmem>> -> memref<1x128xi32, #tpu.memory_space<vmem>>
      %dma_wait3A_170 = tpu.memref_squeeze %dma_wait3A_169 : memref<1x128xi32, #tpu.memory_space<vmem>> -> memref<128xi32, #tpu.memory_space<vmem>>
      %dma_wait3A_171 = arith.constant 0 : i32
      %dma_wait3A_172 = arith.constant 0 : i32
      %dma_wait3A_173 = tpu.memref_slice %arg9[%dma_wait3A_171, %dma_wait3A_172] : memref<10112x128xf32, #tpu.memory_space<vmem_shared>> -> memref<10112x128xf32, #tpu.memory_space<vmem_shared>>
      %dma_wait3A_174 = tpu.memref_slice %arg11[%dma_wait3A_163] : memref<2x!tpu.dma_semaphore, #tpu.memory_space<semaphore_mem>> -> memref<1x!tpu.dma_semaphore, #tpu.memory_space<semaphore_mem>>
      %dma_wait3A_175 = tpu.memref_squeeze %dma_wait3A_174 : memref<1x!tpu.dma_semaphore, #tpu.memory_space<semaphore_mem>> -> memref<!tpu.dma_semaphore, #tpu.memory_space<semaphore_mem>>
      tpu.wait_indirect_dma semaphore(%dma_wait3A_175 : memref<!tpu.dma_semaphore, #tpu.memory_space<semaphore_mem>>) src(%dma_wait3A_167 : memref<128x128xf32, #tpu.memory_space<vmem>>) dst(%dma_wait3A_173 : memref<10112x128xf32, #tpu.memory_space<vmem_shared>>)
      %add3A_176 = arith.constant 2 : i32
      %add3A_177 = arith.addi %add3A_133, %add3A_176 : i32
      %lt3A_178 = arith.constant 40 : i32
      %lt3A_179 = arith.cmpi slt, %add3A_177, %lt3A_178 : i32
      %convert_element_type3A_180 = arith.extui %lt3A_179 : i1 to i32
      %cond3A_181 = arith.constant 0 : i32
      %cond3A_182 = arith.cmpi ne, %convert_element_type3A_180, %cond3A_181 : i32
      scf.if %cond3A_182 {
        %add3A_183 = arith.constant 2 : i32
        %add3A_184 = arith.addi %add3A_133, %add3A_183 : i32
        %dma_start3A_185 = arith.constant 1 : i32
        %dma_start3A_186 = arith.constant 1 : i32
        %dma_start3A_187 = arith.constant 0 : i32
        %dma_start3A_188 = arith.constant 0 : i32
        %dma_start3A_189 = tpu.memref_slice %arg8[%dma_start3A_185, %dma_start3A_187, %dma_start3A_188] : memref<2x128x128xf32, #tpu.memory_space<vmem>> -> memref<1x128x128xf32, #tpu.memory_space<vmem>>
        %dma_start3A_190 = tpu.memref_squeeze %dma_start3A_189 : memref<1x128x128xf32, #tpu.memory_space<vmem>> -> memref<128x128xf32, #tpu.memory_space<vmem>>
        %dma_start3A_191 = arith.constant 0 : i32
        %dma_start3A_192 = tpu.memref_slice %arg6[%add3A_184, %dma_start3A_191] : memref<40x128xi32, #tpu.memory_space<vmem>> -> memref<1x128xi32, #tpu.memory_space<vmem>>
        %dma_start3A_193 = tpu.memref_squeeze %dma_start3A_192 : memref<1x128xi32, #tpu.memory_space<vmem>> -> memref<128xi32, #tpu.memory_space<vmem>>
        %dma_start3A_194 = arith.constant 0 : i32
        %dma_start3A_195 = arith.constant 0 : i32
        %dma_start3A_196 = tpu.memref_slice %arg4[%dma_start3A_194, %dma_start3A_195] : memref<10112x128xf32, #tpu.memory_space<hbm>> -> memref<10112x128xf32, #tpu.memory_space<hbm>>
        %dma_start3A_197 = tpu.memref_slice %arg10[%dma_start3A_186] : memref<2x!tpu.dma_semaphore, #tpu.memory_space<semaphore_mem>> -> memref<1x!tpu.dma_semaphore, #tpu.memory_space<semaphore_mem>>
        %dma_start3A_198 = tpu.memref_squeeze %dma_start3A_197 : memref<1x!tpu.dma_semaphore, #tpu.memory_space<semaphore_mem>> -> memref<!tpu.dma_semaphore, #tpu.memory_space<semaphore_mem>>
        tpu.enqueue_indirect_dma source(%dma_start3A_196 : memref<10112x128xf32, #tpu.memory_space<hbm>>) target(%dma_start3A_190 : memref<128x128xf32, #tpu.memory_space<vmem>>) offsets(%dma_start3A_193 : memref<128xi32, #tpu.memory_space<vmem>>) semaphore(%dma_start3A_198 : memref<!tpu.dma_semaphore, #tpu.memory_space<semaphore_mem>>)
      } else {
      }
    }
    %scan3A_74 = arith.constant 20 : i32
    %barrier3A_75 = arith.constant 0 : index
    tpu.barrier barrier_id(%barrier3A_75)
    %mul3A_76 = arith.constant 632 : i32
    %mul3A_77 = arith.muli %arg1, %mul3A_76 : i32
    %mul3A_78 = arith.constant 632 : i32
    %mul3A_79 = arith.muli %arg1, %mul3A_78 : i32
    "tpu.region"() ({
      %run_scoped3A = tpu.sem_alloc : memref<!tpu.dma_semaphore, #tpu.memory_space<semaphore_mem>>
      %dma_start3A_80 = arith.constant 0 : i32
      %dma_start3A_81 = tpu.memref_slice %arg5[%arg0, %mul3A_79, %dma_start3A_80] : memref<2x10112x128xf32, #tpu.memory_space<hbm>> -> memref<1x632x128xf32, #tpu.memory_space<hbm>>
      %dma_start3A_82 = tpu.memref_squeeze %dma_start3A_81 : memref<1x632x128xf32, #tpu.memory_space<hbm>> -> memref<632x128xf32, #tpu.memory_space<hbm>>
      %dma_start3A_83 = arith.constant 0 : i32
      %dma_start3A_84 = tpu.memref_slice %arg9[%mul3A_77, %dma_start3A_83] : memref<10112x128xf32, #tpu.memory_space<vmem_shared>> -> memref<632x128xf32, #tpu.memory_space<vmem_shared>>
      tpu.enqueue_dma source(%dma_start3A_84 : memref<632x128xf32, #tpu.memory_space<vmem_shared>>) target(%dma_start3A_82 : memref<632x128xf32, #tpu.memory_space<hbm>>) target_semaphore(%run_scoped3A : memref<!tpu.dma_semaphore, #tpu.memory_space<semaphore_mem>>)
      %dma_wait3A = arith.constant 0 : i32
      %dma_wait3A_85 = tpu.memref_slice %arg5[%arg0, %mul3A_79, %dma_wait3A] : memref<2x10112x128xf32, #tpu.memory_space<hbm>> -> memref<1x632x128xf32, #tpu.memory_space<hbm>>
      %dma_wait3A_86 = tpu.memref_squeeze %dma_wait3A_85 : memref<1x632x128xf32, #tpu.memory_space<hbm>> -> memref<632x128xf32, #tpu.memory_space<hbm>>
      %dma_wait3A_87 = arith.constant 0 : i32
      %dma_wait3A_88 = tpu.memref_slice %arg9[%mul3A_77, %dma_wait3A_87] : memref<10112x128xf32, #tpu.memory_space<vmem_shared>> -> memref<632x128xf32, #tpu.memory_space<vmem_shared>>
      tpu.wait_dma2 semaphore(%run_scoped3A : memref<!tpu.dma_semaphore, #tpu.memory_space<semaphore_mem>>) src(%dma_wait3A_88 : memref<632x128xf32, #tpu.memory_space<vmem_shared>>) dst(%dma_wait3A_86 : memref<632x128xf32, #tpu.memory_space<hbm>>)
      tpu.yield
    }) : () -> ()
    return
  }
}

#map = affine_map<(d0, d1) -> (0, 0, 0)>
#map1 = affine_map<(d0, d1) -> (0, 0)>
module attributes {stable_mosaic.version = 14 : i64} {
  func.func @k(%arg0: i32, %arg1: i32, %arg2: memref<32x80x128xi32, #tpu.memory_space<hbm>>, %arg3: memref<632x128xf32, #tpu.memory_space<hbm>>, %arg4: memref<128x128xf32, #tpu.memory_space<hbm>>, %arg5: memref<2x10112x128xf32, #tpu.memory_space<hbm>>, %arg6: memref<80x128xi32, #tpu.memory_space<vmem>>, %arg7: memref<128x128xf32, #tpu.memory_space<vmem>>, %arg8: memref<10112x128xf32, #tpu.memory_space<vmem_shared>>, %arg9: memref<8x!tpu.dma_semaphore, #tpu.memory_space<semaphore_mem>>) attributes {dimension_semantics = [#tpu.dimension_semantics<core_parallel>, #tpu.dimension_semantics<subcore_parallel>], iteration_bounds = array<i64: 2, 16>, scalar_prefetch = 0 : i64, scratch_operands = 4 : i64, tpu.core_type = #tpu.core_type<sc_vector_subcore>, window_params = [{transform_indices = #map}, {transform_indices = #map1}, {transform_indices = #map1}, {transform_indices = #map}]} {
    %mul3A = arith.constant 16 : i32
    %mul3A_0 = arith.muli %arg0, %mul3A : i32
    %add3A = arith.addi %mul3A_0, %arg1 : i32
    "tpu.region"() ({
      %run_scoped3A = tpu.sem_alloc : memref<!tpu.dma_semaphore, #tpu.memory_space<semaphore_mem>>
      %dma_start3A_92 = arith.constant 0 : i32
      %dma_start3A_93 = arith.constant 0 : i32
      %dma_start3A_94 = tpu.memref_slice %arg2[%add3A, %dma_start3A_92, %dma_start3A_93] : memref<32x80x128xi32, #tpu.memory_space<hbm>> -> memref<1x80x128xi32, #tpu.memory_space<hbm>>
      %dma_start3A_95 = tpu.memref_squeeze %dma_start3A_94 : memref<1x80x128xi32, #tpu.memory_space<hbm>> -> memref<80x128xi32, #tpu.memory_space<hbm>>
      %dma_start3A_96 = arith.constant 0 : i32
      %dma_start3A_97 = arith.constant 0 : i32
      %dma_start3A_98 = tpu.memref_slice %arg2[%add3A, %dma_start3A_96, %dma_start3A_97] : memref<32x80x128xi32, #tpu.memory_space<hbm>> -> memref<1x80x128xi32, #tpu.memory_space<hbm>>
      %dma_start3A_99 = tpu.memref_squeeze %dma_start3A_98 : memref<1x80x128xi32, #tpu.memory_space<hbm>> -> memref<80x128xi32, #tpu.memory_space<hbm>>
      tpu.enqueue_dma source(%dma_start3A_99 : memref<80x128xi32, #tpu.memory_space<hbm>>) target(%arg6 : memref<80x128xi32, #tpu.memory_space<vmem>>) target_semaphore(%run_scoped3A : memref<!tpu.dma_semaphore, #tpu.memory_space<semaphore_mem>>)
      %dma_wait3A = arith.constant 0 : i32
      %dma_wait3A_100 = arith.constant 0 : i32
      %dma_wait3A_101 = tpu.memref_slice %arg2[%add3A, %dma_wait3A, %dma_wait3A_100] : memref<32x80x128xi32, #tpu.memory_space<hbm>> -> memref<1x80x128xi32, #tpu.memory_space<hbm>>
      %dma_wait3A_102 = tpu.memref_squeeze %dma_wait3A_101 : memref<1x80x128xi32, #tpu.memory_space<hbm>> -> memref<80x128xi32, #tpu.memory_space<hbm>>
      %dma_wait3A_103 = arith.constant 0 : i32
      %dma_wait3A_104 = arith.constant 0 : i32
      %dma_wait3A_105 = tpu.memref_slice %arg2[%add3A, %dma_wait3A_103, %dma_wait3A_104] : memref<32x80x128xi32, #tpu.memory_space<hbm>> -> memref<1x80x128xi32, #tpu.memory_space<hbm>>
      %dma_wait3A_106 = tpu.memref_squeeze %dma_wait3A_105 : memref<1x80x128xi32, #tpu.memory_space<hbm>> -> memref<80x128xi32, #tpu.memory_space<hbm>>
      tpu.wait_dma2 semaphore(%run_scoped3A : memref<!tpu.dma_semaphore, #tpu.memory_space<semaphore_mem>>) src(%dma_wait3A_106 : memref<80x128xi32, #tpu.memory_space<hbm>>) dst(%arg6 : memref<80x128xi32, #tpu.memory_space<vmem>>)
      tpu.yield
    }) : () -> ()
    "tpu.region"() ({
      %run_scoped3A = tpu.sem_alloc : memref<!tpu.dma_semaphore, #tpu.memory_space<semaphore_mem>>
      tpu.enqueue_dma source(%arg4 : memref<128x128xf32, #tpu.memory_space<hbm>>) target(%arg7 : memref<128x128xf32, #tpu.memory_space<vmem>>) target_semaphore(%run_scoped3A : memref<!tpu.dma_semaphore, #tpu.memory_space<semaphore_mem>>)
      tpu.wait_dma2 semaphore(%run_scoped3A : memref<!tpu.dma_semaphore, #tpu.memory_space<semaphore_mem>>) src(%arg4 : memref<128x128xf32, #tpu.memory_space<hbm>>) dst(%arg7 : memref<128x128xf32, #tpu.memory_space<vmem>>)
      tpu.yield
    }) : () -> ()
    %mul3A_1 = arith.constant 632 : i32
    %mul3A_2 = arith.muli %arg1, %mul3A_1 : i32
    "tpu.region"() ({
      %run_scoped3A = tpu.sem_alloc : memref<!tpu.dma_semaphore, #tpu.memory_space<semaphore_mem>>
      %dma_start3A_92 = arith.constant 0 : i32
      %dma_start3A_93 = tpu.memref_slice %arg8[%mul3A_2, %dma_start3A_92] : memref<10112x128xf32, #tpu.memory_space<vmem_shared>> -> memref<632x128xf32, #tpu.memory_space<vmem_shared>>
      tpu.enqueue_dma source(%arg3 : memref<632x128xf32, #tpu.memory_space<hbm>>) target(%dma_start3A_93 : memref<632x128xf32, #tpu.memory_space<vmem_shared>>) target_semaphore(%run_scoped3A : memref<!tpu.dma_semaphore, #tpu.memory_space<semaphore_mem>>)
      %dma_wait3A = arith.constant 0 : i32
      %dma_wait3A_94 = tpu.memref_slice %arg8[%mul3A_2, %dma_wait3A] : memref<10112x128xf32, #tpu.memory_space<vmem_shared>> -> memref<632x128xf32, #tpu.memory_space<vmem_shared>>
      tpu.wait_dma2 semaphore(%run_scoped3A : memref<!tpu.dma_semaphore, #tpu.memory_space<semaphore_mem>>) src(%arg3 : memref<632x128xf32, #tpu.memory_space<hbm>>) dst(%dma_wait3A_94 : memref<632x128xf32, #tpu.memory_space<vmem_shared>>)
      tpu.yield
    }) : () -> ()
    %barrier3A = arith.constant 0 : index
    tpu.barrier barrier_id(%barrier3A)
    %dma_start3A = arith.constant 0 : i32
    %dma_start3A_3 = arith.constant 0 : i32
    %dma_start3A_4 = arith.constant 0 : i32
    %dma_start3A_5 = tpu.memref_slice %arg6[%dma_start3A, %dma_start3A_4] : memref<80x128xi32, #tpu.memory_space<vmem>> -> memref<1x128xi32, #tpu.memory_space<vmem>>
    %dma_start3A_6 = tpu.memref_squeeze %dma_start3A_5 : memref<1x128xi32, #tpu.memory_space<vmem>> -> memref<128xi32, #tpu.memory_space<vmem>>
    %dma_start3A_7 = arith.constant 0 : i32
    %dma_start3A_8 = arith.constant 0 : i32
    %dma_start3A_9 = tpu.memref_slice %arg8[%dma_start3A_7, %dma_start3A_8] : memref<10112x128xf32, #tpu.memory_space<vmem_shared>> -> memref<10112x128xf32, #tpu.memory_space<vmem_shared>>
    %dma_start3A_10 = tpu.memref_slice %arg9[%dma_start3A_3] : memref<8x!tpu.dma_semaphore, #tpu.memory_space<semaphore_mem>> -> memref<1x!tpu.dma_semaphore, #tpu.memory_space<semaphore_mem>>
    %dma_start3A_11 = tpu.memref_squeeze %dma_start3A_10 : memref<1x!tpu.dma_semaphore, #tpu.memory_space<semaphore_mem>> -> memref<!tpu.dma_semaphore, #tpu.memory_space<semaphore_mem>>
    tpu.enqueue_indirect_dma source(%arg7 : memref<128x128xf32, #tpu.memory_space<vmem>>) target(%dma_start3A_9 : memref<10112x128xf32, #tpu.memory_space<vmem_shared>>) offsets(%dma_start3A_6 : memref<128xi32, #tpu.memory_space<vmem>>) semaphore(%dma_start3A_11 : memref<!tpu.dma_semaphore, #tpu.memory_space<semaphore_mem>>) {add = true}
    %dma_start3A_12 = arith.constant 1 : i32
    %dma_start3A_13 = arith.constant 1 : i32
    %dma_start3A_14 = arith.constant 0 : i32
    %dma_start3A_15 = tpu.memref_slice %arg6[%dma_start3A_12, %dma_start3A_14] : memref<80x128xi32, #tpu.memory_space<vmem>> -> memref<1x128xi32, #tpu.memory_space<vmem>>
    %dma_start3A_16 = tpu.memref_squeeze %dma_start3A_15 : memref<1x128xi32, #tpu.memory_space<vmem>> -> memref<128xi32, #tpu.memory_space<vmem>>
    %dma_start3A_17 = arith.constant 0 : i32
    %dma_start3A_18 = arith.constant 0 : i32
    %dma_start3A_19 = tpu.memref_slice %arg8[%dma_start3A_17, %dma_start3A_18] : memref<10112x128xf32, #tpu.memory_space<vmem_shared>> -> memref<10112x128xf32, #tpu.memory_space<vmem_shared>>
    %dma_start3A_20 = tpu.memref_slice %arg9[%dma_start3A_13] : memref<8x!tpu.dma_semaphore, #tpu.memory_space<semaphore_mem>> -> memref<1x!tpu.dma_semaphore, #tpu.memory_space<semaphore_mem>>
    %dma_start3A_21 = tpu.memref_squeeze %dma_start3A_20 : memref<1x!tpu.dma_semaphore, #tpu.memory_space<semaphore_mem>> -> memref<!tpu.dma_semaphore, #tpu.memory_space<semaphore_mem>>
    tpu.enqueue_indirect_dma source(%arg7 : memref<128x128xf32, #tpu.memory_space<vmem>>) target(%dma_start3A_19 : memref<10112x128xf32, #tpu.memory_space<vmem_shared>>) offsets(%dma_start3A_16 : memref<128xi32, #tpu.memory_space<vmem>>) semaphore(%dma_start3A_21 : memref<!tpu.dma_semaphore, #tpu.memory_space<semaphore_mem>>) {add = true}
    %dma_start3A_22 = arith.constant 2 : i32
    %dma_start3A_23 = arith.constant 2 : i32
    %dma_start3A_24 = arith.constant 0 : i32
    %dma_start3A_25 = tpu.memref_slice %arg6[%dma_start3A_22, %dma_start3A_24] : memref<80x128xi32, #tpu.memory_space<vmem>> -> memref<1x128xi32, #tpu.memory_space<vmem>>
    %dma_start3A_26 = tpu.memref_squeeze %dma_start3A_25 : memref<1x128xi32, #tpu.memory_space<vmem>> -> memref<128xi32, #tpu.memory_space<vmem>>
    %dma_start3A_27 = arith.constant 0 : i32
    %dma_start3A_28 = arith.constant 0 : i32
    %dma_start3A_29 = tpu.memref_slice %arg8[%dma_start3A_27, %dma_start3A_28] : memref<10112x128xf32, #tpu.memory_space<vmem_shared>> -> memref<10112x128xf32, #tpu.memory_space<vmem_shared>>
    %dma_start3A_30 = tpu.memref_slice %arg9[%dma_start3A_23] : memref<8x!tpu.dma_semaphore, #tpu.memory_space<semaphore_mem>> -> memref<1x!tpu.dma_semaphore, #tpu.memory_space<semaphore_mem>>
    %dma_start3A_31 = tpu.memref_squeeze %dma_start3A_30 : memref<1x!tpu.dma_semaphore, #tpu.memory_space<semaphore_mem>> -> memref<!tpu.dma_semaphore, #tpu.memory_space<semaphore_mem>>
    tpu.enqueue_indirect_dma source(%arg7 : memref<128x128xf32, #tpu.memory_space<vmem>>) target(%dma_start3A_29 : memref<10112x128xf32, #tpu.memory_space<vmem_shared>>) offsets(%dma_start3A_26 : memref<128xi32, #tpu.memory_space<vmem>>) semaphore(%dma_start3A_31 : memref<!tpu.dma_semaphore, #tpu.memory_space<semaphore_mem>>) {add = true}
    %dma_start3A_32 = arith.constant 3 : i32
    %dma_start3A_33 = arith.constant 3 : i32
    %dma_start3A_34 = arith.constant 0 : i32
    %dma_start3A_35 = tpu.memref_slice %arg6[%dma_start3A_32, %dma_start3A_34] : memref<80x128xi32, #tpu.memory_space<vmem>> -> memref<1x128xi32, #tpu.memory_space<vmem>>
    %dma_start3A_36 = tpu.memref_squeeze %dma_start3A_35 : memref<1x128xi32, #tpu.memory_space<vmem>> -> memref<128xi32, #tpu.memory_space<vmem>>
    %dma_start3A_37 = arith.constant 0 : i32
    %dma_start3A_38 = arith.constant 0 : i32
    %dma_start3A_39 = tpu.memref_slice %arg8[%dma_start3A_37, %dma_start3A_38] : memref<10112x128xf32, #tpu.memory_space<vmem_shared>> -> memref<10112x128xf32, #tpu.memory_space<vmem_shared>>
    %dma_start3A_40 = tpu.memref_slice %arg9[%dma_start3A_33] : memref<8x!tpu.dma_semaphore, #tpu.memory_space<semaphore_mem>> -> memref<1x!tpu.dma_semaphore, #tpu.memory_space<semaphore_mem>>
    %dma_start3A_41 = tpu.memref_squeeze %dma_start3A_40 : memref<1x!tpu.dma_semaphore, #tpu.memory_space<semaphore_mem>> -> memref<!tpu.dma_semaphore, #tpu.memory_space<semaphore_mem>>
    tpu.enqueue_indirect_dma source(%arg7 : memref<128x128xf32, #tpu.memory_space<vmem>>) target(%dma_start3A_39 : memref<10112x128xf32, #tpu.memory_space<vmem_shared>>) offsets(%dma_start3A_36 : memref<128xi32, #tpu.memory_space<vmem>>) semaphore(%dma_start3A_41 : memref<!tpu.dma_semaphore, #tpu.memory_space<semaphore_mem>>) {add = true}
    %dma_start3A_42 = arith.constant 4 : i32
    %dma_start3A_43 = arith.constant 4 : i32
    %dma_start3A_44 = arith.constant 0 : i32
    %dma_start3A_45 = tpu.memref_slice %arg6[%dma_start3A_42, %dma_start3A_44] : memref<80x128xi32, #tpu.memory_space<vmem>> -> memref<1x128xi32, #tpu.memory_space<vmem>>
    %dma_start3A_46 = tpu.memref_squeeze %dma_start3A_45 : memref<1x128xi32, #tpu.memory_space<vmem>> -> memref<128xi32, #tpu.memory_space<vmem>>
    %dma_start3A_47 = arith.constant 0 : i32
    %dma_start3A_48 = arith.constant 0 : i32
    %dma_start3A_49 = tpu.memref_slice %arg8[%dma_start3A_47, %dma_start3A_48] : memref<10112x128xf32, #tpu.memory_space<vmem_shared>> -> memref<10112x128xf32, #tpu.memory_space<vmem_shared>>
    %dma_start3A_50 = tpu.memref_slice %arg9[%dma_start3A_43] : memref<8x!tpu.dma_semaphore, #tpu.memory_space<semaphore_mem>> -> memref<1x!tpu.dma_semaphore, #tpu.memory_space<semaphore_mem>>
    %dma_start3A_51 = tpu.memref_squeeze %dma_start3A_50 : memref<1x!tpu.dma_semaphore, #tpu.memory_space<semaphore_mem>> -> memref<!tpu.dma_semaphore, #tpu.memory_space<semaphore_mem>>
    tpu.enqueue_indirect_dma source(%arg7 : memref<128x128xf32, #tpu.memory_space<vmem>>) target(%dma_start3A_49 : memref<10112x128xf32, #tpu.memory_space<vmem_shared>>) offsets(%dma_start3A_46 : memref<128xi32, #tpu.memory_space<vmem>>) semaphore(%dma_start3A_51 : memref<!tpu.dma_semaphore, #tpu.memory_space<semaphore_mem>>) {add = true}
    %dma_start3A_52 = arith.constant 5 : i32
    %dma_start3A_53 = arith.constant 5 : i32
    %dma_start3A_54 = arith.constant 0 : i32
    %dma_start3A_55 = tpu.memref_slice %arg6[%dma_start3A_52, %dma_start3A_54] : memref<80x128xi32, #tpu.memory_space<vmem>> -> memref<1x128xi32, #tpu.memory_space<vmem>>
    %dma_start3A_56 = tpu.memref_squeeze %dma_start3A_55 : memref<1x128xi32, #tpu.memory_space<vmem>> -> memref<128xi32, #tpu.memory_space<vmem>>
    %dma_start3A_57 = arith.constant 0 : i32
    %dma_start3A_58 = arith.constant 0 : i32
    %dma_start3A_59 = tpu.memref_slice %arg8[%dma_start3A_57, %dma_start3A_58] : memref<10112x128xf32, #tpu.memory_space<vmem_shared>> -> memref<10112x128xf32, #tpu.memory_space<vmem_shared>>
    %dma_start3A_60 = tpu.memref_slice %arg9[%dma_start3A_53] : memref<8x!tpu.dma_semaphore, #tpu.memory_space<semaphore_mem>> -> memref<1x!tpu.dma_semaphore, #tpu.memory_space<semaphore_mem>>
    %dma_start3A_61 = tpu.memref_squeeze %dma_start3A_60 : memref<1x!tpu.dma_semaphore, #tpu.memory_space<semaphore_mem>> -> memref<!tpu.dma_semaphore, #tpu.memory_space<semaphore_mem>>
    tpu.enqueue_indirect_dma source(%arg7 : memref<128x128xf32, #tpu.memory_space<vmem>>) target(%dma_start3A_59 : memref<10112x128xf32, #tpu.memory_space<vmem_shared>>) offsets(%dma_start3A_56 : memref<128xi32, #tpu.memory_space<vmem>>) semaphore(%dma_start3A_61 : memref<!tpu.dma_semaphore, #tpu.memory_space<semaphore_mem>>) {add = true}
    %dma_start3A_62 = arith.constant 6 : i32
    %dma_start3A_63 = arith.constant 6 : i32
    %dma_start3A_64 = arith.constant 0 : i32
    %dma_start3A_65 = tpu.memref_slice %arg6[%dma_start3A_62, %dma_start3A_64] : memref<80x128xi32, #tpu.memory_space<vmem>> -> memref<1x128xi32, #tpu.memory_space<vmem>>
    %dma_start3A_66 = tpu.memref_squeeze %dma_start3A_65 : memref<1x128xi32, #tpu.memory_space<vmem>> -> memref<128xi32, #tpu.memory_space<vmem>>
    %dma_start3A_67 = arith.constant 0 : i32
    %dma_start3A_68 = arith.constant 0 : i32
    %dma_start3A_69 = tpu.memref_slice %arg8[%dma_start3A_67, %dma_start3A_68] : memref<10112x128xf32, #tpu.memory_space<vmem_shared>> -> memref<10112x128xf32, #tpu.memory_space<vmem_shared>>
    %dma_start3A_70 = tpu.memref_slice %arg9[%dma_start3A_63] : memref<8x!tpu.dma_semaphore, #tpu.memory_space<semaphore_mem>> -> memref<1x!tpu.dma_semaphore, #tpu.memory_space<semaphore_mem>>
    %dma_start3A_71 = tpu.memref_squeeze %dma_start3A_70 : memref<1x!tpu.dma_semaphore, #tpu.memory_space<semaphore_mem>> -> memref<!tpu.dma_semaphore, #tpu.memory_space<semaphore_mem>>
    tpu.enqueue_indirect_dma source(%arg7 : memref<128x128xf32, #tpu.memory_space<vmem>>) target(%dma_start3A_69 : memref<10112x128xf32, #tpu.memory_space<vmem_shared>>) offsets(%dma_start3A_66 : memref<128xi32, #tpu.memory_space<vmem>>) semaphore(%dma_start3A_71 : memref<!tpu.dma_semaphore, #tpu.memory_space<semaphore_mem>>) {add = true}
    %dma_start3A_72 = arith.constant 7 : i32
    %dma_start3A_73 = arith.constant 7 : i32
    %dma_start3A_74 = arith.constant 0 : i32
    %dma_start3A_75 = tpu.memref_slice %arg6[%dma_start3A_72, %dma_start3A_74] : memref<80x128xi32, #tpu.memory_space<vmem>> -> memref<1x128xi32, #tpu.memory_space<vmem>>
    %dma_start3A_76 = tpu.memref_squeeze %dma_start3A_75 : memref<1x128xi32, #tpu.memory_space<vmem>> -> memref<128xi32, #tpu.memory_space<vmem>>
    %dma_start3A_77 = arith.constant 0 : i32
    %dma_start3A_78 = arith.constant 0 : i32
    %dma_start3A_79 = tpu.memref_slice %arg8[%dma_start3A_77, %dma_start3A_78] : memref<10112x128xf32, #tpu.memory_space<vmem_shared>> -> memref<10112x128xf32, #tpu.memory_space<vmem_shared>>
    %dma_start3A_80 = tpu.memref_slice %arg9[%dma_start3A_73] : memref<8x!tpu.dma_semaphore, #tpu.memory_space<semaphore_mem>> -> memref<1x!tpu.dma_semaphore, #tpu.memory_space<semaphore_mem>>
    %dma_start3A_81 = tpu.memref_squeeze %dma_start3A_80 : memref<1x!tpu.dma_semaphore, #tpu.memory_space<semaphore_mem>> -> memref<!tpu.dma_semaphore, #tpu.memory_space<semaphore_mem>>
    tpu.enqueue_indirect_dma source(%arg7 : memref<128x128xf32, #tpu.memory_space<vmem>>) target(%dma_start3A_79 : memref<10112x128xf32, #tpu.memory_space<vmem_shared>>) offsets(%dma_start3A_76 : memref<128xi32, #tpu.memory_space<vmem>>) semaphore(%dma_start3A_81 : memref<!tpu.dma_semaphore, #tpu.memory_space<semaphore_mem>>) {add = true}
    %scan3A = arith.constant 0 : i32
    %scan3A_82 = arith.constant 0 : i32
    %scan3A_83 = arith.constant 10 : i32
    %scan3A_84 = arith.addi %scan3A_82, %scan3A_83 : i32
    %scan3A_85 = arith.constant 1 : i32
    scf.for %scan3A_92 = %scan3A_82 to %scan3A_84 step %scan3A_85  : i32 {
      %mul3A_93 = arith.constant 8 : i32
      %mul3A_94 = arith.muli %scan3A_92, %mul3A_93 : i32
      %add3A_95 = arith.constant 0 : i32
      %add3A_96 = arith.addi %mul3A_94, %add3A_95 : i32
      %dma_wait3A = arith.constant 0 : i32
      %dma_wait3A_97 = arith.constant 0 : i32
      %dma_wait3A_98 = tpu.memref_slice %arg6[%add3A_96, %dma_wait3A_97] : memref<80x128xi32, #tpu.memory_space<vmem>> -> memref<1x128xi32, #tpu.memory_space<vmem>>
      %dma_wait3A_99 = tpu.memref_squeeze %dma_wait3A_98 : memref<1x128xi32, #tpu.memory_space<vmem>> -> memref<128xi32, #tpu.memory_space<vmem>>
      %dma_wait3A_100 = arith.constant 0 : i32
      %dma_wait3A_101 = arith.constant 0 : i32
      %dma_wait3A_102 = tpu.memref_slice %arg8[%dma_wait3A_100, %dma_wait3A_101] : memref<10112x128xf32, #tpu.memory_space<vmem_shared>> -> memref<10112x128xf32, #tpu.memory_space<vmem_shared>>
      %dma_wait3A_103 = tpu.memref_slice %arg9[%dma_wait3A] : memref<8x!tpu.dma_semaphore, #tpu.memory_space<semaphore_mem>> -> memref<1x!tpu.dma_semaphore, #tpu.memory_space<semaphore_mem>>
      %dma_wait3A_104 = tpu.memref_squeeze %dma_wait3A_103 : memref<1x!tpu.dma_semaphore, #tpu.memory_space<semaphore_mem>> -> memref<!tpu.dma_semaphore, #tpu.memory_space<semaphore_mem>>
      tpu.wait_indirect_dma semaphore(%dma_wait3A_104 : memref<!tpu.dma_semaphore, #tpu.memory_space<semaphore_mem>>) src(%arg7 : memref<128x128xf32, #tpu.memory_space<vmem>>) dst(%dma_wait3A_102 : memref<10112x128xf32, #tpu.memory_space<vmem_shared>>)
      %add3A_105 = arith.constant 8 : i32
      %add3A_106 = arith.addi %add3A_96, %add3A_105 : i32
      %lt3A = arith.constant 80 : i32
      %lt3A_107 = arith.cmpi slt, %add3A_106, %lt3A : i32
      %convert_element_type3A = arith.extui %lt3A_107 : i1 to i32
      %cond3A = arith.constant 0 : i32
      %cond3A_108 = arith.cmpi ne, %convert_element_type3A, %cond3A : i32
      scf.if %cond3A_108 {
        %add3A_249 = arith.constant 8 : i32
        %add3A_250 = arith.addi %add3A_96, %add3A_249 : i32
        %dma_start3A_251 = arith.constant 0 : i32
        %dma_start3A_252 = arith.constant 0 : i32
        %dma_start3A_253 = tpu.memref_slice %arg6[%add3A_250, %dma_start3A_252] : memref<80x128xi32, #tpu.memory_space<vmem>> -> memref<1x128xi32, #tpu.memory_space<vmem>>
        %dma_start3A_254 = tpu.memref_squeeze %dma_start3A_253 : memref<1x128xi32, #tpu.memory_space<vmem>> -> memref<128xi32, #tpu.memory_space<vmem>>
        %dma_start3A_255 = arith.constant 0 : i32
        %dma_start3A_256 = arith.constant 0 : i32
        %dma_start3A_257 = tpu.memref_slice %arg8[%dma_start3A_255, %dma_start3A_256] : memref<10112x128xf32, #tpu.memory_space<vmem_shared>> -> memref<10112x128xf32, #tpu.memory_space<vmem_shared>>
        %dma_start3A_258 = tpu.memref_slice %arg9[%dma_start3A_251] : memref<8x!tpu.dma_semaphore, #tpu.memory_space<semaphore_mem>> -> memref<1x!tpu.dma_semaphore, #tpu.memory_space<semaphore_mem>>
        %dma_start3A_259 = tpu.memref_squeeze %dma_start3A_258 : memref<1x!tpu.dma_semaphore, #tpu.memory_space<semaphore_mem>> -> memref<!tpu.dma_semaphore, #tpu.memory_space<semaphore_mem>>
        tpu.enqueue_indirect_dma source(%arg7 : memref<128x128xf32, #tpu.memory_space<vmem>>) target(%dma_start3A_257 : memref<10112x128xf32, #tpu.memory_space<vmem_shared>>) offsets(%dma_start3A_254 : memref<128xi32, #tpu.memory_space<vmem>>) semaphore(%dma_start3A_259 : memref<!tpu.dma_semaphore, #tpu.memory_space<semaphore_mem>>) {add = true}
      } else {
      }
      %mul3A_109 = arith.constant 8 : i32
      %mul3A_110 = arith.muli %scan3A_92, %mul3A_109 : i32
      %add3A_111 = arith.constant 1 : i32
      %add3A_112 = arith.addi %mul3A_110, %add3A_111 : i32
      %dma_wait3A_113 = arith.constant 1 : i32
      %dma_wait3A_114 = arith.constant 0 : i32
      %dma_wait3A_115 = tpu.memref_slice %arg6[%add3A_112, %dma_wait3A_114] : memref<80x128xi32, #tpu.memory_space<vmem>> -> memref<1x128xi32, #tpu.memory_space<vmem>>
      %dma_wait3A_116 = tpu.memref_squeeze %dma_wait3A_115 : memref<1x128xi32, #tpu.memory_space<vmem>> -> memref<128xi32, #tpu.memory_space<vmem>>
      %dma_wait3A_117 = arith.constant 0 : i32
      %dma_wait3A_118 = arith.constant 0 : i32
      %dma_wait3A_119 = tpu.memref_slice %arg8[%dma_wait3A_117, %dma_wait3A_118] : memref<10112x128xf32, #tpu.memory_space<vmem_shared>> -> memref<10112x128xf32, #tpu.memory_space<vmem_shared>>
      %dma_wait3A_120 = tpu.memref_slice %arg9[%dma_wait3A_113] : memref<8x!tpu.dma_semaphore, #tpu.memory_space<semaphore_mem>> -> memref<1x!tpu.dma_semaphore, #tpu.memory_space<semaphore_mem>>
      %dma_wait3A_121 = tpu.memref_squeeze %dma_wait3A_120 : memref<1x!tpu.dma_semaphore, #tpu.memory_space<semaphore_mem>> -> memref<!tpu.dma_semaphore, #tpu.memory_space<semaphore_mem>>
      tpu.wait_indirect_dma semaphore(%dma_wait3A_121 : memref<!tpu.dma_semaphore, #tpu.memory_space<semaphore_mem>>) src(%arg7 : memref<128x128xf32, #tpu.memory_space<vmem>>) dst(%dma_wait3A_119 : memref<10112x128xf32, #tpu.memory_space<vmem_shared>>)
      %add3A_122 = arith.constant 8 : i32
      %add3A_123 = arith.addi %add3A_112, %add3A_122 : i32
      %lt3A_124 = arith.constant 80 : i32
      %lt3A_125 = arith.cmpi slt, %add3A_123, %lt3A_124 : i32
      %convert_element_type3A_126 = arith.extui %lt3A_125 : i1 to i32
      %cond3A_127 = arith.constant 0 : i32
      %cond3A_128 = arith.cmpi ne, %convert_element_type3A_126, %cond3A_127 : i32
      scf.if %cond3A_128 {
        %add3A_249 = arith.constant 8 : i32
        %add3A_250 = arith.addi %add3A_112, %add3A_249 : i32
        %dma_start3A_251 = arith.constant 1 : i32
        %dma_start3A_252 = arith.constant 0 : i32
        %dma_start3A_253 = tpu.memref_slice %arg6[%add3A_250, %dma_start3A_252] : memref<80x128xi32, #tpu.memory_space<vmem>> -> memref<1x128xi32, #tpu.memory_space<vmem>>
        %dma_start3A_254 = tpu.memref_squeeze %dma_start3A_253 : memref<1x128xi32, #tpu.memory_space<vmem>> -> memref<128xi32, #tpu.memory_space<vmem>>
        %dma_start3A_255 = arith.constant 0 : i32
        %dma_start3A_256 = arith.constant 0 : i32
        %dma_start3A_257 = tpu.memref_slice %arg8[%dma_start3A_255, %dma_start3A_256] : memref<10112x128xf32, #tpu.memory_space<vmem_shared>> -> memref<10112x128xf32, #tpu.memory_space<vmem_shared>>
        %dma_start3A_258 = tpu.memref_slice %arg9[%dma_start3A_251] : memref<8x!tpu.dma_semaphore, #tpu.memory_space<semaphore_mem>> -> memref<1x!tpu.dma_semaphore, #tpu.memory_space<semaphore_mem>>
        %dma_start3A_259 = tpu.memref_squeeze %dma_start3A_258 : memref<1x!tpu.dma_semaphore, #tpu.memory_space<semaphore_mem>> -> memref<!tpu.dma_semaphore, #tpu.memory_space<semaphore_mem>>
        tpu.enqueue_indirect_dma source(%arg7 : memref<128x128xf32, #tpu.memory_space<vmem>>) target(%dma_start3A_257 : memref<10112x128xf32, #tpu.memory_space<vmem_shared>>) offsets(%dma_start3A_254 : memref<128xi32, #tpu.memory_space<vmem>>) semaphore(%dma_start3A_259 : memref<!tpu.dma_semaphore, #tpu.memory_space<semaphore_mem>>) {add = true}
      } else {
      }
      %mul3A_129 = arith.constant 8 : i32
      %mul3A_130 = arith.muli %scan3A_92, %mul3A_129 : i32
      %add3A_131 = arith.constant 2 : i32
      %add3A_132 = arith.addi %mul3A_130, %add3A_131 : i32
      %dma_wait3A_133 = arith.constant 2 : i32
      %dma_wait3A_134 = arith.constant 0 : i32
      %dma_wait3A_135 = tpu.memref_slice %arg6[%add3A_132, %dma_wait3A_134] : memref<80x128xi32, #tpu.memory_space<vmem>> -> memref<1x128xi32, #tpu.memory_space<vmem>>
      %dma_wait3A_136 = tpu.memref_squeeze %dma_wait3A_135 : memref<1x128xi32, #tpu.memory_space<vmem>> -> memref<128xi32, #tpu.memory_space<vmem>>
      %dma_wait3A_137 = arith.constant 0 : i32
      %dma_wait3A_138 = arith.constant 0 : i32
      %dma_wait3A_139 = tpu.memref_slice %arg8[%dma_wait3A_137, %dma_wait3A_138] : memref<10112x128xf32, #tpu.memory_space<vmem_shared>> -> memref<10112x128xf32, #tpu.memory_space<vmem_shared>>
      %dma_wait3A_140 = tpu.memref_slice %arg9[%dma_wait3A_133] : memref<8x!tpu.dma_semaphore, #tpu.memory_space<semaphore_mem>> -> memref<1x!tpu.dma_semaphore, #tpu.memory_space<semaphore_mem>>
      %dma_wait3A_141 = tpu.memref_squeeze %dma_wait3A_140 : memref<1x!tpu.dma_semaphore, #tpu.memory_space<semaphore_mem>> -> memref<!tpu.dma_semaphore, #tpu.memory_space<semaphore_mem>>
      tpu.wait_indirect_dma semaphore(%dma_wait3A_141 : memref<!tpu.dma_semaphore, #tpu.memory_space<semaphore_mem>>) src(%arg7 : memref<128x128xf32, #tpu.memory_space<vmem>>) dst(%dma_wait3A_139 : memref<10112x128xf32, #tpu.memory_space<vmem_shared>>)
      %add3A_142 = arith.constant 8 : i32
      %add3A_143 = arith.addi %add3A_132, %add3A_142 : i32
      %lt3A_144 = arith.constant 80 : i32
      %lt3A_145 = arith.cmpi slt, %add3A_143, %lt3A_144 : i32
      %convert_element_type3A_146 = arith.extui %lt3A_145 : i1 to i32
      %cond3A_147 = arith.constant 0 : i32
      %cond3A_148 = arith.cmpi ne, %convert_element_type3A_146, %cond3A_147 : i32
      scf.if %cond3A_148 {
        %add3A_249 = arith.constant 8 : i32
        %add3A_250 = arith.addi %add3A_132, %add3A_249 : i32
        %dma_start3A_251 = arith.constant 2 : i32
        %dma_start3A_252 = arith.constant 0 : i32
        %dma_start3A_253 = tpu.memref_slice %arg6[%add3A_250, %dma_start3A_252] : memref<80x128xi32, #tpu.memory_space<vmem>> -> memref<1x128xi32, #tpu.memory_space<vmem>>
        %dma_start3A_254 = tpu.memref_squeeze %dma_start3A_253 : memref<1x128xi32, #tpu.memory_space<vmem>> -> memref<128xi32, #tpu.memory_space<vmem>>
        %dma_start3A_255 = arith.constant 0 : i32
        %dma_start3A_256 = arith.constant 0 : i32
        %dma_start3A_257 = tpu.memref_slice %arg8[%dma_start3A_255, %dma_start3A_256] : memref<10112x128xf32, #tpu.memory_space<vmem_shared>> -> memref<10112x128xf32, #tpu.memory_space<vmem_shared>>
        %dma_start3A_258 = tpu.memref_slice %arg9[%dma_start3A_251] : memref<8x!tpu.dma_semaphore, #tpu.memory_space<semaphore_mem>> -> memref<1x!tpu.dma_semaphore, #tpu.memory_space<semaphore_mem>>
        %dma_start3A_259 = tpu.memref_squeeze %dma_start3A_258 : memref<1x!tpu.dma_semaphore, #tpu.memory_space<semaphore_mem>> -> memref<!tpu.dma_semaphore, #tpu.memory_space<semaphore_mem>>
        tpu.enqueue_indirect_dma source(%arg7 : memref<128x128xf32, #tpu.memory_space<vmem>>) target(%dma_start3A_257 : memref<10112x128xf32, #tpu.memory_space<vmem_shared>>) offsets(%dma_start3A_254 : memref<128xi32, #tpu.memory_space<vmem>>) semaphore(%dma_start3A_259 : memref<!tpu.dma_semaphore, #tpu.memory_space<semaphore_mem>>) {add = true}
      } else {
      }
      %mul3A_149 = arith.constant 8 : i32
      %mul3A_150 = arith.muli %scan3A_92, %mul3A_149 : i32
      %add3A_151 = arith.constant 3 : i32
      %add3A_152 = arith.addi %mul3A_150, %add3A_151 : i32
      %dma_wait3A_153 = arith.constant 3 : i32
      %dma_wait3A_154 = arith.constant 0 : i32
      %dma_wait3A_155 = tpu.memref_slice %arg6[%add3A_152, %dma_wait3A_154] : memref<80x128xi32, #tpu.memory_space<vmem>> -> memref<1x128xi32, #tpu.memory_space<vmem>>
      %dma_wait3A_156 = tpu.memref_squeeze %dma_wait3A_155 : memref<1x128xi32, #tpu.memory_space<vmem>> -> memref<128xi32, #tpu.memory_space<vmem>>
      %dma_wait3A_157 = arith.constant 0 : i32
      %dma_wait3A_158 = arith.constant 0 : i32
      %dma_wait3A_159 = tpu.memref_slice %arg8[%dma_wait3A_157, %dma_wait3A_158] : memref<10112x128xf32, #tpu.memory_space<vmem_shared>> -> memref<10112x128xf32, #tpu.memory_space<vmem_shared>>
      %dma_wait3A_160 = tpu.memref_slice %arg9[%dma_wait3A_153] : memref<8x!tpu.dma_semaphore, #tpu.memory_space<semaphore_mem>> -> memref<1x!tpu.dma_semaphore, #tpu.memory_space<semaphore_mem>>
      %dma_wait3A_161 = tpu.memref_squeeze %dma_wait3A_160 : memref<1x!tpu.dma_semaphore, #tpu.memory_space<semaphore_mem>> -> memref<!tpu.dma_semaphore, #tpu.memory_space<semaphore_mem>>
      tpu.wait_indirect_dma semaphore(%dma_wait3A_161 : memref<!tpu.dma_semaphore, #tpu.memory_space<semaphore_mem>>) src(%arg7 : memref<128x128xf32, #tpu.memory_space<vmem>>) dst(%dma_wait3A_159 : memref<10112x128xf32, #tpu.memory_space<vmem_shared>>)
      %add3A_162 = arith.constant 8 : i32
      %add3A_163 = arith.addi %add3A_152, %add3A_162 : i32
      %lt3A_164 = arith.constant 80 : i32
      %lt3A_165 = arith.cmpi slt, %add3A_163, %lt3A_164 : i32
      %convert_element_type3A_166 = arith.extui %lt3A_165 : i1 to i32
      %cond3A_167 = arith.constant 0 : i32
      %cond3A_168 = arith.cmpi ne, %convert_element_type3A_166, %cond3A_167 : i32
      scf.if %cond3A_168 {
        %add3A_249 = arith.constant 8 : i32
        %add3A_250 = arith.addi %add3A_152, %add3A_249 : i32
        %dma_start3A_251 = arith.constant 3 : i32
        %dma_start3A_252 = arith.constant 0 : i32
        %dma_start3A_253 = tpu.memref_slice %arg6[%add3A_250, %dma_start3A_252] : memref<80x128xi32, #tpu.memory_space<vmem>> -> memref<1x128xi32, #tpu.memory_space<vmem>>
        %dma_start3A_254 = tpu.memref_squeeze %dma_start3A_253 : memref<1x128xi32, #tpu.memory_space<vmem>> -> memref<128xi32, #tpu.memory_space<vmem>>
        %dma_start3A_255 = arith.constant 0 : i32
        %dma_start3A_256 = arith.constant 0 : i32
        %dma_start3A_257 = tpu.memref_slice %arg8[%dma_start3A_255, %dma_start3A_256] : memref<10112x128xf32, #tpu.memory_space<vmem_shared>> -> memref<10112x128xf32, #tpu.memory_space<vmem_shared>>
        %dma_start3A_258 = tpu.memref_slice %arg9[%dma_start3A_251] : memref<8x!tpu.dma_semaphore, #tpu.memory_space<semaphore_mem>> -> memref<1x!tpu.dma_semaphore, #tpu.memory_space<semaphore_mem>>
        %dma_start3A_259 = tpu.memref_squeeze %dma_start3A_258 : memref<1x!tpu.dma_semaphore, #tpu.memory_space<semaphore_mem>> -> memref<!tpu.dma_semaphore, #tpu.memory_space<semaphore_mem>>
        tpu.enqueue_indirect_dma source(%arg7 : memref<128x128xf32, #tpu.memory_space<vmem>>) target(%dma_start3A_257 : memref<10112x128xf32, #tpu.memory_space<vmem_shared>>) offsets(%dma_start3A_254 : memref<128xi32, #tpu.memory_space<vmem>>) semaphore(%dma_start3A_259 : memref<!tpu.dma_semaphore, #tpu.memory_space<semaphore_mem>>) {add = true}
      } else {
      }
      %mul3A_169 = arith.constant 8 : i32
      %mul3A_170 = arith.muli %scan3A_92, %mul3A_169 : i32
      %add3A_171 = arith.constant 4 : i32
      %add3A_172 = arith.addi %mul3A_170, %add3A_171 : i32
      %dma_wait3A_173 = arith.constant 4 : i32
      %dma_wait3A_174 = arith.constant 0 : i32
      %dma_wait3A_175 = tpu.memref_slice %arg6[%add3A_172, %dma_wait3A_174] : memref<80x128xi32, #tpu.memory_space<vmem>> -> memref<1x128xi32, #tpu.memory_space<vmem>>
      %dma_wait3A_176 = tpu.memref_squeeze %dma_wait3A_175 : memref<1x128xi32, #tpu.memory_space<vmem>> -> memref<128xi32, #tpu.memory_space<vmem>>
      %dma_wait3A_177 = arith.constant 0 : i32
      %dma_wait3A_178 = arith.constant 0 : i32
      %dma_wait3A_179 = tpu.memref_slice %arg8[%dma_wait3A_177, %dma_wait3A_178] : memref<10112x128xf32, #tpu.memory_space<vmem_shared>> -> memref<10112x128xf32, #tpu.memory_space<vmem_shared>>
      %dma_wait3A_180 = tpu.memref_slice %arg9[%dma_wait3A_173] : memref<8x!tpu.dma_semaphore, #tpu.memory_space<semaphore_mem>> -> memref<1x!tpu.dma_semaphore, #tpu.memory_space<semaphore_mem>>
      %dma_wait3A_181 = tpu.memref_squeeze %dma_wait3A_180 : memref<1x!tpu.dma_semaphore, #tpu.memory_space<semaphore_mem>> -> memref<!tpu.dma_semaphore, #tpu.memory_space<semaphore_mem>>
      tpu.wait_indirect_dma semaphore(%dma_wait3A_181 : memref<!tpu.dma_semaphore, #tpu.memory_space<semaphore_mem>>) src(%arg7 : memref<128x128xf32, #tpu.memory_space<vmem>>) dst(%dma_wait3A_179 : memref<10112x128xf32, #tpu.memory_space<vmem_shared>>)
      %add3A_182 = arith.constant 8 : i32
      %add3A_183 = arith.addi %add3A_172, %add3A_182 : i32
      %lt3A_184 = arith.constant 80 : i32
      %lt3A_185 = arith.cmpi slt, %add3A_183, %lt3A_184 : i32
      %convert_element_type3A_186 = arith.extui %lt3A_185 : i1 to i32
      %cond3A_187 = arith.constant 0 : i32
      %cond3A_188 = arith.cmpi ne, %convert_element_type3A_186, %cond3A_187 : i32
      scf.if %cond3A_188 {
        %add3A_249 = arith.constant 8 : i32
        %add3A_250 = arith.addi %add3A_172, %add3A_249 : i32
        %dma_start3A_251 = arith.constant 4 : i32
        %dma_start3A_252 = arith.constant 0 : i32
        %dma_start3A_253 = tpu.memref_slice %arg6[%add3A_250, %dma_start3A_252] : memref<80x128xi32, #tpu.memory_space<vmem>> -> memref<1x128xi32, #tpu.memory_space<vmem>>
        %dma_start3A_254 = tpu.memref_squeeze %dma_start3A_253 : memref<1x128xi32, #tpu.memory_space<vmem>> -> memref<128xi32, #tpu.memory_space<vmem>>
        %dma_start3A_255 = arith.constant 0 : i32
        %dma_start3A_256 = arith.constant 0 : i32
        %dma_start3A_257 = tpu.memref_slice %arg8[%dma_start3A_255, %dma_start3A_256] : memref<10112x128xf32, #tpu.memory_space<vmem_shared>> -> memref<10112x128xf32, #tpu.memory_space<vmem_shared>>
        %dma_start3A_258 = tpu.memref_slice %arg9[%dma_start3A_251] : memref<8x!tpu.dma_semaphore, #tpu.memory_space<semaphore_mem>> -> memref<1x!tpu.dma_semaphore, #tpu.memory_space<semaphore_mem>>
        %dma_start3A_259 = tpu.memref_squeeze %dma_start3A_258 : memref<1x!tpu.dma_semaphore, #tpu.memory_space<semaphore_mem>> -> memref<!tpu.dma_semaphore, #tpu.memory_space<semaphore_mem>>
        tpu.enqueue_indirect_dma source(%arg7 : memref<128x128xf32, #tpu.memory_space<vmem>>) target(%dma_start3A_257 : memref<10112x128xf32, #tpu.memory_space<vmem_shared>>) offsets(%dma_start3A_254 : memref<128xi32, #tpu.memory_space<vmem>>) semaphore(%dma_start3A_259 : memref<!tpu.dma_semaphore, #tpu.memory_space<semaphore_mem>>) {add = true}
      } else {
      }
      %mul3A_189 = arith.constant 8 : i32
      %mul3A_190 = arith.muli %scan3A_92, %mul3A_189 : i32
      %add3A_191 = arith.constant 5 : i32
      %add3A_192 = arith.addi %mul3A_190, %add3A_191 : i32
      %dma_wait3A_193 = arith.constant 5 : i32
      %dma_wait3A_194 = arith.constant 0 : i32
      %dma_wait3A_195 = tpu.memref_slice %arg6[%add3A_192, %dma_wait3A_194] : memref<80x128xi32, #tpu.memory_space<vmem>> -> memref<1x128xi32, #tpu.memory_space<vmem>>
      %dma_wait3A_196 = tpu.memref_squeeze %dma_wait3A_195 : memref<1x128xi32, #tpu.memory_space<vmem>> -> memref<128xi32, #tpu.memory_space<vmem>>
      %dma_wait3A_197 = arith.constant 0 : i32
      %dma_wait3A_198 = arith.constant 0 : i32
      %dma_wait3A_199 = tpu.memref_slice %arg8[%dma_wait3A_197, %dma_wait3A_198] : memref<10112x128xf32, #tpu.memory_space<vmem_shared>> -> memref<10112x128xf32, #tpu.memory_space<vmem_shared>>
      %dma_wait3A_200 = tpu.memref_slice %arg9[%dma_wait3A_193] : memref<8x!tpu.dma_semaphore, #tpu.memory_space<semaphore_mem>> -> memref<1x!tpu.dma_semaphore, #tpu.memory_space<semaphore_mem>>
      %dma_wait3A_201 = tpu.memref_squeeze %dma_wait3A_200 : memref<1x!tpu.dma_semaphore, #tpu.memory_space<semaphore_mem>> -> memref<!tpu.dma_semaphore, #tpu.memory_space<semaphore_mem>>
      tpu.wait_indirect_dma semaphore(%dma_wait3A_201 : memref<!tpu.dma_semaphore, #tpu.memory_space<semaphore_mem>>) src(%arg7 : memref<128x128xf32, #tpu.memory_space<vmem>>) dst(%dma_wait3A_199 : memref<10112x128xf32, #tpu.memory_space<vmem_shared>>)
      %add3A_202 = arith.constant 8 : i32
      %add3A_203 = arith.addi %add3A_192, %add3A_202 : i32
      %lt3A_204 = arith.constant 80 : i32
      %lt3A_205 = arith.cmpi slt, %add3A_203, %lt3A_204 : i32
      %convert_element_type3A_206 = arith.extui %lt3A_205 : i1 to i32
      %cond3A_207 = arith.constant 0 : i32
      %cond3A_208 = arith.cmpi ne, %convert_element_type3A_206, %cond3A_207 : i32
      scf.if %cond3A_208 {
        %add3A_249 = arith.constant 8 : i32
        %add3A_250 = arith.addi %add3A_192, %add3A_249 : i32
        %dma_start3A_251 = arith.constant 5 : i32
        %dma_start3A_252 = arith.constant 0 : i32
        %dma_start3A_253 = tpu.memref_slice %arg6[%add3A_250, %dma_start3A_252] : memref<80x128xi32, #tpu.memory_space<vmem>> -> memref<1x128xi32, #tpu.memory_space<vmem>>
        %dma_start3A_254 = tpu.memref_squeeze %dma_start3A_253 : memref<1x128xi32, #tpu.memory_space<vmem>> -> memref<128xi32, #tpu.memory_space<vmem>>
        %dma_start3A_255 = arith.constant 0 : i32
        %dma_start3A_256 = arith.constant 0 : i32
        %dma_start3A_257 = tpu.memref_slice %arg8[%dma_start3A_255, %dma_start3A_256] : memref<10112x128xf32, #tpu.memory_space<vmem_shared>> -> memref<10112x128xf32, #tpu.memory_space<vmem_shared>>
        %dma_start3A_258 = tpu.memref_slice %arg9[%dma_start3A_251] : memref<8x!tpu.dma_semaphore, #tpu.memory_space<semaphore_mem>> -> memref<1x!tpu.dma_semaphore, #tpu.memory_space<semaphore_mem>>
        %dma_start3A_259 = tpu.memref_squeeze %dma_start3A_258 : memref<1x!tpu.dma_semaphore, #tpu.memory_space<semaphore_mem>> -> memref<!tpu.dma_semaphore, #tpu.memory_space<semaphore_mem>>
        tpu.enqueue_indirect_dma source(%arg7 : memref<128x128xf32, #tpu.memory_space<vmem>>) target(%dma_start3A_257 : memref<10112x128xf32, #tpu.memory_space<vmem_shared>>) offsets(%dma_start3A_254 : memref<128xi32, #tpu.memory_space<vmem>>) semaphore(%dma_start3A_259 : memref<!tpu.dma_semaphore, #tpu.memory_space<semaphore_mem>>) {add = true}
      } else {
      }
      %mul3A_209 = arith.constant 8 : i32
      %mul3A_210 = arith.muli %scan3A_92, %mul3A_209 : i32
      %add3A_211 = arith.constant 6 : i32
      %add3A_212 = arith.addi %mul3A_210, %add3A_211 : i32
      %dma_wait3A_213 = arith.constant 6 : i32
      %dma_wait3A_214 = arith.constant 0 : i32
      %dma_wait3A_215 = tpu.memref_slice %arg6[%add3A_212, %dma_wait3A_214] : memref<80x128xi32, #tpu.memory_space<vmem>> -> memref<1x128xi32, #tpu.memory_space<vmem>>
      %dma_wait3A_216 = tpu.memref_squeeze %dma_wait3A_215 : memref<1x128xi32, #tpu.memory_space<vmem>> -> memref<128xi32, #tpu.memory_space<vmem>>
      %dma_wait3A_217 = arith.constant 0 : i32
      %dma_wait3A_218 = arith.constant 0 : i32
      %dma_wait3A_219 = tpu.memref_slice %arg8[%dma_wait3A_217, %dma_wait3A_218] : memref<10112x128xf32, #tpu.memory_space<vmem_shared>> -> memref<10112x128xf32, #tpu.memory_space<vmem_shared>>
      %dma_wait3A_220 = tpu.memref_slice %arg9[%dma_wait3A_213] : memref<8x!tpu.dma_semaphore, #tpu.memory_space<semaphore_mem>> -> memref<1x!tpu.dma_semaphore, #tpu.memory_space<semaphore_mem>>
      %dma_wait3A_221 = tpu.memref_squeeze %dma_wait3A_220 : memref<1x!tpu.dma_semaphore, #tpu.memory_space<semaphore_mem>> -> memref<!tpu.dma_semaphore, #tpu.memory_space<semaphore_mem>>
      tpu.wait_indirect_dma semaphore(%dma_wait3A_221 : memref<!tpu.dma_semaphore, #tpu.memory_space<semaphore_mem>>) src(%arg7 : memref<128x128xf32, #tpu.memory_space<vmem>>) dst(%dma_wait3A_219 : memref<10112x128xf32, #tpu.memory_space<vmem_shared>>)
      %add3A_222 = arith.constant 8 : i32
      %add3A_223 = arith.addi %add3A_212, %add3A_222 : i32
      %lt3A_224 = arith.constant 80 : i32
      %lt3A_225 = arith.cmpi slt, %add3A_223, %lt3A_224 : i32
      %convert_element_type3A_226 = arith.extui %lt3A_225 : i1 to i32
      %cond3A_227 = arith.constant 0 : i32
      %cond3A_228 = arith.cmpi ne, %convert_element_type3A_226, %cond3A_227 : i32
      scf.if %cond3A_228 {
        %add3A_249 = arith.constant 8 : i32
        %add3A_250 = arith.addi %add3A_212, %add3A_249 : i32
        %dma_start3A_251 = arith.constant 6 : i32
        %dma_start3A_252 = arith.constant 0 : i32
        %dma_start3A_253 = tpu.memref_slice %arg6[%add3A_250, %dma_start3A_252] : memref<80x128xi32, #tpu.memory_space<vmem>> -> memref<1x128xi32, #tpu.memory_space<vmem>>
        %dma_start3A_254 = tpu.memref_squeeze %dma_start3A_253 : memref<1x128xi32, #tpu.memory_space<vmem>> -> memref<128xi32, #tpu.memory_space<vmem>>
        %dma_start3A_255 = arith.constant 0 : i32
        %dma_start3A_256 = arith.constant 0 : i32
        %dma_start3A_257 = tpu.memref_slice %arg8[%dma_start3A_255, %dma_start3A_256] : memref<10112x128xf32, #tpu.memory_space<vmem_shared>> -> memref<10112x128xf32, #tpu.memory_space<vmem_shared>>
        %dma_start3A_258 = tpu.memref_slice %arg9[%dma_start3A_251] : memref<8x!tpu.dma_semaphore, #tpu.memory_space<semaphore_mem>> -> memref<1x!tpu.dma_semaphore, #tpu.memory_space<semaphore_mem>>
        %dma_start3A_259 = tpu.memref_squeeze %dma_start3A_258 : memref<1x!tpu.dma_semaphore, #tpu.memory_space<semaphore_mem>> -> memref<!tpu.dma_semaphore, #tpu.memory_space<semaphore_mem>>
        tpu.enqueue_indirect_dma source(%arg7 : memref<128x128xf32, #tpu.memory_space<vmem>>) target(%dma_start3A_257 : memref<10112x128xf32, #tpu.memory_space<vmem_shared>>) offsets(%dma_start3A_254 : memref<128xi32, #tpu.memory_space<vmem>>) semaphore(%dma_start3A_259 : memref<!tpu.dma_semaphore, #tpu.memory_space<semaphore_mem>>) {add = true}
      } else {
      }
      %mul3A_229 = arith.constant 8 : i32
      %mul3A_230 = arith.muli %scan3A_92, %mul3A_229 : i32
      %add3A_231 = arith.constant 7 : i32
      %add3A_232 = arith.addi %mul3A_230, %add3A_231 : i32
      %dma_wait3A_233 = arith.constant 7 : i32
      %dma_wait3A_234 = arith.constant 0 : i32
      %dma_wait3A_235 = tpu.memref_slice %arg6[%add3A_232, %dma_wait3A_234] : memref<80x128xi32, #tpu.memory_space<vmem>> -> memref<1x128xi32, #tpu.memory_space<vmem>>
      %dma_wait3A_236 = tpu.memref_squeeze %dma_wait3A_235 : memref<1x128xi32, #tpu.memory_space<vmem>> -> memref<128xi32, #tpu.memory_space<vmem>>
      %dma_wait3A_237 = arith.constant 0 : i32
      %dma_wait3A_238 = arith.constant 0 : i32
      %dma_wait3A_239 = tpu.memref_slice %arg8[%dma_wait3A_237, %dma_wait3A_238] : memref<10112x128xf32, #tpu.memory_space<vmem_shared>> -> memref<10112x128xf32, #tpu.memory_space<vmem_shared>>
      %dma_wait3A_240 = tpu.memref_slice %arg9[%dma_wait3A_233] : memref<8x!tpu.dma_semaphore, #tpu.memory_space<semaphore_mem>> -> memref<1x!tpu.dma_semaphore, #tpu.memory_space<semaphore_mem>>
      %dma_wait3A_241 = tpu.memref_squeeze %dma_wait3A_240 : memref<1x!tpu.dma_semaphore, #tpu.memory_space<semaphore_mem>> -> memref<!tpu.dma_semaphore, #tpu.memory_space<semaphore_mem>>
      tpu.wait_indirect_dma semaphore(%dma_wait3A_241 : memref<!tpu.dma_semaphore, #tpu.memory_space<semaphore_mem>>) src(%arg7 : memref<128x128xf32, #tpu.memory_space<vmem>>) dst(%dma_wait3A_239 : memref<10112x128xf32, #tpu.memory_space<vmem_shared>>)
      %add3A_242 = arith.constant 8 : i32
      %add3A_243 = arith.addi %add3A_232, %add3A_242 : i32
      %lt3A_244 = arith.constant 80 : i32
      %lt3A_245 = arith.cmpi slt, %add3A_243, %lt3A_244 : i32
      %convert_element_type3A_246 = arith.extui %lt3A_245 : i1 to i32
      %cond3A_247 = arith.constant 0 : i32
      %cond3A_248 = arith.cmpi ne, %convert_element_type3A_246, %cond3A_247 : i32
      scf.if %cond3A_248 {
        %add3A_249 = arith.constant 8 : i32
        %add3A_250 = arith.addi %add3A_232, %add3A_249 : i32
        %dma_start3A_251 = arith.constant 7 : i32
        %dma_start3A_252 = arith.constant 0 : i32
        %dma_start3A_253 = tpu.memref_slice %arg6[%add3A_250, %dma_start3A_252] : memref<80x128xi32, #tpu.memory_space<vmem>> -> memref<1x128xi32, #tpu.memory_space<vmem>>
        %dma_start3A_254 = tpu.memref_squeeze %dma_start3A_253 : memref<1x128xi32, #tpu.memory_space<vmem>> -> memref<128xi32, #tpu.memory_space<vmem>>
        %dma_start3A_255 = arith.constant 0 : i32
        %dma_start3A_256 = arith.constant 0 : i32
        %dma_start3A_257 = tpu.memref_slice %arg8[%dma_start3A_255, %dma_start3A_256] : memref<10112x128xf32, #tpu.memory_space<vmem_shared>> -> memref<10112x128xf32, #tpu.memory_space<vmem_shared>>
        %dma_start3A_258 = tpu.memref_slice %arg9[%dma_start3A_251] : memref<8x!tpu.dma_semaphore, #tpu.memory_space<semaphore_mem>> -> memref<1x!tpu.dma_semaphore, #tpu.memory_space<semaphore_mem>>
        %dma_start3A_259 = tpu.memref_squeeze %dma_start3A_258 : memref<1x!tpu.dma_semaphore, #tpu.memory_space<semaphore_mem>> -> memref<!tpu.dma_semaphore, #tpu.memory_space<semaphore_mem>>
        tpu.enqueue_indirect_dma source(%arg7 : memref<128x128xf32, #tpu.memory_space<vmem>>) target(%dma_start3A_257 : memref<10112x128xf32, #tpu.memory_space<vmem_shared>>) offsets(%dma_start3A_254 : memref<128xi32, #tpu.memory_space<vmem>>) semaphore(%dma_start3A_259 : memref<!tpu.dma_semaphore, #tpu.memory_space<semaphore_mem>>) {add = true}
      } else {
      }
    }
    %scan3A_86 = arith.constant 10 : i32
    %barrier3A_87 = arith.constant 0 : index
    tpu.barrier barrier_id(%barrier3A_87)
    %mul3A_88 = arith.constant 632 : i32
    %mul3A_89 = arith.muli %arg1, %mul3A_88 : i32
    %mul3A_90 = arith.constant 632 : i32
    %mul3A_91 = arith.muli %arg1, %mul3A_90 : i32
    "tpu.region"() ({
      %run_scoped3A = tpu.sem_alloc : memref<!tpu.dma_semaphore, #tpu.memory_space<semaphore_mem>>
      %dma_start3A_92 = arith.constant 0 : i32
      %dma_start3A_93 = tpu.memref_slice %arg5[%arg0, %mul3A_91, %dma_start3A_92] : memref<2x10112x128xf32, #tpu.memory_space<hbm>> -> memref<1x632x128xf32, #tpu.memory_space<hbm>>
      %dma_start3A_94 = tpu.memref_squeeze %dma_start3A_93 : memref<1x632x128xf32, #tpu.memory_space<hbm>> -> memref<632x128xf32, #tpu.memory_space<hbm>>
      %dma_start3A_95 = arith.constant 0 : i32
      %dma_start3A_96 = tpu.memref_slice %arg8[%mul3A_89, %dma_start3A_95] : memref<10112x128xf32, #tpu.memory_space<vmem_shared>> -> memref<632x128xf32, #tpu.memory_space<vmem_shared>>
      tpu.enqueue_dma source(%dma_start3A_96 : memref<632x128xf32, #tpu.memory_space<vmem_shared>>) target(%dma_start3A_94 : memref<632x128xf32, #tpu.memory_space<hbm>>) target_semaphore(%run_scoped3A : memref<!tpu.dma_semaphore, #tpu.memory_space<semaphore_mem>>)
      %dma_wait3A = arith.constant 0 : i32
      %dma_wait3A_97 = tpu.memref_slice %arg5[%arg0, %mul3A_91, %dma_wait3A] : memref<2x10112x128xf32, #tpu.memory_space<hbm>> -> memref<1x632x128xf32, #tpu.memory_space<hbm>>
      %dma_wait3A_98 = tpu.memref_squeeze %dma_wait3A_97 : memref<1x632x128xf32, #tpu.memory_space<hbm>> -> memref<632x128xf32, #tpu.memory_space<hbm>>
      %dma_wait3A_99 = arith.constant 0 : i32
      %dma_wait3A_100 = tpu.memref_slice %arg8[%mul3A_89, %dma_wait3A_99] : memref<10112x128xf32, #tpu.memory_space<vmem_shared>> -> memref<632x128xf32, #tpu.memory_space<vmem_shared>>
      tpu.wait_dma2 semaphore(%run_scoped3A : memref<!tpu.dma_semaphore, #tpu.memory_space<semaphore_mem>>) src(%dma_wait3A_100 : memref<632x128xf32, #tpu.memory_space<vmem_shared>>) dst(%dma_wait3A_98 : memref<632x128xf32, #tpu.memory_space<hbm>>)
      tpu.yield
    }) : () -> ()
    return
  }
}

#map = affine_map<(d0, d1) -> (0, 0, 0)>
#map1 = affine_map<(d0, d1) -> (0, 0)>
module attributes {stable_mosaic.version = 14 : i64} {
  func.func @k(%arg0: i32, %arg1: i32, %arg2: memref<32x80x128xi32, #tpu.memory_space<hbm>>, %arg3: memref<32x80x128xi32, #tpu.memory_space<hbm>>, %arg4: memref<10112x128xf32, #tpu.memory_space<hbm>>, %arg5: memref<2x10112x128xf32, #tpu.memory_space<hbm>>, %arg6: memref<40x128xi32, #tpu.memory_space<vmem>>, %arg7: memref<40x128xi32, #tpu.memory_space<vmem>>, %arg8: memref<2x128x128xf32, #tpu.memory_space<vmem>>, %arg9: memref<10112x128xf32, #tpu.memory_space<vmem_shared>>, %arg10: memref<2x!tpu.dma_semaphore, #tpu.memory_space<semaphore_mem>>, %arg11: memref<2x!tpu.dma_semaphore, #tpu.memory_space<semaphore_mem>>) attributes {dimension_semantics = [#tpu.dimension_semantics<core_parallel>, #tpu.dimension_semantics<subcore_parallel>], iteration_bounds = array<i64: 2, 16>, scalar_prefetch = 0 : i64, scratch_operands = 6 : i64, tpu.core_type = #tpu.core_type<sc_vector_subcore>, window_params = [{transform_indices = #map}, {transform_indices = #map}, {transform_indices = #map1}, {transform_indices = #map}]} {
    %mul3A = arith.constant 16 : i32
    %mul3A_0 = arith.muli %arg0, %mul3A : i32
    %add3A = arith.addi %mul3A_0, %arg1 : i32
    %mul3A_1 = arith.constant 632 : i32
    %mul3A_2 = arith.muli %arg1, %mul3A_1 : i32
    %mul3A_3 = arith.constant 632 : i32
    %mul3A_4 = arith.muli %arg1, %mul3A_3 : i32
    "tpu.region"() ({
      %run_scoped3A = tpu.sem_alloc : memref<!tpu.dma_semaphore, #tpu.memory_space<semaphore_mem>>
      %dma_start3A_80 = arith.constant 0 : i32
      %dma_start3A_81 = tpu.memref_slice %arg9[%mul3A_4, %dma_start3A_80] : memref<10112x128xf32, #tpu.memory_space<vmem_shared>> -> memref<632x128xf32, #tpu.memory_space<vmem_shared>>
      %dma_start3A_82 = arith.constant 0 : i32
      %dma_start3A_83 = tpu.memref_slice %arg4[%mul3A_2, %dma_start3A_82] : memref<10112x128xf32, #tpu.memory_space<hbm>> -> memref<632x128xf32, #tpu.memory_space<hbm>>
      tpu.enqueue_dma source(%dma_start3A_83 : memref<632x128xf32, #tpu.memory_space<hbm>>) target(%dma_start3A_81 : memref<632x128xf32, #tpu.memory_space<vmem_shared>>) target_semaphore(%run_scoped3A : memref<!tpu.dma_semaphore, #tpu.memory_space<semaphore_mem>>)
      %dma_wait3A = arith.constant 0 : i32
      %dma_wait3A_84 = tpu.memref_slice %arg9[%mul3A_4, %dma_wait3A] : memref<10112x128xf32, #tpu.memory_space<vmem_shared>> -> memref<632x128xf32, #tpu.memory_space<vmem_shared>>
      %dma_wait3A_85 = arith.constant 0 : i32
      %dma_wait3A_86 = tpu.memref_slice %arg4[%mul3A_2, %dma_wait3A_85] : memref<10112x128xf32, #tpu.memory_space<hbm>> -> memref<632x128xf32, #tpu.memory_space<hbm>>
      tpu.wait_dma2 semaphore(%run_scoped3A : memref<!tpu.dma_semaphore, #tpu.memory_space<semaphore_mem>>) src(%dma_wait3A_86 : memref<632x128xf32, #tpu.memory_space<hbm>>) dst(%dma_wait3A_84 : memref<632x128xf32, #tpu.memory_space<vmem_shared>>)
      tpu.yield
    }) : () -> ()
    %barrier3A = arith.constant 0 : index
    tpu.barrier barrier_id(%barrier3A)
    "tpu.region"() ({
      %run_scoped3A = tpu.sem_alloc : memref<!tpu.dma_semaphore, #tpu.memory_space<semaphore_mem>>
      %dma_start3A_80 = arith.constant 0 : i32
      %dma_start3A_81 = arith.constant 0 : i32
      %dma_start3A_82 = tpu.memref_slice %arg2[%add3A, %dma_start3A_80, %dma_start3A_81] : memref<32x80x128xi32, #tpu.memory_space<hbm>> -> memref<1x40x128xi32, #tpu.memory_space<hbm>>
      %dma_start3A_83 = tpu.memref_squeeze %dma_start3A_82 : memref<1x40x128xi32, #tpu.memory_space<hbm>> -> memref<40x128xi32, #tpu.memory_space<hbm>>
      %dma_start3A_84 = arith.constant 0 : i32
      %dma_start3A_85 = arith.constant 0 : i32
      %dma_start3A_86 = tpu.memref_slice %arg2[%add3A, %dma_start3A_84, %dma_start3A_85] : memref<32x80x128xi32, #tpu.memory_space<hbm>> -> memref<1x40x128xi32, #tpu.memory_space<hbm>>
      %dma_start3A_87 = tpu.memref_squeeze %dma_start3A_86 : memref<1x40x128xi32, #tpu.memory_space<hbm>> -> memref<40x128xi32, #tpu.memory_space<hbm>>
      tpu.enqueue_dma source(%dma_start3A_87 : memref<40x128xi32, #tpu.memory_space<hbm>>) target(%arg6 : memref<40x128xi32, #tpu.memory_space<vmem>>) target_semaphore(%run_scoped3A : memref<!tpu.dma_semaphore, #tpu.memory_space<semaphore_mem>>)
      %dma_wait3A = arith.constant 0 : i32
      %dma_wait3A_88 = arith.constant 0 : i32
      %dma_wait3A_89 = tpu.memref_slice %arg2[%add3A, %dma_wait3A, %dma_wait3A_88] : memref<32x80x128xi32, #tpu.memory_space<hbm>> -> memref<1x40x128xi32, #tpu.memory_space<hbm>>
      %dma_wait3A_90 = tpu.memref_squeeze %dma_wait3A_89 : memref<1x40x128xi32, #tpu.memory_space<hbm>> -> memref<40x128xi32, #tpu.memory_space<hbm>>
      %dma_wait3A_91 = arith.constant 0 : i32
      %dma_wait3A_92 = arith.constant 0 : i32
      %dma_wait3A_93 = tpu.memref_slice %arg2[%add3A, %dma_wait3A_91, %dma_wait3A_92] : memref<32x80x128xi32, #tpu.memory_space<hbm>> -> memref<1x40x128xi32, #tpu.memory_space<hbm>>
      %dma_wait3A_94 = tpu.memref_squeeze %dma_wait3A_93 : memref<1x40x128xi32, #tpu.memory_space<hbm>> -> memref<40x128xi32, #tpu.memory_space<hbm>>
      tpu.wait_dma2 semaphore(%run_scoped3A : memref<!tpu.dma_semaphore, #tpu.memory_space<semaphore_mem>>) src(%dma_wait3A_94 : memref<40x128xi32, #tpu.memory_space<hbm>>) dst(%arg6 : memref<40x128xi32, #tpu.memory_space<vmem>>)
      tpu.yield
    }) : () -> ()
    "tpu.region"() ({
      %run_scoped3A = tpu.sem_alloc : memref<!tpu.dma_semaphore, #tpu.memory_space<semaphore_mem>>
      %dma_start3A_80 = arith.constant 0 : i32
      %dma_start3A_81 = arith.constant 0 : i32
      %dma_start3A_82 = tpu.memref_slice %arg3[%add3A, %dma_start3A_80, %dma_start3A_81] : memref<32x80x128xi32, #tpu.memory_space<hbm>> -> memref<1x40x128xi32, #tpu.memory_space<hbm>>
      %dma_start3A_83 = tpu.memref_squeeze %dma_start3A_82 : memref<1x40x128xi32, #tpu.memory_space<hbm>> -> memref<40x128xi32, #tpu.memory_space<hbm>>
      %dma_start3A_84 = arith.constant 0 : i32
      %dma_start3A_85 = arith.constant 0 : i32
      %dma_start3A_86 = tpu.memref_slice %arg3[%add3A, %dma_start3A_84, %dma_start3A_85] : memref<32x80x128xi32, #tpu.memory_space<hbm>> -> memref<1x40x128xi32, #tpu.memory_space<hbm>>
      %dma_start3A_87 = tpu.memref_squeeze %dma_start3A_86 : memref<1x40x128xi32, #tpu.memory_space<hbm>> -> memref<40x128xi32, #tpu.memory_space<hbm>>
      tpu.enqueue_dma source(%dma_start3A_87 : memref<40x128xi32, #tpu.memory_space<hbm>>) target(%arg7 : memref<40x128xi32, #tpu.memory_space<vmem>>) target_semaphore(%run_scoped3A : memref<!tpu.dma_semaphore, #tpu.memory_space<semaphore_mem>>)
      %dma_wait3A = arith.constant 0 : i32
      %dma_wait3A_88 = arith.constant 0 : i32
      %dma_wait3A_89 = tpu.memref_slice %arg3[%add3A, %dma_wait3A, %dma_wait3A_88] : memref<32x80x128xi32, #tpu.memory_space<hbm>> -> memref<1x40x128xi32, #tpu.memory_space<hbm>>
      %dma_wait3A_90 = tpu.memref_squeeze %dma_wait3A_89 : memref<1x40x128xi32, #tpu.memory_space<hbm>> -> memref<40x128xi32, #tpu.memory_space<hbm>>
      %dma_wait3A_91 = arith.constant 0 : i32
      %dma_wait3A_92 = arith.constant 0 : i32
      %dma_wait3A_93 = tpu.memref_slice %arg3[%add3A, %dma_wait3A_91, %dma_wait3A_92] : memref<32x80x128xi32, #tpu.memory_space<hbm>> -> memref<1x40x128xi32, #tpu.memory_space<hbm>>
      %dma_wait3A_94 = tpu.memref_squeeze %dma_wait3A_93 : memref<1x40x128xi32, #tpu.memory_space<hbm>> -> memref<40x128xi32, #tpu.memory_space<hbm>>
      tpu.wait_dma2 semaphore(%run_scoped3A : memref<!tpu.dma_semaphore, #tpu.memory_space<semaphore_mem>>) src(%dma_wait3A_94 : memref<40x128xi32, #tpu.memory_space<hbm>>) dst(%arg7 : memref<40x128xi32, #tpu.memory_space<vmem>>)
      tpu.yield
    }) : () -> ()
    %dma_start3A = arith.constant 0 : i32
    %dma_start3A_5 = arith.constant 0 : i32
    %dma_start3A_6 = arith.constant 0 : i32
    %dma_start3A_7 = arith.constant 0 : i32
    %dma_start3A_8 = arith.constant 0 : i32
    %dma_start3A_9 = tpu.memref_slice %arg8[%dma_start3A_5, %dma_start3A_7, %dma_start3A_8] : memref<2x128x128xf32, #tpu.memory_space<vmem>> -> memref<1x128x128xf32, #tpu.memory_space<vmem>>
    %dma_start3A_10 = tpu.memref_squeeze %dma_start3A_9 : memref<1x128x128xf32, #tpu.memory_space<vmem>> -> memref<128x128xf32, #tpu.memory_space<vmem>>
    %dma_start3A_11 = arith.constant 0 : i32
    %dma_start3A_12 = tpu.memref_slice %arg6[%dma_start3A, %dma_start3A_11] : memref<40x128xi32, #tpu.memory_space<vmem>> -> memref<1x128xi32, #tpu.memory_space<vmem>>
    %dma_start3A_13 = tpu.memref_squeeze %dma_start3A_12 : memref<1x128xi32, #tpu.memory_space<vmem>> -> memref<128xi32, #tpu.memory_space<vmem>>
    %dma_start3A_14 = arith.constant 0 : i32
    %dma_start3A_15 = arith.constant 0 : i32
    %dma_start3A_16 = tpu.memref_slice %arg4[%dma_start3A_14, %dma_start3A_15] : memref<10112x128xf32, #tpu.memory_space<hbm>> -> memref<10112x128xf32, #tpu.memory_space<hbm>>
    %dma_start3A_17 = tpu.memref_slice %arg10[%dma_start3A_6] : memref<2x!tpu.dma_semaphore, #tpu.memory_space<semaphore_mem>> -> memref<1x!tpu.dma_semaphore, #tpu.memory_space<semaphore_mem>>
    %dma_start3A_18 = tpu.memref_squeeze %dma_start3A_17 : memref<1x!tpu.dma_semaphore, #tpu.memory_space<semaphore_mem>> -> memref<!tpu.dma_semaphore, #tpu.memory_space<semaphore_mem>>
    tpu.enqueue_indirect_dma source(%dma_start3A_16 : memref<10112x128xf32, #tpu.memory_space<hbm>>) target(%dma_start3A_10 : memref<128x128xf32, #tpu.memory_space<vmem>>) offsets(%dma_start3A_13 : memref<128xi32, #tpu.memory_space<vmem>>) semaphore(%dma_start3A_18 : memref<!tpu.dma_semaphore, #tpu.memory_space<semaphore_mem>>)
    %dma_start3A_19 = arith.constant 1 : i32
    %dma_start3A_20 = arith.constant 1 : i32
    %dma_start3A_21 = arith.constant 1 : i32
    %dma_start3A_22 = arith.constant 0 : i32
    %dma_start3A_23 = arith.constant 0 : i32
    %dma_start3A_24 = tpu.memref_slice %arg8[%dma_start3A_20, %dma_start3A_22, %dma_start3A_23] : memref<2x128x128xf32, #tpu.memory_space<vmem>> -> memref<1x128x128xf32, #tpu.memory_space<vmem>>
    %dma_start3A_25 = tpu.memref_squeeze %dma_start3A_24 : memref<1x128x128xf32, #tpu.memory_space<vmem>> -> memref<128x128xf32, #tpu.memory_space<vmem>>
    %dma_start3A_26 = arith.constant 0 : i32
    %dma_start3A_27 = tpu.memref_slice %arg6[%dma_start3A_19, %dma_start3A_26] : memref<40x128xi32, #tpu.memory_space<vmem>> -> memref<1x128xi32, #tpu.memory_space<vmem>>
    %dma_start3A_28 = tpu.memref_squeeze %dma_start3A_27 : memref<1x128xi32, #tpu.memory_space<vmem>> -> memref<128xi32, #tpu.memory_space<vmem>>
    %dma_start3A_29 = arith.constant 0 : i32
    %dma_start3A_30 = arith.constant 0 : i32
    %dma_start3A_31 = tpu.memref_slice %arg4[%dma_start3A_29, %dma_start3A_30] : memref<10112x128xf32, #tpu.memory_space<hbm>> -> memref<10112x128xf32, #tpu.memory_space<hbm>>
    %dma_start3A_32 = tpu.memref_slice %arg10[%dma_start3A_21] : memref<2x!tpu.dma_semaphore, #tpu.memory_space<semaphore_mem>> -> memref<1x!tpu.dma_semaphore, #tpu.memory_space<semaphore_mem>>
    %dma_start3A_33 = tpu.memref_squeeze %dma_start3A_32 : memref<1x!tpu.dma_semaphore, #tpu.memory_space<semaphore_mem>> -> memref<!tpu.dma_semaphore, #tpu.memory_space<semaphore_mem>>
    tpu.enqueue_indirect_dma source(%dma_start3A_31 : memref<10112x128xf32, #tpu.memory_space<hbm>>) target(%dma_start3A_25 : memref<128x128xf32, #tpu.memory_space<vmem>>) offsets(%dma_start3A_28 : memref<128xi32, #tpu.memory_space<vmem>>) semaphore(%dma_start3A_33 : memref<!tpu.dma_semaphore, #tpu.memory_space<semaphore_mem>>)
    %scan3A = arith.constant 0 : i32
    %scan3A_34 = arith.constant 0 : i32
    %scan3A_35 = arith.constant 20 : i32
    %scan3A_36 = arith.addi %scan3A_34, %scan3A_35 : i32
    %scan3A_37 = arith.constant 1 : i32
    scf.for %scan3A_80 = %scan3A_34 to %scan3A_36 step %scan3A_37  : i32 {
      %mul3A_81 = arith.constant 2 : i32
      %mul3A_82 = arith.muli %scan3A_80, %mul3A_81 : i32
      %add3A_83 = arith.constant 0 : i32
      %add3A_84 = arith.addi %mul3A_82, %add3A_83 : i32
      %dma_wait3A = arith.constant 0 : i32
      %dma_wait3A_85 = arith.constant 0 : i32
      %dma_wait3A_86 = arith.constant 0 : i32
      %dma_wait3A_87 = arith.constant 0 : i32
      %dma_wait3A_88 = tpu.memref_slice %arg8[%dma_wait3A, %dma_wait3A_86, %dma_wait3A_87] : memref<2x128x128xf32, #tpu.memory_space<vmem>> -> memref<1x128x128xf32, #tpu.memory_space<vmem>>
      %dma_wait3A_89 = tpu.memref_squeeze %dma_wait3A_88 : memref<1x128x128xf32, #tpu.memory_space<vmem>> -> memref<128x128xf32, #tpu.memory_space<vmem>>
      %dma_wait3A_90 = arith.constant 0 : i32
      %dma_wait3A_91 = tpu.memref_slice %arg6[%add3A_84, %dma_wait3A_90] : memref<40x128xi32, #tpu.memory_space<vmem>> -> memref<1x128xi32, #tpu.memory_space<vmem>>
      %dma_wait3A_92 = tpu.memref_squeeze %dma_wait3A_91 : memref<1x128xi32, #tpu.memory_space<vmem>> -> memref<128xi32, #tpu.memory_space<vmem>>
      %dma_wait3A_93 = arith.constant 0 : i32
      %dma_wait3A_94 = arith.constant 0 : i32
      %dma_wait3A_95 = tpu.memref_slice %arg4[%dma_wait3A_93, %dma_wait3A_94] : memref<10112x128xf32, #tpu.memory_space<hbm>> -> memref<10112x128xf32, #tpu.memory_space<hbm>>
      %dma_wait3A_96 = tpu.memref_slice %arg10[%dma_wait3A_85] : memref<2x!tpu.dma_semaphore, #tpu.memory_space<semaphore_mem>> -> memref<1x!tpu.dma_semaphore, #tpu.memory_space<semaphore_mem>>
      %dma_wait3A_97 = tpu.memref_squeeze %dma_wait3A_96 : memref<1x!tpu.dma_semaphore, #tpu.memory_space<semaphore_mem>> -> memref<!tpu.dma_semaphore, #tpu.memory_space<semaphore_mem>>
      tpu.wait_indirect_dma semaphore(%dma_wait3A_97 : memref<!tpu.dma_semaphore, #tpu.memory_space<semaphore_mem>>) src(%dma_wait3A_95 : memref<10112x128xf32, #tpu.memory_space<hbm>>) dst(%dma_wait3A_89 : memref<128x128xf32, #tpu.memory_space<vmem>>)
      %dma_start3A_98 = arith.constant 0 : i32
      %dma_start3A_99 = arith.constant 0 : i32
      %dma_start3A_100 = arith.constant 0 : i32
      %dma_start3A_101 = arith.constant 0 : i32
      %dma_start3A_102 = tpu.memref_slice %arg8[%dma_start3A_98, %dma_start3A_100, %dma_start3A_101] : memref<2x128x128xf32, #tpu.memory_space<vmem>> -> memref<1x128x128xf32, #tpu.memory_space<vmem>>
      %dma_start3A_103 = tpu.memref_squeeze %dma_start3A_102 : memref<1x128x128xf32, #tpu.memory_space<vmem>> -> memref<128x128xf32, #tpu.memory_space<vmem>>
      %dma_start3A_104 = arith.constant 0 : i32
      %dma_start3A_105 = tpu.memref_slice %arg7[%add3A_84, %dma_start3A_104] : memref<40x128xi32, #tpu.memory_space<vmem>> -> memref<1x128xi32, #tpu.memory_space<vmem>>
      %dma_start3A_106 = tpu.memref_squeeze %dma_start3A_105 : memref<1x128xi32, #tpu.memory_space<vmem>> -> memref<128xi32, #tpu.memory_space<vmem>>
      %dma_start3A_107 = arith.constant 0 : i32
      %dma_start3A_108 = arith.constant 0 : i32
      %dma_start3A_109 = tpu.memref_slice %arg9[%dma_start3A_107, %dma_start3A_108] : memref<10112x128xf32, #tpu.memory_space<vmem_shared>> -> memref<10112x128xf32, #tpu.memory_space<vmem_shared>>
      %dma_start3A_110 = tpu.memref_slice %arg11[%dma_start3A_99] : memref<2x!tpu.dma_semaphore, #tpu.memory_space<semaphore_mem>> -> memref<1x!tpu.dma_semaphore, #tpu.memory_space<semaphore_mem>>
      %dma_start3A_111 = tpu.memref_squeeze %dma_start3A_110 : memref<1x!tpu.dma_semaphore, #tpu.memory_space<semaphore_mem>> -> memref<!tpu.dma_semaphore, #tpu.memory_space<semaphore_mem>>
      tpu.enqueue_indirect_dma source(%dma_start3A_103 : memref<128x128xf32, #tpu.memory_space<vmem>>) target(%dma_start3A_109 : memref<10112x128xf32, #tpu.memory_space<vmem_shared>>) offsets(%dma_start3A_106 : memref<128xi32, #tpu.memory_space<vmem>>) semaphore(%dma_start3A_111 : memref<!tpu.dma_semaphore, #tpu.memory_space<semaphore_mem>>) {add = true}
      %dma_wait3A_112 = arith.constant 0 : i32
      %dma_wait3A_113 = arith.constant 0 : i32
      %dma_wait3A_114 = arith.constant 0 : i32
      %dma_wait3A_115 = arith.constant 0 : i32
      %dma_wait3A_116 = tpu.memref_slice %arg8[%dma_wait3A_112, %dma_wait3A_114, %dma_wait3A_115] : memref<2x128x128xf32, #tpu.memory_space<vmem>> -> memref<1x128x128xf32, #tpu.memory_space<vmem>>
      %dma_wait3A_117 = tpu.memref_squeeze %dma_wait3A_116 : memref<1x128x128xf32, #tpu.memory_space<vmem>> -> memref<128x128xf32, #tpu.memory_space<vmem>>
      %dma_wait3A_118 = arith.constant 0 : i32
      %dma_wait3A_119 = tpu.memref_slice %arg7[%add3A_84, %dma_wait3A_118] : memref<40x128xi32, #tpu.memory_space<vmem>> -> memref<1x128xi32, #tpu.memory_space<vmem>>
      %dma_wait3A_120 = tpu.memref_squeeze %dma_wait3A_119 : memref<1x128xi32, #tpu.memory_space<vmem>> -> memref<128xi32, #tpu.memory_space<vmem>>
      %dma_wait3A_121 = arith.constant 0 : i32
      %dma_wait3A_122 = arith.constant 0 : i32
      %dma_wait3A_123 = tpu.memref_slice %arg9[%dma_wait3A_121, %dma_wait3A_122] : memref<10112x128xf32, #tpu.memory_space<vmem_shared>> -> memref<10112x128xf32, #tpu.memory_space<vmem_shared>>
      %dma_wait3A_124 = tpu.memref_slice %arg11[%dma_wait3A_113] : memref<2x!tpu.dma_semaphore, #tpu.memory_space<semaphore_mem>> -> memref<1x!tpu.dma_semaphore, #tpu.memory_space<semaphore_mem>>
      %dma_wait3A_125 = tpu.memref_squeeze %dma_wait3A_124 : memref<1x!tpu.dma_semaphore, #tpu.memory_space<semaphore_mem>> -> memref<!tpu.dma_semaphore, #tpu.memory_space<semaphore_mem>>
      tpu.wait_indirect_dma semaphore(%dma_wait3A_125 : memref<!tpu.dma_semaphore, #tpu.memory_space<semaphore_mem>>) src(%dma_wait3A_117 : memref<128x128xf32, #tpu.memory_space<vmem>>) dst(%dma_wait3A_123 : memref<10112x128xf32, #tpu.memory_space<vmem_shared>>)
      %add3A_126 = arith.constant 2 : i32
      %add3A_127 = arith.addi %add3A_84, %add3A_126 : i32
      %lt3A = arith.constant 40 : i32
      %lt3A_128 = arith.cmpi slt, %add3A_127, %lt3A : i32
      %convert_element_type3A = arith.extui %lt3A_128 : i1 to i32
      %cond3A = arith.constant 0 : i32
      %cond3A_129 = arith.cmpi ne, %convert_element_type3A, %cond3A : i32
      scf.if %cond3A_129 {
        %add3A_183 = arith.constant 2 : i32
        %add3A_184 = arith.addi %add3A_84, %add3A_183 : i32
        %dma_start3A_185 = arith.constant 0 : i32
        %dma_start3A_186 = arith.constant 0 : i32
        %dma_start3A_187 = arith.constant 0 : i32
        %dma_start3A_188 = arith.constant 0 : i32
        %dma_start3A_189 = tpu.memref_slice %arg8[%dma_start3A_185, %dma_start3A_187, %dma_start3A_188] : memref<2x128x128xf32, #tpu.memory_space<vmem>> -> memref<1x128x128xf32, #tpu.memory_space<vmem>>
        %dma_start3A_190 = tpu.memref_squeeze %dma_start3A_189 : memref<1x128x128xf32, #tpu.memory_space<vmem>> -> memref<128x128xf32, #tpu.memory_space<vmem>>
        %dma_start3A_191 = arith.constant 0 : i32
        %dma_start3A_192 = tpu.memref_slice %arg6[%add3A_184, %dma_start3A_191] : memref<40x128xi32, #tpu.memory_space<vmem>> -> memref<1x128xi32, #tpu.memory_space<vmem>>
        %dma_start3A_193 = tpu.memref_squeeze %dma_start3A_192 : memref<1x128xi32, #tpu.memory_space<vmem>> -> memref<128xi32, #tpu.memory_space<vmem>>
        %dma_start3A_194 = arith.constant 0 : i32
        %dma_start3A_195 = arith.constant 0 : i32
        %dma_start3A_196 = tpu.memref_slice %arg4[%dma_start3A_194, %dma_start3A_195] : memref<10112x128xf32, #tpu.memory_space<hbm>> -> memref<10112x128xf32, #tpu.memory_space<hbm>>
        %dma_start3A_197 = tpu.memref_slice %arg10[%dma_start3A_186] : memref<2x!tpu.dma_semaphore, #tpu.memory_space<semaphore_mem>> -> memref<1x!tpu.dma_semaphore, #tpu.memory_space<semaphore_mem>>
        %dma_start3A_198 = tpu.memref_squeeze %dma_start3A_197 : memref<1x!tpu.dma_semaphore, #tpu.memory_space<semaphore_mem>> -> memref<!tpu.dma_semaphore, #tpu.memory_space<semaphore_mem>>
        tpu.enqueue_indirect_dma source(%dma_start3A_196 : memref<10112x128xf32, #tpu.memory_space<hbm>>) target(%dma_start3A_190 : memref<128x128xf32, #tpu.memory_space<vmem>>) offsets(%dma_start3A_193 : memref<128xi32, #tpu.memory_space<vmem>>) semaphore(%dma_start3A_198 : memref<!tpu.dma_semaphore, #tpu.memory_space<semaphore_mem>>)
      } else {
      }
      %mul3A_130 = arith.constant 2 : i32
      %mul3A_131 = arith.muli %scan3A_80, %mul3A_130 : i32
      %add3A_132 = arith.constant 1 : i32
      %add3A_133 = arith.addi %mul3A_131, %add3A_132 : i32
      %dma_wait3A_134 = arith.constant 1 : i32
      %dma_wait3A_135 = arith.constant 1 : i32
      %dma_wait3A_136 = arith.constant 0 : i32
      %dma_wait3A_137 = arith.constant 0 : i32
      %dma_wait3A_138 = tpu.memref_slice %arg8[%dma_wait3A_134, %dma_wait3A_136, %dma_wait3A_137] : memref<2x128x128xf32, #tpu.memory_space<vmem>> -> memref<1x128x128xf32, #tpu.memory_space<vmem>>
      %dma_wait3A_139 = tpu.memref_squeeze %dma_wait3A_138 : memref<1x128x128xf32, #tpu.memory_space<vmem>> -> memref<128x128xf32, #tpu.memory_space<vmem>>
      %dma_wait3A_140 = arith.constant 0 : i32
      %dma_wait3A_141 = tpu.memref_slice %arg6[%add3A_133, %dma_wait3A_140] : memref<40x128xi32, #tpu.memory_space<vmem>> -> memref<1x128xi32, #tpu.memory_space<vmem>>
      %dma_wait3A_142 = tpu.memref_squeeze %dma_wait3A_141 : memref<1x128xi32, #tpu.memory_space<vmem>> -> memref<128xi32, #tpu.memory_space<vmem>>
      %dma_wait3A_143 = arith.constant 0 : i32
      %dma_wait3A_144 = arith.constant 0 : i32
      %dma_wait3A_145 = tpu.memref_slice %arg4[%dma_wait3A_143, %dma_wait3A_144] : memref<10112x128xf32, #tpu.memory_space<hbm>> -> memref<10112x128xf32, #tpu.memory_space<hbm>>
      %dma_wait3A_146 = tpu.memref_slice %arg10[%dma_wait3A_135] : memref<2x!tpu.dma_semaphore, #tpu.memory_space<semaphore_mem>> -> memref<1x!tpu.dma_semaphore, #tpu.memory_space<semaphore_mem>>
      %dma_wait3A_147 = tpu.memref_squeeze %dma_wait3A_146 : memref<1x!tpu.dma_semaphore, #tpu.memory_space<semaphore_mem>> -> memref<!tpu.dma_semaphore, #tpu.memory_space<semaphore_mem>>
      tpu.wait_indirect_dma semaphore(%dma_wait3A_147 : memref<!tpu.dma_semaphore, #tpu.memory_space<semaphore_mem>>) src(%dma_wait3A_145 : memref<10112x128xf32, #tpu.memory_space<hbm>>) dst(%dma_wait3A_139 : memref<128x128xf32, #tpu.memory_space<vmem>>)
      %dma_start3A_148 = arith.constant 1 : i32
      %dma_start3A_149 = arith.constant 1 : i32
      %dma_start3A_150 = arith.constant 0 : i32
      %dma_start3A_151 = arith.constant 0 : i32
      %dma_start3A_152 = tpu.memref_slice %arg8[%dma_start3A_148, %dma_start3A_150, %dma_start3A_151] : memref<2x128x128xf32, #tpu.memory_space<vmem>> -> memref<1x128x128xf32, #tpu.memory_space<vmem>>
      %dma_start3A_153 = tpu.memref_squeeze %dma_start3A_152 : memref<1x128x128xf32, #tpu.memory_space<vmem>> -> memref<128x128xf32, #tpu.memory_space<vmem>>
      %dma_start3A_154 = arith.constant 0 : i32
      %dma_start3A_155 = tpu.memref_slice %arg7[%add3A_133, %dma_start3A_154] : memref<40x128xi32, #tpu.memory_space<vmem>> -> memref<1x128xi32, #tpu.memory_space<vmem>>
      %dma_start3A_156 = tpu.memref_squeeze %dma_start3A_155 : memref<1x128xi32, #tpu.memory_space<vmem>> -> memref<128xi32, #tpu.memory_space<vmem>>
      %dma_start3A_157 = arith.constant 0 : i32
      %dma_start3A_158 = arith.constant 0 : i32
      %dma_start3A_159 = tpu.memref_slice %arg9[%dma_start3A_157, %dma_start3A_158] : memref<10112x128xf32, #tpu.memory_space<vmem_shared>> -> memref<10112x128xf32, #tpu.memory_space<vmem_shared>>
      %dma_start3A_160 = tpu.memref_slice %arg11[%dma_start3A_149] : memref<2x!tpu.dma_semaphore, #tpu.memory_space<semaphore_mem>> -> memref<1x!tpu.dma_semaphore, #tpu.memory_space<semaphore_mem>>
      %dma_start3A_161 = tpu.memref_squeeze %dma_start3A_160 : memref<1x!tpu.dma_semaphore, #tpu.memory_space<semaphore_mem>> -> memref<!tpu.dma_semaphore, #tpu.memory_space<semaphore_mem>>
      tpu.enqueue_indirect_dma source(%dma_start3A_153 : memref<128x128xf32, #tpu.memory_space<vmem>>) target(%dma_start3A_159 : memref<10112x128xf32, #tpu.memory_space<vmem_shared>>) offsets(%dma_start3A_156 : memref<128xi32, #tpu.memory_space<vmem>>) semaphore(%dma_start3A_161 : memref<!tpu.dma_semaphore, #tpu.memory_space<semaphore_mem>>) {add = true}
      %dma_wait3A_162 = arith.constant 1 : i32
      %dma_wait3A_163 = arith.constant 1 : i32
      %dma_wait3A_164 = arith.constant 0 : i32
      %dma_wait3A_165 = arith.constant 0 : i32
      %dma_wait3A_166 = tpu.memref_slice %arg8[%dma_wait3A_162, %dma_wait3A_164, %dma_wait3A_165] : memref<2x128x128xf32, #tpu.memory_space<vmem>> -> memref<1x128x128xf32, #tpu.memory_space<vmem>>
      %dma_wait3A_167 = tpu.memref_squeeze %dma_wait3A_166 : memref<1x128x128xf32, #tpu.memory_space<vmem>> -> memref<128x128xf32, #tpu.memory_space<vmem>>
      %dma_wait3A_168 = arith.constant 0 : i32
      %dma_wait3A_169 = tpu.memref_slice %arg7[%add3A_133, %dma_wait3A_168] : memref<40x128xi32, #tpu.memory_space<vmem>> -> memref<1x128xi32, #tpu.memory_space<vmem>>
      %dma_wait3A_170 = tpu.memref_squeeze %dma_wait3A_169 : memref<1x128xi32, #tpu.memory_space<vmem>> -> memref<128xi32, #tpu.memory_space<vmem>>
      %dma_wait3A_171 = arith.constant 0 : i32
      %dma_wait3A_172 = arith.constant 0 : i32
      %dma_wait3A_173 = tpu.memref_slice %arg9[%dma_wait3A_171, %dma_wait3A_172] : memref<10112x128xf32, #tpu.memory_space<vmem_shared>> -> memref<10112x128xf32, #tpu.memory_space<vmem_shared>>
      %dma_wait3A_174 = tpu.memref_slice %arg11[%dma_wait3A_163] : memref<2x!tpu.dma_semaphore, #tpu.memory_space<semaphore_mem>> -> memref<1x!tpu.dma_semaphore, #tpu.memory_space<semaphore_mem>>
      %dma_wait3A_175 = tpu.memref_squeeze %dma_wait3A_174 : memref<1x!tpu.dma_semaphore, #tpu.memory_space<semaphore_mem>> -> memref<!tpu.dma_semaphore, #tpu.memory_space<semaphore_mem>>
      tpu.wait_indirect_dma semaphore(%dma_wait3A_175 : memref<!tpu.dma_semaphore, #tpu.memory_space<semaphore_mem>>) src(%dma_wait3A_167 : memref<128x128xf32, #tpu.memory_space<vmem>>) dst(%dma_wait3A_173 : memref<10112x128xf32, #tpu.memory_space<vmem_shared>>)
      %add3A_176 = arith.constant 2 : i32
      %add3A_177 = arith.addi %add3A_133, %add3A_176 : i32
      %lt3A_178 = arith.constant 40 : i32
      %lt3A_179 = arith.cmpi slt, %add3A_177, %lt3A_178 : i32
      %convert_element_type3A_180 = arith.extui %lt3A_179 : i1 to i32
      %cond3A_181 = arith.constant 0 : i32
      %cond3A_182 = arith.cmpi ne, %convert_element_type3A_180, %cond3A_181 : i32
      scf.if %cond3A_182 {
        %add3A_183 = arith.constant 2 : i32
        %add3A_184 = arith.addi %add3A_133, %add3A_183 : i32
        %dma_start3A_185 = arith.constant 1 : i32
        %dma_start3A_186 = arith.constant 1 : i32
        %dma_start3A_187 = arith.constant 0 : i32
        %dma_start3A_188 = arith.constant 0 : i32
        %dma_start3A_189 = tpu.memref_slice %arg8[%dma_start3A_185, %dma_start3A_187, %dma_start3A_188] : memref<2x128x128xf32, #tpu.memory_space<vmem>> -> memref<1x128x128xf32, #tpu.memory_space<vmem>>
        %dma_start3A_190 = tpu.memref_squeeze %dma_start3A_189 : memref<1x128x128xf32, #tpu.memory_space<vmem>> -> memref<128x128xf32, #tpu.memory_space<vmem>>
        %dma_start3A_191 = arith.constant 0 : i32
        %dma_start3A_192 = tpu.memref_slice %arg6[%add3A_184, %dma_start3A_191] : memref<40x128xi32, #tpu.memory_space<vmem>> -> memref<1x128xi32, #tpu.memory_space<vmem>>
        %dma_start3A_193 = tpu.memref_squeeze %dma_start3A_192 : memref<1x128xi32, #tpu.memory_space<vmem>> -> memref<128xi32, #tpu.memory_space<vmem>>
        %dma_start3A_194 = arith.constant 0 : i32
        %dma_start3A_195 = arith.constant 0 : i32
        %dma_start3A_196 = tpu.memref_slice %arg4[%dma_start3A_194, %dma_start3A_195] : memref<10112x128xf32, #tpu.memory_space<hbm>> -> memref<10112x128xf32, #tpu.memory_space<hbm>>
        %dma_start3A_197 = tpu.memref_slice %arg10[%dma_start3A_186] : memref<2x!tpu.dma_semaphore, #tpu.memory_space<semaphore_mem>> -> memref<1x!tpu.dma_semaphore, #tpu.memory_space<semaphore_mem>>
        %dma_start3A_198 = tpu.memref_squeeze %dma_start3A_197 : memref<1x!tpu.dma_semaphore, #tpu.memory_space<semaphore_mem>> -> memref<!tpu.dma_semaphore, #tpu.memory_space<semaphore_mem>>
        tpu.enqueue_indirect_dma source(%dma_start3A_196 : memref<10112x128xf32, #tpu.memory_space<hbm>>) target(%dma_start3A_190 : memref<128x128xf32, #tpu.memory_space<vmem>>) offsets(%dma_start3A_193 : memref<128xi32, #tpu.memory_space<vmem>>) semaphore(%dma_start3A_198 : memref<!tpu.dma_semaphore, #tpu.memory_space<semaphore_mem>>)
      } else {
      }
    }
    %scan3A_38 = arith.constant 20 : i32
    "tpu.region"() ({
      %run_scoped3A = tpu.sem_alloc : memref<!tpu.dma_semaphore, #tpu.memory_space<semaphore_mem>>
      %dma_start3A_80 = arith.constant 40 : i32
      %dma_start3A_81 = arith.constant 0 : i32
      %dma_start3A_82 = tpu.memref_slice %arg2[%add3A, %dma_start3A_80, %dma_start3A_81] : memref<32x80x128xi32, #tpu.memory_space<hbm>> -> memref<1x40x128xi32, #tpu.memory_space<hbm>>
      %dma_start3A_83 = tpu.memref_squeeze %dma_start3A_82 : memref<1x40x128xi32, #tpu.memory_space<hbm>> -> memref<40x128xi32, #tpu.memory_space<hbm>>
      %dma_start3A_84 = arith.constant 40 : i32
      %dma_start3A_85 = arith.constant 0 : i32
      %dma_start3A_86 = tpu.memref_slice %arg2[%add3A, %dma_start3A_84, %dma_start3A_85] : memref<32x80x128xi32, #tpu.memory_space<hbm>> -> memref<1x40x128xi32, #tpu.memory_space<hbm>>
      %dma_start3A_87 = tpu.memref_squeeze %dma_start3A_86 : memref<1x40x128xi32, #tpu.memory_space<hbm>> -> memref<40x128xi32, #tpu.memory_space<hbm>>
      tpu.enqueue_dma source(%dma_start3A_87 : memref<40x128xi32, #tpu.memory_space<hbm>>) target(%arg6 : memref<40x128xi32, #tpu.memory_space<vmem>>) target_semaphore(%run_scoped3A : memref<!tpu.dma_semaphore, #tpu.memory_space<semaphore_mem>>)
      %dma_wait3A = arith.constant 40 : i32
      %dma_wait3A_88 = arith.constant 0 : i32
      %dma_wait3A_89 = tpu.memref_slice %arg2[%add3A, %dma_wait3A, %dma_wait3A_88] : memref<32x80x128xi32, #tpu.memory_space<hbm>> -> memref<1x40x128xi32, #tpu.memory_space<hbm>>
      %dma_wait3A_90 = tpu.memref_squeeze %dma_wait3A_89 : memref<1x40x128xi32, #tpu.memory_space<hbm>> -> memref<40x128xi32, #tpu.memory_space<hbm>>
      %dma_wait3A_91 = arith.constant 40 : i32
      %dma_wait3A_92 = arith.constant 0 : i32
      %dma_wait3A_93 = tpu.memref_slice %arg2[%add3A, %dma_wait3A_91, %dma_wait3A_92] : memref<32x80x128xi32, #tpu.memory_space<hbm>> -> memref<1x40x128xi32, #tpu.memory_space<hbm>>
      %dma_wait3A_94 = tpu.memref_squeeze %dma_wait3A_93 : memref<1x40x128xi32, #tpu.memory_space<hbm>> -> memref<40x128xi32, #tpu.memory_space<hbm>>
      tpu.wait_dma2 semaphore(%run_scoped3A : memref<!tpu.dma_semaphore, #tpu.memory_space<semaphore_mem>>) src(%dma_wait3A_94 : memref<40x128xi32, #tpu.memory_space<hbm>>) dst(%arg6 : memref<40x128xi32, #tpu.memory_space<vmem>>)
      tpu.yield
    }) : () -> ()
    "tpu.region"() ({
      %run_scoped3A = tpu.sem_alloc : memref<!tpu.dma_semaphore, #tpu.memory_space<semaphore_mem>>
      %dma_start3A_80 = arith.constant 40 : i32
      %dma_start3A_81 = arith.constant 0 : i32
      %dma_start3A_82 = tpu.memref_slice %arg3[%add3A, %dma_start3A_80, %dma_start3A_81] : memref<32x80x128xi32, #tpu.memory_space<hbm>> -> memref<1x40x128xi32, #tpu.memory_space<hbm>>
      %dma_start3A_83 = tpu.memref_squeeze %dma_start3A_82 : memref<1x40x128xi32, #tpu.memory_space<hbm>> -> memref<40x128xi32, #tpu.memory_space<hbm>>
      %dma_start3A_84 = arith.constant 40 : i32
      %dma_start3A_85 = arith.constant 0 : i32
      %dma_start3A_86 = tpu.memref_slice %arg3[%add3A, %dma_start3A_84, %dma_start3A_85] : memref<32x80x128xi32, #tpu.memory_space<hbm>> -> memref<1x40x128xi32, #tpu.memory_space<hbm>>
      %dma_start3A_87 = tpu.memref_squeeze %dma_start3A_86 : memref<1x40x128xi32, #tpu.memory_space<hbm>> -> memref<40x128xi32, #tpu.memory_space<hbm>>
      tpu.enqueue_dma source(%dma_start3A_87 : memref<40x128xi32, #tpu.memory_space<hbm>>) target(%arg7 : memref<40x128xi32, #tpu.memory_space<vmem>>) target_semaphore(%run_scoped3A : memref<!tpu.dma_semaphore, #tpu.memory_space<semaphore_mem>>)
      %dma_wait3A = arith.constant 40 : i32
      %dma_wait3A_88 = arith.constant 0 : i32
      %dma_wait3A_89 = tpu.memref_slice %arg3[%add3A, %dma_wait3A, %dma_wait3A_88] : memref<32x80x128xi32, #tpu.memory_space<hbm>> -> memref<1x40x128xi32, #tpu.memory_space<hbm>>
      %dma_wait3A_90 = tpu.memref_squeeze %dma_wait3A_89 : memref<1x40x128xi32, #tpu.memory_space<hbm>> -> memref<40x128xi32, #tpu.memory_space<hbm>>
      %dma_wait3A_91 = arith.constant 40 : i32
      %dma_wait3A_92 = arith.constant 0 : i32
      %dma_wait3A_93 = tpu.memref_slice %arg3[%add3A, %dma_wait3A_91, %dma_wait3A_92] : memref<32x80x128xi32, #tpu.memory_space<hbm>> -> memref<1x40x128xi32, #tpu.memory_space<hbm>>
      %dma_wait3A_94 = tpu.memref_squeeze %dma_wait3A_93 : memref<1x40x128xi32, #tpu.memory_space<hbm>> -> memref<40x128xi32, #tpu.memory_space<hbm>>
      tpu.wait_dma2 semaphore(%run_scoped3A : memref<!tpu.dma_semaphore, #tpu.memory_space<semaphore_mem>>) src(%dma_wait3A_94 : memref<40x128xi32, #tpu.memory_space<hbm>>) dst(%arg7 : memref<40x128xi32, #tpu.memory_space<vmem>>)
      tpu.yield
    }) : () -> ()
    %dma_start3A_39 = arith.constant 0 : i32
    %dma_start3A_40 = arith.constant 0 : i32
    %dma_start3A_41 = arith.constant 0 : i32
    %dma_start3A_42 = arith.constant 0 : i32
    %dma_start3A_43 = arith.constant 0 : i32
    %dma_start3A_44 = tpu.memref_slice %arg8[%dma_start3A_40, %dma_start3A_42, %dma_start3A_43] : memref<2x128x128xf32, #tpu.memory_space<vmem>> -> memref<1x128x128xf32, #tpu.memory_space<vmem>>
    %dma_start3A_45 = tpu.memref_squeeze %dma_start3A_44 : memref<1x128x128xf32, #tpu.memory_space<vmem>> -> memref<128x128xf32, #tpu.memory_space<vmem>>
    %dma_start3A_46 = arith.constant 0 : i32
    %dma_start3A_47 = tpu.memref_slice %arg6[%dma_start3A_39, %dma_start3A_46] : memref<40x128xi32, #tpu.memory_space<vmem>> -> memref<1x128xi32, #tpu.memory_space<vmem>>
    %dma_start3A_48 = tpu.memref_squeeze %dma_start3A_47 : memref<1x128xi32, #tpu.memory_space<vmem>> -> memref<128xi32, #tpu.memory_space<vmem>>
    %dma_start3A_49 = arith.constant 0 : i32
    %dma_start3A_50 = arith.constant 0 : i32
    %dma_start3A_51 = tpu.memref_slice %arg4[%dma_start3A_49, %dma_start3A_50] : memref<10112x128xf32, #tpu.memory_space<hbm>> -> memref<10112x128xf32, #tpu.memory_space<hbm>>
    %dma_start3A_52 = tpu.memref_slice %arg10[%dma_start3A_41] : memref<2x!tpu.dma_semaphore, #tpu.memory_space<semaphore_mem>> -> memref<1x!tpu.dma_semaphore, #tpu.memory_space<semaphore_mem>>
    %dma_start3A_53 = tpu.memref_squeeze %dma_start3A_52 : memref<1x!tpu.dma_semaphore, #tpu.memory_space<semaphore_mem>> -> memref<!tpu.dma_semaphore, #tpu.memory_space<semaphore_mem>>
    tpu.enqueue_indirect_dma source(%dma_start3A_51 : memref<10112x128xf32, #tpu.memory_space<hbm>>) target(%dma_start3A_45 : memref<128x128xf32, #tpu.memory_space<vmem>>) offsets(%dma_start3A_48 : memref<128xi32, #tpu.memory_space<vmem>>) semaphore(%dma_start3A_53 : memref<!tpu.dma_semaphore, #tpu.memory_space<semaphore_mem>>)
    %dma_start3A_54 = arith.constant 1 : i32
    %dma_start3A_55 = arith.constant 1 : i32
    %dma_start3A_56 = arith.constant 1 : i32
    %dma_start3A_57 = arith.constant 0 : i32
    %dma_start3A_58 = arith.constant 0 : i32
    %dma_start3A_59 = tpu.memref_slice %arg8[%dma_start3A_55, %dma_start3A_57, %dma_start3A_58] : memref<2x128x128xf32, #tpu.memory_space<vmem>> -> memref<1x128x128xf32, #tpu.memory_space<vmem>>
    %dma_start3A_60 = tpu.memref_squeeze %dma_start3A_59 : memref<1x128x128xf32, #tpu.memory_space<vmem>> -> memref<128x128xf32, #tpu.memory_space<vmem>>
    %dma_start3A_61 = arith.constant 0 : i32
    %dma_start3A_62 = tpu.memref_slice %arg6[%dma_start3A_54, %dma_start3A_61] : memref<40x128xi32, #tpu.memory_space<vmem>> -> memref<1x128xi32, #tpu.memory_space<vmem>>
    %dma_start3A_63 = tpu.memref_squeeze %dma_start3A_62 : memref<1x128xi32, #tpu.memory_space<vmem>> -> memref<128xi32, #tpu.memory_space<vmem>>
    %dma_start3A_64 = arith.constant 0 : i32
    %dma_start3A_65 = arith.constant 0 : i32
    %dma_start3A_66 = tpu.memref_slice %arg4[%dma_start3A_64, %dma_start3A_65] : memref<10112x128xf32, #tpu.memory_space<hbm>> -> memref<10112x128xf32, #tpu.memory_space<hbm>>
    %dma_start3A_67 = tpu.memref_slice %arg10[%dma_start3A_56] : memref<2x!tpu.dma_semaphore, #tpu.memory_space<semaphore_mem>> -> memref<1x!tpu.dma_semaphore, #tpu.memory_space<semaphore_mem>>
    %dma_start3A_68 = tpu.memref_squeeze %dma_start3A_67 : memref<1x!tpu.dma_semaphore, #tpu.memory_space<semaphore_mem>> -> memref<!tpu.dma_semaphore, #tpu.memory_space<semaphore_mem>>
    tpu.enqueue_indirect_dma source(%dma_start3A_66 : memref<10112x128xf32, #tpu.memory_space<hbm>>) target(%dma_start3A_60 : memref<128x128xf32, #tpu.memory_space<vmem>>) offsets(%dma_start3A_63 : memref<128xi32, #tpu.memory_space<vmem>>) semaphore(%dma_start3A_68 : memref<!tpu.dma_semaphore, #tpu.memory_space<semaphore_mem>>)
    %scan3A_69 = arith.constant 0 : i32
    %scan3A_70 = arith.constant 0 : i32
    %scan3A_71 = arith.constant 20 : i32
    %scan3A_72 = arith.addi %scan3A_70, %scan3A_71 : i32
    %scan3A_73 = arith.constant 1 : i32
    scf.for %scan3A_80 = %scan3A_70 to %scan3A_72 step %scan3A_73  : i32 {
      %mul3A_81 = arith.constant 2 : i32
      %mul3A_82 = arith.muli %scan3A_80, %mul3A_81 : i32
      %add3A_83 = arith.constant 0 : i32
      %add3A_84 = arith.addi %mul3A_82, %add3A_83 : i32
      %dma_wait3A = arith.constant 0 : i32
      %dma_wait3A_85 = arith.constant 0 : i32
      %dma_wait3A_86 = arith.constant 0 : i32
      %dma_wait3A_87 = arith.constant 0 : i32
      %dma_wait3A_88 = tpu.memref_slice %arg8[%dma_wait3A, %dma_wait3A_86, %dma_wait3A_87] : memref<2x128x128xf32, #tpu.memory_space<vmem>> -> memref<1x128x128xf32, #tpu.memory_space<vmem>>
      %dma_wait3A_89 = tpu.memref_squeeze %dma_wait3A_88 : memref<1x128x128xf32, #tpu.memory_space<vmem>> -> memref<128x128xf32, #tpu.memory_space<vmem>>
      %dma_wait3A_90 = arith.constant 0 : i32
      %dma_wait3A_91 = tpu.memref_slice %arg6[%add3A_84, %dma_wait3A_90] : memref<40x128xi32, #tpu.memory_space<vmem>> -> memref<1x128xi32, #tpu.memory_space<vmem>>
      %dma_wait3A_92 = tpu.memref_squeeze %dma_wait3A_91 : memref<1x128xi32, #tpu.memory_space<vmem>> -> memref<128xi32, #tpu.memory_space<vmem>>
      %dma_wait3A_93 = arith.constant 0 : i32
      %dma_wait3A_94 = arith.constant 0 : i32
      %dma_wait3A_95 = tpu.memref_slice %arg4[%dma_wait3A_93, %dma_wait3A_94] : memref<10112x128xf32, #tpu.memory_space<hbm>> -> memref<10112x128xf32, #tpu.memory_space<hbm>>
      %dma_wait3A_96 = tpu.memref_slice %arg10[%dma_wait3A_85] : memref<2x!tpu.dma_semaphore, #tpu.memory_space<semaphore_mem>> -> memref<1x!tpu.dma_semaphore, #tpu.memory_space<semaphore_mem>>
      %dma_wait3A_97 = tpu.memref_squeeze %dma_wait3A_96 : memref<1x!tpu.dma_semaphore, #tpu.memory_space<semaphore_mem>> -> memref<!tpu.dma_semaphore, #tpu.memory_space<semaphore_mem>>
      tpu.wait_indirect_dma semaphore(%dma_wait3A_97 : memref<!tpu.dma_semaphore, #tpu.memory_space<semaphore_mem>>) src(%dma_wait3A_95 : memref<10112x128xf32, #tpu.memory_space<hbm>>) dst(%dma_wait3A_89 : memref<128x128xf32, #tpu.memory_space<vmem>>)
      %dma_start3A_98 = arith.constant 0 : i32
      %dma_start3A_99 = arith.constant 0 : i32
      %dma_start3A_100 = arith.constant 0 : i32
      %dma_start3A_101 = arith.constant 0 : i32
      %dma_start3A_102 = tpu.memref_slice %arg8[%dma_start3A_98, %dma_start3A_100, %dma_start3A_101] : memref<2x128x128xf32, #tpu.memory_space<vmem>> -> memref<1x128x128xf32, #tpu.memory_space<vmem>>
      %dma_start3A_103 = tpu.memref_squeeze %dma_start3A_102 : memref<1x128x128xf32, #tpu.memory_space<vmem>> -> memref<128x128xf32, #tpu.memory_space<vmem>>
      %dma_start3A_104 = arith.constant 0 : i32
      %dma_start3A_105 = tpu.memref_slice %arg7[%add3A_84, %dma_start3A_104] : memref<40x128xi32, #tpu.memory_space<vmem>> -> memref<1x128xi32, #tpu.memory_space<vmem>>
      %dma_start3A_106 = tpu.memref_squeeze %dma_start3A_105 : memref<1x128xi32, #tpu.memory_space<vmem>> -> memref<128xi32, #tpu.memory_space<vmem>>
      %dma_start3A_107 = arith.constant 0 : i32
      %dma_start3A_108 = arith.constant 0 : i32
      %dma_start3A_109 = tpu.memref_slice %arg9[%dma_start3A_107, %dma_start3A_108] : memref<10112x128xf32, #tpu.memory_space<vmem_shared>> -> memref<10112x128xf32, #tpu.memory_space<vmem_shared>>
      %dma_start3A_110 = tpu.memref_slice %arg11[%dma_start3A_99] : memref<2x!tpu.dma_semaphore, #tpu.memory_space<semaphore_mem>> -> memref<1x!tpu.dma_semaphore, #tpu.memory_space<semaphore_mem>>
      %dma_start3A_111 = tpu.memref_squeeze %dma_start3A_110 : memref<1x!tpu.dma_semaphore, #tpu.memory_space<semaphore_mem>> -> memref<!tpu.dma_semaphore, #tpu.memory_space<semaphore_mem>>
      tpu.enqueue_indirect_dma source(%dma_start3A_103 : memref<128x128xf32, #tpu.memory_space<vmem>>) target(%dma_start3A_109 : memref<10112x128xf32, #tpu.memory_space<vmem_shared>>) offsets(%dma_start3A_106 : memref<128xi32, #tpu.memory_space<vmem>>) semaphore(%dma_start3A_111 : memref<!tpu.dma_semaphore, #tpu.memory_space<semaphore_mem>>) {add = true}
      %dma_wait3A_112 = arith.constant 0 : i32
      %dma_wait3A_113 = arith.constant 0 : i32
      %dma_wait3A_114 = arith.constant 0 : i32
      %dma_wait3A_115 = arith.constant 0 : i32
      %dma_wait3A_116 = tpu.memref_slice %arg8[%dma_wait3A_112, %dma_wait3A_114, %dma_wait3A_115] : memref<2x128x128xf32, #tpu.memory_space<vmem>> -> memref<1x128x128xf32, #tpu.memory_space<vmem>>
      %dma_wait3A_117 = tpu.memref_squeeze %dma_wait3A_116 : memref<1x128x128xf32, #tpu.memory_space<vmem>> -> memref<128x128xf32, #tpu.memory_space<vmem>>
      %dma_wait3A_118 = arith.constant 0 : i32
      %dma_wait3A_119 = tpu.memref_slice %arg7[%add3A_84, %dma_wait3A_118] : memref<40x128xi32, #tpu.memory_space<vmem>> -> memref<1x128xi32, #tpu.memory_space<vmem>>
      %dma_wait3A_120 = tpu.memref_squeeze %dma_wait3A_119 : memref<1x128xi32, #tpu.memory_space<vmem>> -> memref<128xi32, #tpu.memory_space<vmem>>
      %dma_wait3A_121 = arith.constant 0 : i32
      %dma_wait3A_122 = arith.constant 0 : i32
      %dma_wait3A_123 = tpu.memref_slice %arg9[%dma_wait3A_121, %dma_wait3A_122] : memref<10112x128xf32, #tpu.memory_space<vmem_shared>> -> memref<10112x128xf32, #tpu.memory_space<vmem_shared>>
      %dma_wait3A_124 = tpu.memref_slice %arg11[%dma_wait3A_113] : memref<2x!tpu.dma_semaphore, #tpu.memory_space<semaphore_mem>> -> memref<1x!tpu.dma_semaphore, #tpu.memory_space<semaphore_mem>>
      %dma_wait3A_125 = tpu.memref_squeeze %dma_wait3A_124 : memref<1x!tpu.dma_semaphore, #tpu.memory_space<semaphore_mem>> -> memref<!tpu.dma_semaphore, #tpu.memory_space<semaphore_mem>>
      tpu.wait_indirect_dma semaphore(%dma_wait3A_125 : memref<!tpu.dma_semaphore, #tpu.memory_space<semaphore_mem>>) src(%dma_wait3A_117 : memref<128x128xf32, #tpu.memory_space<vmem>>) dst(%dma_wait3A_123 : memref<10112x128xf32, #tpu.memory_space<vmem_shared>>)
      %add3A_126 = arith.constant 2 : i32
      %add3A_127 = arith.addi %add3A_84, %add3A_126 : i32
      %lt3A = arith.constant 40 : i32
      %lt3A_128 = arith.cmpi slt, %add3A_127, %lt3A : i32
      %convert_element_type3A = arith.extui %lt3A_128 : i1 to i32
      %cond3A = arith.constant 0 : i32
      %cond3A_129 = arith.cmpi ne, %convert_element_type3A, %cond3A : i32
      scf.if %cond3A_129 {
        %add3A_183 = arith.constant 2 : i32
        %add3A_184 = arith.addi %add3A_84, %add3A_183 : i32
        %dma_start3A_185 = arith.constant 0 : i32
        %dma_start3A_186 = arith.constant 0 : i32
        %dma_start3A_187 = arith.constant 0 : i32
        %dma_start3A_188 = arith.constant 0 : i32
        %dma_start3A_189 = tpu.memref_slice %arg8[%dma_start3A_185, %dma_start3A_187, %dma_start3A_188] : memref<2x128x128xf32, #tpu.memory_space<vmem>> -> memref<1x128x128xf32, #tpu.memory_space<vmem>>
        %dma_start3A_190 = tpu.memref_squeeze %dma_start3A_189 : memref<1x128x128xf32, #tpu.memory_space<vmem>> -> memref<128x128xf32, #tpu.memory_space<vmem>>
        %dma_start3A_191 = arith.constant 0 : i32
        %dma_start3A_192 = tpu.memref_slice %arg6[%add3A_184, %dma_start3A_191] : memref<40x128xi32, #tpu.memory_space<vmem>> -> memref<1x128xi32, #tpu.memory_space<vmem>>
        %dma_start3A_193 = tpu.memref_squeeze %dma_start3A_192 : memref<1x128xi32, #tpu.memory_space<vmem>> -> memref<128xi32, #tpu.memory_space<vmem>>
        %dma_start3A_194 = arith.constant 0 : i32
        %dma_start3A_195 = arith.constant 0 : i32
        %dma_start3A_196 = tpu.memref_slice %arg4[%dma_start3A_194, %dma_start3A_195] : memref<10112x128xf32, #tpu.memory_space<hbm>> -> memref<10112x128xf32, #tpu.memory_space<hbm>>
        %dma_start3A_197 = tpu.memref_slice %arg10[%dma_start3A_186] : memref<2x!tpu.dma_semaphore, #tpu.memory_space<semaphore_mem>> -> memref<1x!tpu.dma_semaphore, #tpu.memory_space<semaphore_mem>>
        %dma_start3A_198 = tpu.memref_squeeze %dma_start3A_197 : memref<1x!tpu.dma_semaphore, #tpu.memory_space<semaphore_mem>> -> memref<!tpu.dma_semaphore, #tpu.memory_space<semaphore_mem>>
        tpu.enqueue_indirect_dma source(%dma_start3A_196 : memref<10112x128xf32, #tpu.memory_space<hbm>>) target(%dma_start3A_190 : memref<128x128xf32, #tpu.memory_space<vmem>>) offsets(%dma_start3A_193 : memref<128xi32, #tpu.memory_space<vmem>>) semaphore(%dma_start3A_198 : memref<!tpu.dma_semaphore, #tpu.memory_space<semaphore_mem>>)
      } else {
      }
      %mul3A_130 = arith.constant 2 : i32
      %mul3A_131 = arith.muli %scan3A_80, %mul3A_130 : i32
      %add3A_132 = arith.constant 1 : i32
      %add3A_133 = arith.addi %mul3A_131, %add3A_132 : i32
      %dma_wait3A_134 = arith.constant 1 : i32
      %dma_wait3A_135 = arith.constant 1 : i32
      %dma_wait3A_136 = arith.constant 0 : i32
      %dma_wait3A_137 = arith.constant 0 : i32
      %dma_wait3A_138 = tpu.memref_slice %arg8[%dma_wait3A_134, %dma_wait3A_136, %dma_wait3A_137] : memref<2x128x128xf32, #tpu.memory_space<vmem>> -> memref<1x128x128xf32, #tpu.memory_space<vmem>>
      %dma_wait3A_139 = tpu.memref_squeeze %dma_wait3A_138 : memref<1x128x128xf32, #tpu.memory_space<vmem>> -> memref<128x128xf32, #tpu.memory_space<vmem>>
      %dma_wait3A_140 = arith.constant 0 : i32
      %dma_wait3A_141 = tpu.memref_slice %arg6[%add3A_133, %dma_wait3A_140] : memref<40x128xi32, #tpu.memory_space<vmem>> -> memref<1x128xi32, #tpu.memory_space<vmem>>
      %dma_wait3A_142 = tpu.memref_squeeze %dma_wait3A_141 : memref<1x128xi32, #tpu.memory_space<vmem>> -> memref<128xi32, #tpu.memory_space<vmem>>
      %dma_wait3A_143 = arith.constant 0 : i32
      %dma_wait3A_144 = arith.constant 0 : i32
      %dma_wait3A_145 = tpu.memref_slice %arg4[%dma_wait3A_143, %dma_wait3A_144] : memref<10112x128xf32, #tpu.memory_space<hbm>> -> memref<10112x128xf32, #tpu.memory_space<hbm>>
      %dma_wait3A_146 = tpu.memref_slice %arg10[%dma_wait3A_135] : memref<2x!tpu.dma_semaphore, #tpu.memory_space<semaphore_mem>> -> memref<1x!tpu.dma_semaphore, #tpu.memory_space<semaphore_mem>>
      %dma_wait3A_147 = tpu.memref_squeeze %dma_wait3A_146 : memref<1x!tpu.dma_semaphore, #tpu.memory_space<semaphore_mem>> -> memref<!tpu.dma_semaphore, #tpu.memory_space<semaphore_mem>>
      tpu.wait_indirect_dma semaphore(%dma_wait3A_147 : memref<!tpu.dma_semaphore, #tpu.memory_space<semaphore_mem>>) src(%dma_wait3A_145 : memref<10112x128xf32, #tpu.memory_space<hbm>>) dst(%dma_wait3A_139 : memref<128x128xf32, #tpu.memory_space<vmem>>)
      %dma_start3A_148 = arith.constant 1 : i32
      %dma_start3A_149 = arith.constant 1 : i32
      %dma_start3A_150 = arith.constant 0 : i32
      %dma_start3A_151 = arith.constant 0 : i32
      %dma_start3A_152 = tpu.memref_slice %arg8[%dma_start3A_148, %dma_start3A_150, %dma_start3A_151] : memref<2x128x128xf32, #tpu.memory_space<vmem>> -> memref<1x128x128xf32, #tpu.memory_space<vmem>>
      %dma_start3A_153 = tpu.memref_squeeze %dma_start3A_152 : memref<1x128x128xf32, #tpu.memory_space<vmem>> -> memref<128x128xf32, #tpu.memory_space<vmem>>
      %dma_start3A_154 = arith.constant 0 : i32
      %dma_start3A_155 = tpu.memref_slice %arg7[%add3A_133, %dma_start3A_154] : memref<40x128xi32, #tpu.memory_space<vmem>> -> memref<1x128xi32, #tpu.memory_space<vmem>>
      %dma_start3A_156 = tpu.memref_squeeze %dma_start3A_155 : memref<1x128xi32, #tpu.memory_space<vmem>> -> memref<128xi32, #tpu.memory_space<vmem>>
      %dma_start3A_157 = arith.constant 0 : i32
      %dma_start3A_158 = arith.constant 0 : i32
      %dma_start3A_159 = tpu.memref_slice %arg9[%dma_start3A_157, %dma_start3A_158] : memref<10112x128xf32, #tpu.memory_space<vmem_shared>> -> memref<10112x128xf32, #tpu.memory_space<vmem_shared>>
      %dma_start3A_160 = tpu.memref_slice %arg11[%dma_start3A_149] : memref<2x!tpu.dma_semaphore, #tpu.memory_space<semaphore_mem>> -> memref<1x!tpu.dma_semaphore, #tpu.memory_space<semaphore_mem>>
      %dma_start3A_161 = tpu.memref_squeeze %dma_start3A_160 : memref<1x!tpu.dma_semaphore, #tpu.memory_space<semaphore_mem>> -> memref<!tpu.dma_semaphore, #tpu.memory_space<semaphore_mem>>
      tpu.enqueue_indirect_dma source(%dma_start3A_153 : memref<128x128xf32, #tpu.memory_space<vmem>>) target(%dma_start3A_159 : memref<10112x128xf32, #tpu.memory_space<vmem_shared>>) offsets(%dma_start3A_156 : memref<128xi32, #tpu.memory_space<vmem>>) semaphore(%dma_start3A_161 : memref<!tpu.dma_semaphore, #tpu.memory_space<semaphore_mem>>) {add = true}
      %dma_wait3A_162 = arith.constant 1 : i32
      %dma_wait3A_163 = arith.constant 1 : i32
      %dma_wait3A_164 = arith.constant 0 : i32
      %dma_wait3A_165 = arith.constant 0 : i32
      %dma_wait3A_166 = tpu.memref_slice %arg8[%dma_wait3A_162, %dma_wait3A_164, %dma_wait3A_165] : memref<2x128x128xf32, #tpu.memory_space<vmem>> -> memref<1x128x128xf32, #tpu.memory_space<vmem>>
      %dma_wait3A_167 = tpu.memref_squeeze %dma_wait3A_166 : memref<1x128x128xf32, #tpu.memory_space<vmem>> -> memref<128x128xf32, #tpu.memory_space<vmem>>
      %dma_wait3A_168 = arith.constant 0 : i32
      %dma_wait3A_169 = tpu.memref_slice %arg7[%add3A_133, %dma_wait3A_168] : memref<40x128xi32, #tpu.memory_space<vmem>> -> memref<1x128xi32, #tpu.memory_space<vmem>>
      %dma_wait3A_170 = tpu.memref_squeeze %dma_wait3A_169 : memref<1x128xi32, #tpu.memory_space<vmem>> -> memref<128xi32, #tpu.memory_space<vmem>>
      %dma_wait3A_171 = arith.constant 0 : i32
      %dma_wait3A_172 = arith.constant 0 : i32
      %dma_wait3A_173 = tpu.memref_slice %arg9[%dma_wait3A_171, %dma_wait3A_172] : memref<10112x128xf32, #tpu.memory_space<vmem_shared>> -> memref<10112x128xf32, #tpu.memory_space<vmem_shared>>
      %dma_wait3A_174 = tpu.memref_slice %arg11[%dma_wait3A_163] : memref<2x!tpu.dma_semaphore, #tpu.memory_space<semaphore_mem>> -> memref<1x!tpu.dma_semaphore, #tpu.memory_space<semaphore_mem>>
      %dma_wait3A_175 = tpu.memref_squeeze %dma_wait3A_174 : memref<1x!tpu.dma_semaphore, #tpu.memory_space<semaphore_mem>> -> memref<!tpu.dma_semaphore, #tpu.memory_space<semaphore_mem>>
      tpu.wait_indirect_dma semaphore(%dma_wait3A_175 : memref<!tpu.dma_semaphore, #tpu.memory_space<semaphore_mem>>) src(%dma_wait3A_167 : memref<128x128xf32, #tpu.memory_space<vmem>>) dst(%dma_wait3A_173 : memref<10112x128xf32, #tpu.memory_space<vmem_shared>>)
      %add3A_176 = arith.constant 2 : i32
      %add3A_177 = arith.addi %add3A_133, %add3A_176 : i32
      %lt3A_178 = arith.constant 40 : i32
      %lt3A_179 = arith.cmpi slt, %add3A_177, %lt3A_178 : i32
      %convert_element_type3A_180 = arith.extui %lt3A_179 : i1 to i32
      %cond3A_181 = arith.constant 0 : i32
      %cond3A_182 = arith.cmpi ne, %convert_element_type3A_180, %cond3A_181 : i32
      scf.if %cond3A_182 {
        %add3A_183 = arith.constant 2 : i32
        %add3A_184 = arith.addi %add3A_133, %add3A_183 : i32
        %dma_start3A_185 = arith.constant 1 : i32
        %dma_start3A_186 = arith.constant 1 : i32
        %dma_start3A_187 = arith.constant 0 : i32
        %dma_start3A_188 = arith.constant 0 : i32
        %dma_start3A_189 = tpu.memref_slice %arg8[%dma_start3A_185, %dma_start3A_187, %dma_start3A_188] : memref<2x128x128xf32, #tpu.memory_space<vmem>> -> memref<1x128x128xf32, #tpu.memory_space<vmem>>
        %dma_start3A_190 = tpu.memref_squeeze %dma_start3A_189 : memref<1x128x128xf32, #tpu.memory_space<vmem>> -> memref<128x128xf32, #tpu.memory_space<vmem>>
        %dma_start3A_191 = arith.constant 0 : i32
        %dma_start3A_192 = tpu.memref_slice %arg6[%add3A_184, %dma_start3A_191] : memref<40x128xi32, #tpu.memory_space<vmem>> -> memref<1x128xi32, #tpu.memory_space<vmem>>
        %dma_start3A_193 = tpu.memref_squeeze %dma_start3A_192 : memref<1x128xi32, #tpu.memory_space<vmem>> -> memref<128xi32, #tpu.memory_space<vmem>>
        %dma_start3A_194 = arith.constant 0 : i32
        %dma_start3A_195 = arith.constant 0 : i32
        %dma_start3A_196 = tpu.memref_slice %arg4[%dma_start3A_194, %dma_start3A_195] : memref<10112x128xf32, #tpu.memory_space<hbm>> -> memref<10112x128xf32, #tpu.memory_space<hbm>>
        %dma_start3A_197 = tpu.memref_slice %arg10[%dma_start3A_186] : memref<2x!tpu.dma_semaphore, #tpu.memory_space<semaphore_mem>> -> memref<1x!tpu.dma_semaphore, #tpu.memory_space<semaphore_mem>>
        %dma_start3A_198 = tpu.memref_squeeze %dma_start3A_197 : memref<1x!tpu.dma_semaphore, #tpu.memory_space<semaphore_mem>> -> memref<!tpu.dma_semaphore, #tpu.memory_space<semaphore_mem>>
        tpu.enqueue_indirect_dma source(%dma_start3A_196 : memref<10112x128xf32, #tpu.memory_space<hbm>>) target(%dma_start3A_190 : memref<128x128xf32, #tpu.memory_space<vmem>>) offsets(%dma_start3A_193 : memref<128xi32, #tpu.memory_space<vmem>>) semaphore(%dma_start3A_198 : memref<!tpu.dma_semaphore, #tpu.memory_space<semaphore_mem>>)
      } else {
      }
    }
    %scan3A_74 = arith.constant 20 : i32
    %barrier3A_75 = arith.constant 0 : index
    tpu.barrier barrier_id(%barrier3A_75)
    %mul3A_76 = arith.constant 632 : i32
    %mul3A_77 = arith.muli %arg1, %mul3A_76 : i32
    %mul3A_78 = arith.constant 632 : i32
    %mul3A_79 = arith.muli %arg1, %mul3A_78 : i32
    "tpu.region"() ({
      %run_scoped3A = tpu.sem_alloc : memref<!tpu.dma_semaphore, #tpu.memory_space<semaphore_mem>>
      %dma_start3A_80 = arith.constant 0 : i32
      %dma_start3A_81 = tpu.memref_slice %arg5[%arg0, %mul3A_79, %dma_start3A_80] : memref<2x10112x128xf32, #tpu.memory_space<hbm>> -> memref<1x632x128xf32, #tpu.memory_space<hbm>>
      %dma_start3A_82 = tpu.memref_squeeze %dma_start3A_81 : memref<1x632x128xf32, #tpu.memory_space<hbm>> -> memref<632x128xf32, #tpu.memory_space<hbm>>
      %dma_start3A_83 = arith.constant 0 : i32
      %dma_start3A_84 = tpu.memref_slice %arg9[%mul3A_77, %dma_start3A_83] : memref<10112x128xf32, #tpu.memory_space<vmem_shared>> -> memref<632x128xf32, #tpu.memory_space<vmem_shared>>
      tpu.enqueue_dma source(%dma_start3A_84 : memref<632x128xf32, #tpu.memory_space<vmem_shared>>) target(%dma_start3A_82 : memref<632x128xf32, #tpu.memory_space<hbm>>) target_semaphore(%run_scoped3A : memref<!tpu.dma_semaphore, #tpu.memory_space<semaphore_mem>>)
      %dma_wait3A = arith.constant 0 : i32
      %dma_wait3A_85 = tpu.memref_slice %arg5[%arg0, %mul3A_79, %dma_wait3A] : memref<2x10112x128xf32, #tpu.memory_space<hbm>> -> memref<1x632x128xf32, #tpu.memory_space<hbm>>
      %dma_wait3A_86 = tpu.memref_squeeze %dma_wait3A_85 : memref<1x632x128xf32, #tpu.memory_space<hbm>> -> memref<632x128xf32, #tpu.memory_space<hbm>>
      %dma_wait3A_87 = arith.constant 0 : i32
      %dma_wait3A_88 = tpu.memref_slice %arg9[%mul3A_77, %dma_wait3A_87] : memref<10112x128xf32, #tpu.memory_space<vmem_shared>> -> memref<632x128xf32, #tpu.memory_space<vmem_shared>>
      tpu.wait_dma2 semaphore(%run_scoped3A : memref<!tpu.dma_semaphore, #tpu.memory_space<semaphore_mem>>) src(%dma_wait3A_88 : memref<632x128xf32, #tpu.memory_space<vmem_shared>>) dst(%dma_wait3A_86 : memref<632x128xf32, #tpu.memory_space<hbm>>)
      tpu.yield
    }) : () -> ()
    return
  }
}

module attributes {stable_mosaic.version = 14 : i64} {
  func.func @body(%arg0: i32, %arg1: memref<2x1264x128xf32, #tpu.memory_space<vmem>>, %arg2: memref<1264x128xf32, #tpu.memory_space<vmem>>, %arg3: memref<128x128xf32, #tpu.memory_space<vmem>>, %arg4: memref<1264x128xf32, #tpu.memory_space<vmem>>, %arg5: memref<1264x128xf32, #tpu.memory_space<vmem>>) attributes {dimension_semantics = [#tpu.dimension_semantics<arbitrary>], iteration_bounds = array<i64: 8>, scalar_prefetch = 0 : i64, scratch_operands = 0 : i64, tpu.core_type = #tpu.core_type<tc>, window_params = [{transform_indices = @transform_0, window_bounds = array<i64: 2, 1264, 128>}, {transform_indices = @transform_1, window_bounds = array<i64: 1264, 128>}, {pipeline_mode = #tpu.pipeline_mode<synchronous>, transform_indices = @transform_2, window_bounds = array<i64: 128, 128>}, {transform_indices = @transform_3, window_bounds = array<i64: 1264, 128>}, {transform_indices = @transform_4, window_bounds = array<i64: 1264, 128>}]} {
    %get3A = arith.constant 0 : index
    %get3A_0 = arith.constant 0 : index
    %get3A_1 = arith.constant 0 : index
    %get3A_2 = vector.load %arg1[%get3A, %get3A_0, %get3A_1] : memref<2x1264x128xf32, #tpu.memory_space<vmem>>, vector<1x1264x1xf32>
    %get3A_3 = vector.shape_cast %get3A_2 : vector<1x1264x1xf32> to vector<1264x1xf32>
    %get3A_4 = arith.constant 1 : index
    %get3A_5 = arith.constant 0 : index
    %get3A_6 = arith.constant 0 : index
    %get3A_7 = vector.load %arg1[%get3A_4, %get3A_5, %get3A_6] : memref<2x1264x128xf32, #tpu.memory_space<vmem>>, vector<1x1264x1xf32>
    %get3A_8 = vector.shape_cast %get3A_7 : vector<1x1264x1xf32> to vector<1264x1xf32>
    %add3A = arith.addf %get3A_3, %get3A_8 : vector<1264x1xf32>
    %add3A_9 = arith.constant 1.000000e+00 : f32
    %add3A_10 = vector.broadcast %add3A_9 : f32 to vector<1264x1xf32>
    %add3A_11 = arith.addf %add3A, %add3A_10 : vector<1264x1xf32>
    %rsqrt3A = math.rsqrt %add3A_11 : vector<1264x1xf32>
    %get3A_12 = arith.constant 0 : index
    %get3A_13 = arith.constant 0 : index
    %get3A_14 = vector.load %arg2[%get3A_12, %get3A_13] : memref<1264x128xf32, #tpu.memory_space<vmem>>, vector<1264x128xf32>
    %get3A_15 = arith.constant 0 : index
    %get3A_16 = arith.constant 0 : index
    %get3A_17 = vector.load %arg3[%get3A_15, %get3A_16] : memref<128x128xf32, #tpu.memory_space<vmem>>, vector<128x128xf32>
    %dot_general3A = arith.constant dense<0.000000e+00> : vector<1264x128xf32>
    %dot_general3A_18 = tpu.matmul %get3A_14, %get3A_17, %dot_general3A {dimension_numbers = #tpu.dot_dimension_numbers<[1], [0], [0], [1], [0, 0, 1, 1], [], []>, transpose_lhs_hint = false} : vector<1264x128xf32>, vector<128x128xf32>, vector<1264x128xf32> -> vector<1264x128xf32>
    %mul3A = vector.broadcast %rsqrt3A : vector<1264x1xf32> to vector<1264x128xf32>
    %mul3A_19 = arith.mulf %mul3A, %dot_general3A_18 : vector<1264x128xf32>
    %swap3A = arith.constant 0 : index
    %swap3A_20 = arith.constant 0 : index
    %swap3A_21 = vector.load %arg4[%swap3A, %swap3A_20] : memref<1264x128xf32, #tpu.memory_space<vmem>>, vector<1264x128xf32>
    tpu.vector_store %arg4[%swap3A, %swap3A_20], %mul3A_19 {strides = array<i32>} : memref<1264x128xf32, #tpu.memory_space<vmem>>, vector<1264x128xf32>,
    %broadcast_in_dim3A = vector.shape_cast %rsqrt3A : vector<1264x1xf32> to vector<1264x1xf32>
    %broadcast_in_dim3A_22 = vector.broadcast %broadcast_in_dim3A : vector<1264x1xf32> to vector<1264x128xf32>
    %swap3A_23 = arith.constant 0 : index
    %swap3A_24 = arith.constant 0 : index
    %swap3A_25 = vector.load %arg5[%swap3A_23, %swap3A_24] : memref<1264x128xf32, #tpu.memory_space<vmem>>, vector<1264x128xf32>
    tpu.vector_store %arg5[%swap3A_23, %swap3A_24], %broadcast_in_dim3A_22 {strides = array<i32>} : memref<1264x128xf32, #tpu.memory_space<vmem>>, vector<1264x128xf32>,
    return
  }
  func.func @transform_0(%arg0: i32) -> (i32, i32, i32) {
    %c0_i32 = arith.constant 0 : i32
    %c0_i32_0 = arith.constant 0 : i32
    %c0_i32_1 = arith.constant 0 : i32
    return %c0_i32, %arg0, %c0_i32_0 : i32, i32, i32
  }
  func.func @transform_1(%arg0: i32) -> (i32, i32) {
    %c0_i32 = arith.constant 0 : i32
    %c0_i32_0 = arith.constant 0 : i32
    return %arg0, %c0_i32 : i32, i32
  }
  func.func @transform_2(%arg0: i32) -> (i32, i32) {
    %c0_i32 = arith.constant 0 : i32
    %c0_i32_0 = arith.constant 0 : i32
    %c0_i32_1 = arith.constant 0 : i32
    return %c0_i32, %c0_i32_0 : i32, i32
  }
  func.func @transform_3(%arg0: i32) -> (i32, i32) {
    %c0_i32 = arith.constant 0 : i32
    %c0_i32_0 = arith.constant 0 : i32
    return %arg0, %c0_i32 : i32, i32
  }
  func.func @transform_4(%arg0: i32) -> (i32, i32) {
    %c0_i32 = arith.constant 0 : i32
    %c0_i32_0 = arith.constant 0 : i32
    return %arg0, %c0_i32 : i32, i32
  }
}

module attributes {stable_mosaic.version = 14 : i64} {
  func.func @body(%arg0: i32, %arg1: memref<2x1264x128xf32, #tpu.memory_space<vmem>>, %arg2: memref<1264x128xf32, #tpu.memory_space<vmem>>, %arg3: memref<1264x128xf32, #tpu.memory_space<vmem>>, %arg4: memref<128x128xf32, #tpu.memory_space<vmem>>, %arg5: memref<1x128xf32, #tpu.memory_space<vmem>>, %arg6: memref<1x128xf32, #tpu.memory_space<vmem>>, %arg7: memref<1264x128xf32, #tpu.memory_space<vmem>>) attributes {dimension_semantics = [#tpu.dimension_semantics<arbitrary>], iteration_bounds = array<i64: 8>, scalar_prefetch = 0 : i64, scratch_operands = 0 : i64, tpu.core_type = #tpu.core_type<tc>, window_params = [{transform_indices = @transform_0, window_bounds = array<i64: 2, 1264, 128>}, {transform_indices = @transform_1, window_bounds = array<i64: 1264, 128>}, {transform_indices = @transform_2, window_bounds = array<i64: 1264, 128>}, {pipeline_mode = #tpu.pipeline_mode<synchronous>, transform_indices = @transform_3, window_bounds = array<i64: 128, 128>}, {pipeline_mode = #tpu.pipeline_mode<synchronous>, transform_indices = @transform_4, window_bounds = array<i64: 1, 128>}, {pipeline_mode = #tpu.pipeline_mode<synchronous>, transform_indices = @transform_5, window_bounds = array<i64: 1, 128>}, {transform_indices = @transform_6, window_bounds = array<i64: 1264, 128>}]} {
    %get3A = arith.constant 0 : index
    %get3A_0 = arith.constant 0 : index
    %get3A_1 = vector.load %arg3[%get3A, %get3A_0] : memref<1264x128xf32, #tpu.memory_space<vmem>>, vector<1264x128xf32>
    %get3A_2 = arith.constant 0 : index
    %get3A_3 = arith.constant 0 : index
    %get3A_4 = arith.constant 0 : index
    %get3A_5 = vector.load %arg1[%get3A_2, %get3A_3, %get3A_4] : memref<2x1264x128xf32, #tpu.memory_space<vmem>>, vector<1x1264x128xf32>
    %get3A_6 = vector.shape_cast %get3A_5 : vector<1x1264x128xf32> to vector<1264x128xf32>
    %get3A_7 = arith.constant 1 : index
    %get3A_8 = arith.constant 0 : index
    %get3A_9 = arith.constant 0 : index
    %get3A_10 = vector.load %arg1[%get3A_7, %get3A_8, %get3A_9] : memref<2x1264x128xf32, #tpu.memory_space<vmem>>, vector<1x1264x128xf32>
    %get3A_11 = vector.shape_cast %get3A_10 : vector<1x1264x128xf32> to vector<1264x128xf32>
    %add3A = arith.addf %get3A_6, %get3A_11 : vector<1264x128xf32>
    %get3A_12 = arith.constant 0 : index
    %get3A_13 = arith.constant 0 : index
    %get3A_14 = vector.load %arg2[%get3A_12, %get3A_13] : memref<1264x128xf32, #tpu.memory_space<vmem>>, vector<1264x128xf32>
    %sub3A = arith.subf %add3A, %get3A_14 : vector<1264x128xf32>
    %mul3A = arith.mulf %get3A_1, %sub3A : vector<1264x128xf32>
    %get3A_15 = arith.constant 0 : index
    %get3A_16 = arith.constant 0 : index
    %get3A_17 = vector.load %arg5[%get3A_15, %get3A_16] : memref<1x128xf32, #tpu.memory_space<vmem>>, vector<1x128xf32>
    %add3A_18 = vector.broadcast %get3A_17 : vector<1x128xf32> to vector<1264x128xf32>
    %add3A_19 = arith.addf %mul3A, %add3A_18 : vector<1264x128xf32>
    %get3A_20 = arith.constant 0 : index
    %get3A_21 = arith.constant 0 : index
    %get3A_22 = vector.load %arg6[%get3A_20, %get3A_21] : memref<1x128xf32, #tpu.memory_space<vmem>>, vector<1x128xf32>
    %add3A_23 = vector.broadcast %get3A_22 : vector<1x128xf32> to vector<1264x128xf32>
    %add3A_24 = arith.addf %add3A_19, %add3A_23 : vector<1264x128xf32>
    %get3A_25 = arith.constant 0 : index
    %get3A_26 = arith.constant 0 : index
    %get3A_27 = vector.load %arg4[%get3A_25, %get3A_26] : memref<128x128xf32, #tpu.memory_space<vmem>>, vector<128x128xf32>
    %dot_general3A = arith.constant dense<0.000000e+00> : vector<1264x128xf32>
    %dot_general3A_28 = tpu.matmul %add3A_24, %get3A_27, %dot_general3A {dimension_numbers = #tpu.dot_dimension_numbers<[1], [0], [0], [1], [0, 0, 1, 1], [], []>, transpose_lhs_hint = false} : vector<1264x128xf32>, vector<128x128xf32>, vector<1264x128xf32> -> vector<1264x128xf32>
    %get3A_29 = arith.constant 0 : index
    %get3A_30 = arith.constant 0 : index
    %get3A_31 = vector.load %arg3[%get3A_29, %get3A_30] : memref<1264x128xf32, #tpu.memory_space<vmem>>, vector<1264x128xf32>
    %mul3A_32 = arith.mulf %get3A_31, %dot_general3A_28 : vector<1264x128xf32>
    %swap3A = arith.constant 0 : index
    %swap3A_33 = arith.constant 0 : index
    %swap3A_34 = vector.load %arg7[%swap3A, %swap3A_33] : memref<1264x128xf32, #tpu.memory_space<vmem>>, vector<1264x128xf32>
    tpu.vector_store %arg7[%swap3A, %swap3A_33], %mul3A_32 {strides = array<i32>} : memref<1264x128xf32, #tpu.memory_space<vmem>>, vector<1264x128xf32>,
    return
  }
  func.func @transform_0(%arg0: i32) -> (i32, i32, i32) {
    %c0_i32 = arith.constant 0 : i32
    %c0_i32_0 = arith.constant 0 : i32
    %c0_i32_1 = arith.constant 0 : i32
    return %c0_i32, %arg0, %c0_i32_0 : i32, i32, i32
  }
  func.func @transform_1(%arg0: i32) -> (i32, i32) {
    %c0_i32 = arith.constant 0 : i32
    %c0_i32_0 = arith.constant 0 : i32
    return %arg0, %c0_i32 : i32, i32
  }
  func.func @transform_2(%arg0: i32) -> (i32, i32) {
    %c0_i32 = arith.constant 0 : i32
    %c0_i32_0 = arith.constant 0 : i32
    return %arg0, %c0_i32 : i32, i32
  }
  func.func @transform_3(%arg0: i32) -> (i32, i32) {
    %c0_i32 = arith.constant 0 : i32
    %c0_i32_0 = arith.constant 0 : i32
    %c0_i32_1 = arith.constant 0 : i32
    return %c0_i32, %c0_i32_0 : i32, i32
  }
  func.func @transform_4(%arg0: i32) -> (i32, i32) {
    %c0_i32 = arith.constant 0 : i32
    %c0_i32_0 = arith.constant 0 : i32
    %c0_i32_1 = arith.constant 0 : i32
    return %c0_i32, %c0_i32_0 : i32, i32
  }
  func.func @transform_5(%arg0: i32) -> (i32, i32) {
    %c0_i32 = arith.constant 0 : i32
    %c0_i32_0 = arith.constant 0 : i32
    %c0_i32_1 = arith.constant 0 : i32
    return %c0_i32, %c0_i32_0 : i32, i32
  }
  func.func @transform_6(%arg0: i32) -> (i32, i32) {
    %c0_i32 = arith.constant 0 : i32
    %c0_i32_0 = arith.constant 0 : i32
    return %arg0, %c0_i32 : i32, i32
  }
}

module attributes {stable_mosaic.version = 14 : i64} {
  func.func @body(%arg0: i32, %arg1: memref<2x1000x128xf32, #tpu.memory_space<vmem>>, %arg2: memref<1000x128xf32, #tpu.memory_space<vmem>>, %arg3: memref<1000x128xf32, #tpu.memory_space<vmem>>, %arg4: memref<1x128xf32, #tpu.memory_space<vmem>>, %arg5: memref<1000x128xf32, #tpu.memory_space<vmem>>) attributes {dimension_semantics = [#tpu.dimension_semantics<arbitrary>], iteration_bounds = array<i64: 10>, scalar_prefetch = 0 : i64, scratch_operands = 0 : i64, tpu.core_type = #tpu.core_type<tc>, window_params = [{transform_indices = @transform_0, window_bounds = array<i64: 2, 1000, 128>}, {transform_indices = @transform_1, window_bounds = array<i64: 1000, 128>}, {transform_indices = @transform_2, window_bounds = array<i64: 1000, 128>}, {pipeline_mode = #tpu.pipeline_mode<synchronous>, transform_indices = @transform_3, window_bounds = array<i64: 1, 128>}, {transform_indices = @transform_4, window_bounds = array<i64: 1000, 128>}]} {
    %get3A = arith.constant 0 : index
    %get3A_0 = arith.constant 0 : index
    %get3A_1 = vector.load %arg3[%get3A, %get3A_0] : memref<1000x128xf32, #tpu.memory_space<vmem>>, vector<1000x128xf32>
    %get3A_2 = arith.constant 0 : index
    %get3A_3 = arith.constant 0 : index
    %get3A_4 = arith.constant 0 : index
    %get3A_5 = vector.load %arg1[%get3A_2, %get3A_3, %get3A_4] : memref<2x1000x128xf32, #tpu.memory_space<vmem>>, vector<1x1000x128xf32>
    %get3A_6 = vector.shape_cast %get3A_5 : vector<1x1000x128xf32> to vector<1000x128xf32>
    %get3A_7 = arith.constant 1 : index
    %get3A_8 = arith.constant 0 : index
    %get3A_9 = arith.constant 0 : index
    %get3A_10 = vector.load %arg1[%get3A_7, %get3A_8, %get3A_9] : memref<2x1000x128xf32, #tpu.memory_space<vmem>>, vector<1x1000x128xf32>
    %get3A_11 = vector.shape_cast %get3A_10 : vector<1x1000x128xf32> to vector<1000x128xf32>
    %add3A = arith.addf %get3A_6, %get3A_11 : vector<1000x128xf32>
    %get3A_12 = arith.constant 0 : index
    %get3A_13 = arith.constant 0 : index
    %get3A_14 = vector.load %arg2[%get3A_12, %get3A_13] : memref<1000x128xf32, #tpu.memory_space<vmem>>, vector<1000x128xf32>
    %sub3A = arith.subf %add3A, %get3A_14 : vector<1000x128xf32>
    %mul3A = arith.mulf %get3A_1, %sub3A : vector<1000x128xf32>
    %get3A_15 = arith.constant 0 : index
    %get3A_16 = arith.constant 0 : index
    %get3A_17 = vector.load %arg4[%get3A_15, %get3A_16] : memref<1x128xf32, #tpu.memory_space<vmem>>, vector<1x128xf32>
    %add3A_18 = vector.broadcast %get3A_17 : vector<1x128xf32> to vector<1000x128xf32>
    %add3A_19 = arith.addf %mul3A, %add3A_18 : vector<1000x128xf32>
    %swap3A = arith.constant 0 : index
    %swap3A_20 = arith.constant 0 : index
    %swap3A_21 = vector.load %arg5[%swap3A, %swap3A_20] : memref<1000x128xf32, #tpu.memory_space<vmem>>, vector<1000x128xf32>
    tpu.vector_store %arg5[%swap3A, %swap3A_20], %add3A_19 {strides = array<i32>} : memref<1000x128xf32, #tpu.memory_space<vmem>>, vector<1000x128xf32>,
    return
  }
  func.func @transform_0(%arg0: i32) -> (i32, i32, i32) {
    %c0_i32 = arith.constant 0 : i32
    %c0_i32_0 = arith.constant 0 : i32
    %c0_i32_1 = arith.constant 0 : i32
    return %c0_i32, %arg0, %c0_i32_0 : i32, i32, i32
  }
  func.func @transform_1(%arg0: i32) -> (i32, i32) {
    %c0_i32 = arith.constant 0 : i32
    %c0_i32_0 = arith.constant 0 : i32
    return %arg0, %c0_i32 : i32, i32
  }
  func.func @transform_2(%arg0: i32) -> (i32, i32) {
    %c0_i32 = arith.constant 0 : i32
    %c0_i32_0 = arith.constant 0 : i32
    return %arg0, %c0_i32 : i32, i32
  }
  func.func @transform_3(%arg0: i32) -> (i32, i32) {
    %c0_i32 = arith.constant 0 : i32
    %c0_i32_0 = arith.constant 0 : i32
    %c0_i32_1 = arith.constant 0 : i32
    return %c0_i32, %c0_i32_0 : i32, i32
  }
  func.func @transform_4(%arg0: i32) -> (i32, i32) {
    %c0_i32 = arith.constant 0 : i32
    %c0_i32_0 = arith.constant 0 : i32
    return %arg0, %c0_i32 : i32, i32
  }
}

</mosaic_0001>

<sc_bundles>
// kernel: kernel.11.cloned.1.call-start
scs
__scs_entry_jumppad:
0x0: {  	(pc) =	sbr.rel $0x88, $3  }
0x1: {  	(tag) =	ssettag $0x0;
	lr =	simm.s32 $0x1  }
0x2: {  	[smem:$0x3F9A] =	sst lr;
	_ =	strace $0xD0000000  }
0x3: {  	_ = 	snop  }
0x4: {  	_ = 	snop  }
0x5: {  	_ = 	snop  }
0x6: {  	_ = 	snop  }
0x7: {  	_ = 	snop  }
__scs_overlays_trampoline_lowered:
0x8: {  	[smem:$0x3FA9] =	sst s0  }
0x9: {  	[smem:$0x3FAA] =	sst s1  }
0xa: {  	[smem:$0x3FAB] =	sst s2  }
0xb: {  	[smem:$0x3FAC] =	sst s3  }
0xc: {  	[smem:$0x3FAD] =	sst s4  }
0xd: {  	[smem:$0x3FAE] =	sst s5  }
0xe: {  	[smem:$0x3FAF] =	sst s6  }
0xf: {  	[smem:$0x3FB0] =	sst s7  }
0x10: {  	[smem:$0x3FB1] =	sst s8  }
0x11: {  	[smem:$0x3FB2] =	sst s9;
	s0 =	simm.s32 @!p0 $0x0  }
0x12: {  	s1 =	sld [smem:$0x3F98];
	s0 =	simm.s32 @p0 $0x1  }
0x13: {  	[smem:$0x3FB3] =	sst s0;
	s0 =	simm.s32 @!p1 $0x0  }
0x14: {  	s2 =	sld [smem:$0x3F97];
	s0 =	simm.s32 @p1 $0x1  }
0x15: {  	[smem:$0x3FB4] =	sst s0;
	s0 =	simm.s32 @!p2 $0x0  }
0x16: {  	s3 =	sld [smem:$0x3FDB];
	s0 =	simm.s32 @p2 $0x1  }
0x17: {  	s4 =	simm.s32 $0x1BF5;
	[smem:$0x3FB6] =	sst s0  }
0x18: {  	s0 =	sld [smem:$0x3F99];
	_ =	swait.ge [sflag:s4], $0x0  }
0x19: {  	s7 =	sld [smem:$0x3F9A]  }
0x1a: {  	s8 =	sadd.s32 $0xFFFFE003, lr  }
0x1b: {  	s9 =	sadd.s32 $0xFFFFFEF7, lr;
	s5 =	simm.s32 $0xFFFFFFFF;
	p2 =	slt.u32 s8, $0xFFFFF086  }
0x1c: {  	p1 =	slt.u32 s9, $0xF7A;
	s5 =	simm.s32 @!p2 $0x0  }
0x1d: {  	s5 =	simm.s32 @p1 $0x1;
	p0 =	seq.s32 s7, s2  }
0x1e: {  	s7 =	smul.u32 @!p0 $0xF7A, s2;
	p2 =	seq.s32 @!p0 s5, $0x0  }
0x1f: {  	s9 =	smul.u32 $0xF7A, s1;
	s8 =	simm.s32 @!p0 $0x1BF5;
	p2 =	por !p2, p0  }
0x20: {  	[sflag:s8] =	ssyncset.s32 @!p0 $0xFFFFF086;
	s6 =	sadd.s32 @!p0 s3, s7;
	s7 =	simm.s32 @!p0 $0x108  }
0x21: {  	s3 =	sadd.s32 s3, s9;
	s6 =	sadd.s32 @!p0 $0x88, s6;
	s7 =	simm.s32 @p2 $0x1082  }
0x22: {  	[simem:s7], [sflag:s8] =	dma.local @!p0 [hbm:s6], $0xF7A  }
0x23: {  	s9 =	sor.u32 $0xD0000000, s2;
	s6 =	simm.s32 $0x108;
	_ =	swait.ge @!p0 [sflag:s8], $0x0  }
0x24: {  	s3 =	sadd.s32 $0x88, s3;
	s6 =	simm.s32 @!p1 $0x1082;
	[sflag:s4] =	ssyncset.s32 $0xFFFFF086  }
0x25: {  	[simem:s6], [sflag:s4] =	dma.local [hbm:s3], $0xF7A  }
0x26: {  	[smem:$0x3F9A] =	sst s1;
	(tag) =	ssettag s2;
	_ =	strace s9  }
0x27: {  	s1 =	sld [smem:$0x3FAA]  }
0x28: {  	s2 =	sld [smem:$0x3FAB]  }
0x29: {  	s4 =	sld [smem:$0x3FAD]  }
0x2a: {  	p0 =	seq.s32 s5, $0x0;
	s5 =	sld [smem:$0x3FAE]  }
0x2b: {  	s6 =	sld [smem:$0x3FAF]  }
0x2c: {  	s7 =	sld [smem:$0x3FB0]  }
0x2d: {  	s3 =	simm.s32 $0x108;
	s8 =	sld [smem:$0x3FB1]  }
0x2e: {  	s3 =	simm.s32 @!p0 $0x1082;
	s9 =	sld [smem:$0x3FB2]  }
0x2f: {  	lr =	sadd.s32 s0, s3;
	s0 =	sld [smem:$0x3FA9]  }
0x30: {  	s3 =	sld [smem:$0x3FAC]  }
0x31: {  	[smem:$0x3FB5] =	sst s10  }
0x32: {  	s10 =	sld [smem:$0x3FB3];
	_ =	sdelay $0x3  }
0x33: {  	p0 =	seq.s32 s10, $0x1;
	s10 =	sld [smem:$0x3FB5];
	_ =	sdelay $0x3  }
0x34: {  	[smem:$0x3FB5] =	sst s10  }
0x35: {  	s10 =	sld [smem:$0x3FB4];
	_ =	sdelay $0x3  }
0x36: {  	p1 =	seq.s32 s10, $0x1;
	s10 =	sld [smem:$0x3FB5];
	_ =	sdelay $0x3  }
0x37: {  	[smem:$0x3FB5] =	sst s10  }
0x38: {  	s10 =	sld [smem:$0x3FB6]  }
0x39: {  	_ = 	snop;
	(pc) =	sbr.ind lr, $3  }
0x3a: {  	_ = 	snop  }
0x3b: {  	_ = 	snop  }
0x3c: {  	p2 =	seq.s32 s10, $0x1;
	s10 =	sld [smem:$0x3FB5]  }
0x3d: {  	_ =	shalt  }
0x3e: {  	_ =	shalt  }
0x3f: {  	_ =	shalt  }
0x40: {  	_ =	shalt  }
0x41: {  	_ =	shalt  }
0x42: {  	_ =	shalt  }
0x43: {  	_ =	shalt  }
0x44: {  	_ =	shalt  }
0x45: {  	_ =	shalt  }
0x46: {  	_ =	shalt  }
0x47: {  	_ =	shalt  }
0x48: {  	_ =	shalt  }
0x49: {  	_ =	shalt  }
0x4a: {  	_ =	shalt  }
0x4b: {  	_ =	shalt  }
0x4c: {  	_ =	shalt  }
0x4d: {  	_ =	shalt  }
0x4e: {  	_ =	shalt  }
0x4f: {  	_ =	shalt  }
0x50: {  	_ =	shalt  }
0x51: {  	_ =	shalt  }
0x52: {  	_ =	shalt  }
0x53: {  	_ =	shalt  }
0x54: {  	_ =	shalt  }
0x55: {  	_ =	shalt  }
0x56: {  	_ =	shalt  }
0x57: {  	_ =	shalt  }
0x58: {  	_ =	shalt  }
0x59: {  	_ =	shalt  }
0x5a: {  	_ =	shalt  }
0x5b: {  	_ =	shalt  }
0x5c: {  	_ =	shalt  }
0x5d: {  	_ =	shalt  }
0x5e: {  	_ =	shalt  }
0x5f: {  	_ =	shalt  }
0x60: {  	_ =	shalt  }
0x61: {  	_ =	shalt  }
0x62: {  	_ =	shalt  }
0x63: {  	_ =	shalt  }
0x64: {  	_ =	shalt  }
0x65: {  	_ =	shalt  }
0x66: {  	_ =	shalt  }
0x67: {  	_ =	shalt  }
0x68: {  	_ =	shalt  }
0x69: {  	_ =	shalt  }
0x6a: {  	_ =	shalt  }
0x6b: {  	_ =	shalt  }
0x6c: {  	_ =	shalt  }
0x6d: {  	_ =	shalt  }
0x6e: {  	_ =	shalt  }
0x6f: {  	_ =	shalt  }
0x70: {  	_ =	shalt  }
0x71: {  	_ =	shalt  }
0x72: {  	_ =	shalt  }
0x73: {  	_ =	shalt  }
0x74: {  	_ =	shalt  }
0x75: {  	_ =	shalt  }
0x76: {  	_ =	shalt  }
0x77: {  	_ =	shalt  }
0x78: {  	_ =	shalt  }
0x79: {  	_ =	shalt  }
0x7a: {  	_ =	shalt  }
0x7b: {  	_ =	shalt  }
0x7c: {  	_ =	shalt  }
0x7d: {  	_ =	shalt  }
0x7e: {  	_ =	shalt  }
0x7f: {  	_ =	shalt  }
0x80: {  	_ =	shalt  }
0x81: {  	_ =	shalt  }
0x82: {  	_ =	shalt  }
0x83: {  	_ =	shalt  }
0x84: {  	_ =	shalt  }
0x85: {  	_ =	shalt  }
0x86: {  	_ =	shalt  }
0x87: {  	_ =	shalt  }
.Lfunc_end0:
.L_simem_size_0:
called_computation.1_lowered:
.L_overlay_start_0:
0x88: {  	s2 =	sld [smem:$0x3FD9]  }
0x89: {  	s3 =	sld [smem:$0x3FFE];
	_ =	sdelay $0x1  }
0x8a: {  	s1 =	srdreg.scid  }
0x8b: {  	s0 =	sand.u32 $0x1, s1  }
0x8c: {  	s17 =	sshll.u32 s0, $0xA;
	s2 =	sadd.s32 s3, s2  }
0x8d: {  	s2 =	sadd.s32 s2, s17  }
0x8e: {  	[smem:$0x3FC1] =	sst s2  }
0x8f: {  	_ = 	snop  }
0x90: {  	s2 =	sld [smem:$0x3FD0];
	(tm) =	ssettm $0x1  }
0x91: {  	s18 =	sld [smem:$0x3FFB];
	_ =	sdelay $0x3  }
0x92: {  	_ =	strace s18  }
0x93: {  	s3 =	sld [smem:$0x3FFC];
	_ =	sdelay $0x3  }
0x94: {  	_ =	strace s3  }
0x95: {  	s3 =	sld [smem:$0x3FFD];
	_ =	sdelay $0x3  }
0x96: {  	_ =	strace s3  }
0x97: {  	_ =	strace $0x8FFFFFFF  }
0x98: {  	s19 =	sld [smem:$0x3FDB];
	_ =	sdelay $0x1  }
0x99: {  	s4 =	simm.s32 $_scs_section_size  }
0x9a: {  	s5 =	simm.s32 $_size__tile_overlayer_lowered;
	s6 =	simm.s32 $_tile_overlayer_lowered  }
0x9b: {  	s22 =	simm.s32 $0x1BFF;
	s21 =	sshll.u32 s6, $0x1;
	s3 =	sadd.s32 s4, s19  }
0x9c: {  	s7 =	simm.s32 $0x0;
	s20 =	sshll.u32 s5, $0x1;
	s5 =	sadd.s32 s21, s3  }
0x9d: {  	[timem:s7], [sflag:s22] =	dma.local [hbm:s5], s20  }
0x9e: {  	_ =	swait.ge [sflag:s22], s20  }
0x9f: {  	s4 =	ssub.s32 $0x0, s20;
	[sflag:s22] =	ssyncset.done $0x0  }
0xa0: {  	[sflag:s22] =	ssyncadd.s32 s4;
	_ =	sdelay $0x1  }
0xa1: {  	s23 =	simm.s32 $0x1B8B  }
0xa2: {  	_ =	swait.ge [sflag:s23], $0x1  }
0xa3: {  	[sflag:s23] =	ssyncset.done $0x0  }
0xa4: {  	s25 =	simm.s32 $0x1B8E;
	s24 =	sld [smem:$0x3FFE];
	[sflag:s23] =	ssyncadd.s32 $0xFFFFFFFF  }
0xa5: {  	s26 =	simm.s32 $execute0_lowered;
	[smem:$0x3FD2] =	sst s25  }
0xa6: {  	s5 =	sshll.u32 s26, $0x1;
	_ =	strace $0x80000049;
	[dreg:$0x1] =	wrdreg $0xFFFFFFFF  }
0xa7: {  	s28 =	simm.s32 $_size_execute0_lowered;
	s3 =	sadd.s32 s3, s5;
	[dreg:$0x0] =	wrdreg $0x0  }
0xa8: {  	s5 =	sshll.u32 s28, $0x1;
	[dreg:$0x2] =	wrdreg s3  }
0xa9: {  	[dreg:$0x3] =	wrdreg s5  }
0xaa: {  	[dreg:$0x4] =	wrdreg $0xC0  }
0xab: {  	_ =	task [dreg:s7], $0x5FFFF  }
0xac: {  	[dreg:$0x1] =	wrdreg $0xFFFFFFFF  }
0xad: {  	[dreg:$0x0] =	wrdreg $0x60  }
0xae: {  	[dreg:$0x2] =	wrdreg s2  }
0xaf: {  	[dreg:$0x3] =	wrdreg s24  }
0xb0: {  	[dreg:$0x4] =	wrdreg $0xA8000  }
0xb1: {  	[dreg:$0x5] =	wrdreg $0x9  }
0xb2: {  	_ =	task.clear_ibuf [dreg:s7], $0x6FFFF;
	_ =	strace $0x90000049  }
0xb3: {  	s29 =	simm.s32 $0x9;
	_ =	strace $0x8000004B  }
0xb4: {  	_ =	swait.ge [sflag:s29], $0x1  }
0xb5: {  	[sflag:s29] =	ssyncadd.s32 $0xFFFFFFFF  }
0xb6: {  	_ =	strace $0x9000004B  }
0xb7: {  	_ =	sfence  }
0xb8: {  	s30 =	sld [smem:$0x0];
	_ =	sdelay $0x2  }
0xb9: {  	s31 =	sshll.u32 s1, $0xD;
	s1 =	sshrl.u32 s1, $0x2  }
0xba: {  	s3 =	sand.u32 $0x4000, s31;
	s1 =	sadd.s32 s1, s30  }
0xbb: {  	s0 =	sor.u32 s3, s0;
	s1 =	sshll.u32 s1, $0x11  }
0xbc: {  	s0 =	sor.u32 s1, s0  }
0xbd: {  	s0 =	sadd.s32 $0x8F2B, s0  }
0xbe: {  	[sflag:s0] =	ssyncadd.remote.s32 $0x1  }
0xbf: {  	_ =	sfence.sel $0xFFFF  }
0xc0: {  	[dreg:$0x0] =	wrdreg $0xFFFFFFFF;
	(pc) =	sbr.abs _section_cstart, $3  }
0xc1: {  	[dreg:$0x1] =	wrdreg $0xFFFFFFFF  }
0xc2: {  	_ =	task.clear_ibuf [dreg:s7], $0x2FFFF;
	_ =	strace $0x9FFFFFFF  }
0xc3: {  	(tm) =	ssettm $0x7FFFFFFF  }
tec
execute0_lowered:
.L_overlay_start_1:
0x0: {  	(tag) =	ssettag $0x1  }
0x1: {  	s9 =	rddreg [dreg:$0x0]  }
0x2: {  	s5 =	rddreg [dreg:$0x1]  }
0x3: {  	s2 =	rddreg [dreg:$0x2]  }
0x4: {  	s0 =	rddreg [dreg:$0x3]  }
0x5: {  	s4 =	srdreg.scid;
	s1 =	stileid.u32  }
0x6: {  	s3 =	simm.s32 $0x0;
	s15 =	simm.s32 $0x1400;
	s16 =	simm.s32 $0x80  }
0x7: {  	s17 =	simm.s32 $0x2800;
	s18 =	simm.s32 $0x6800;
	s19 =	simm.s32 $0x1  }
0x8: {  	s20 =	simm.s32 $0x3;
	s21 =	simm.s32 $0x2;
	s22 =	simm.s32 $0x4  }
0x9: {  	s6 =	sand.u32 $0x1, s4;
	s7 =	smul.u32 $0x13C00, s1;
	[smem:$0x7FF] =	sst s3  }
0xa: {  	s10 =	sadd.s32 $0x2800, s5;
	s4 =	sadd.s32 $0xC800, s5;
	s11 =	smul.u32 $0x4F000, s1  }
0xb: {  	s29 =	sshll.u32 s1, $0x6;
	s8 =	smul.u32 $0x13C000, s6;
	s12 =	sshll.u32 s6, $0x4  }
0xc: {  	_ =	strace $0x8000004A;
	s23 =	ssub.s32 $0x2, s6;
	s24 =	sor.u32 s1, s12  }
0xd: {  	s25 =	sshrl.u32 s23, $0x1;
	s11 =	sshrl.u32 s11, $0x2;
	s28 =	sshrl.u32 s7, $0x3  }
0xe: {  	s8 =	sadd.s32 s7, s8;
	s6 =	smul.u32 $0x2800, s24;
	s26 =	ssub.s32 s23, s25  }
0xf: {  	s14 =	sadd.s32 s11, s2;
	s23 =	simm.s32 $0x2700;
	s24 =	simm.s32 $0x2780  }
0x10: {  	s25 =	simm.s32 $0x0;
	s8 =	sshrl.u32 s8, $0x3;
	s12 =	smax.u32 s26, $0x1  }
0x11: {  	s13 =	sadd.s32 s8, s5;
	s5 =	sadd.s32 s4, s28;
	s30 =	sshrl.u32 s6, $0x3  }
0x12: {  	s6 =	sor.u32 $0x1C05, s29;
	s7 =	sadd.s32 s9, s30;
	s31 =	sadd.s32 $0x280, s30  }
0x13: {  	s8 =	sadd.s32 s10, s30;
	s11 =	sadd.s32 $0x34000, s13;
	s13 =	sshrl.u32 s14, $0x3  }
0x14: {  	s14 =	simm.s32 $0x5;
	s9 =	sadd.s32 s9, s31;
	s10 =	sadd.s32 s10, s31  }
.LBB2_1:
0x15: {  	[spmem:s13], [sflag:s6] =	dma.local [hbm:s5], $0x2780  }
0x16: {  	_ =	swait.ge [sflag:s14], $0x2780  }
0x17: {  	[sflag:s14] =	ssyncset.done $0x0  }
0x18: {  	[sflag:s14] =	ssyncadd.s32 $0xFFFFD880  }
0x19: {  	[bflag:$0x0] =	sbarrier.arrive $0xFFFF  }
0x1a: {  	[tilespmem:s3], [sflag:$0x5] =	stream.linear.gather [hbm4b:s7+s3], $0x1400, $0x38;
	[tilespmem:$0x1E400] =	vst v63  }
0x1b: {  	_ =	swait.ge [sflag:s14], $0x1400  }
0x1c: {  	[sflag:s14] =	ssyncset.done $0x0  }
0x1d: {  	[sflag:s14] =	ssyncadd.s32 $0xFFFFEC00  }
0x1e: {  	[tilespmem:s15], [sflag:$0x5] =	stream.linear.gather [hbm4b:s8+s3], $0x1400, $0x38;
	[tilespmem:$0x1E400] =	vst v63  }
0x1f: {  	_ =	swait.ge [sflag:s14], $0x1400  }
0x20: {  	[sflag:s14] =	ssyncset.done $0x0  }
0x21: {  	[sflag:s14] =	ssyncadd.s32 $0xFFFFEC00  }
0x22: {  	[tilespmem:s17], [sflag:$0x1] =	stream.indirect.gather [hbm4b:s4+s16], $0x80, s3, s16, $0xb8;
	[tilespmem:$0x1E400] =	vst v63  }
0x23: {  	_ = 	snop  }
0x24: {  	[tilespmem:s18], [sflag:$0x2] =	stream.indirect.gather [hbm4b:s4+s16], $0x80, s16, s16, $0xb8;
	[tilespmem:$0x1E400] =	vst v63  }
0x25: {  	_ =	swait.ge [sflag:s19], $0x4000  }
0x26: {  	[sflag:s19] =	ssyncset.done $0x0  }
0x27: {  	s26 =	simm.s32 $0x1400;
	[sflag:s19] =	ssyncadd.s32 $0xFFFFC000  }
0x28: {  	[spmem:s2] =	stream.indirect.scatter.add.f32 [tilespmem:s17], [sflag:$0x3], $0x80, s26, s16, $0xb8;
	[tilespmem:$0x1E400] =	vst v63  }
0x29: {  	_ =	swait.ge [sflag:s20], $0x4000  }
0x2a: {  	[sflag:s20] =	ssyncset.done $0x0  }
0x2b: {  	s30 =	simm.s32 $0x100;
	[sflag:s20] =	ssyncadd.s32 $0xFFFFC000  }
0x2c: {  	[tilespmem:s17], [sflag:$0x1] =	stream.indirect.gather [hbm4b:s4+s16], $0x80, s30, s16, $0xb8;
	[tilespmem:$0x1E400] =	vst v63  }
0x2d: {  	_ =	swait.ge [sflag:s21], $0x4000  }
0x2e: {  	[sflag:s21] =	ssyncset.done $0x0  }
0x2f: {  	s31 =	simm.s32 $0x1480;
	[sflag:s21] =	ssyncadd.s32 $0xFFFFC000  }
0x30: {  	[spmem:s2] =	stream.indirect.scatter.add.f32 [tilespmem:s18], [sflag:$0x4], $0x80, s31, s16, $0xb8;
	[tilespmem:$0x1E400] =	vst v63  }
0x31: {  	_ =	swait.ge [sflag:s22], $0x4000  }
0x32: {  	[sflag:s22] =	ssyncset.done $0x0  }
0x33: {  	s28 =	simm.s32 $0x180;
	s26 =	simm.s32 $0x400;
	[sflag:s22] =	ssyncadd.s32 $0xFFFFC000  }
.LBB2_2:
0x34: {  	[tilespmem:s18], [sflag:$0x2] =	stream.indirect.gather [hbm4b:s4+s16], $0x80, s28, s16, $0xb8;
	[tilespmem:$0x1E400] =	vst v63  }
0x35: {  	s28 =	smov.u32 s26  }
0x36: {  	p0 =	sne.s32 s26, $0x4800;
	s26 =	sadd.s32 $0x400, s26;
	_ =	swait.ge [sflag:s19], $0x4000  }
0x37: {  	s28 =	sshra.s32 s28, $0x2;
	[sflag:s19] =	ssyncset.done $0x0  }
0x38: {  	s29 =	sadd.s32 $0x1400, s28;
	[sflag:s19] =	ssyncadd.s32 $0xFFFFC000  }
0x39: {  	[spmem:s2] =	stream.indirect.scatter.add.f32 [tilespmem:s17], [sflag:$0x3], $0x80, s29, s16, $0xb8;
	[tilespmem:$0x1E400] =	vst v63  }
0x3a: {  	_ =	swait.ge [sflag:s20], $0x4000  }
0x3b: {  	[sflag:s20] =	ssyncset.done $0x0  }
0x3c: {  	s29 =	sadd.s32 $0x100, s28;
	[sflag:s20] =	ssyncadd.s32 $0xFFFFC000  }
0x3d: {  	[tilespmem:s17], [sflag:$0x1] =	stream.indirect.gather [hbm4b:s4+s16], $0x80, s29, s16, $0xb8;
	[tilespmem:$0x1E400] =	vst v63  }
0x3e: {  	_ =	swait.ge [sflag:s21], $0x4000  }
0x3f: {  	[sflag:s21] =	ssyncset.done $0x0  }
.Ltmp0:
0x40: {  	s29 =	sadd.s32 $0x1480, s28;
	[sflag:s21] =	ssyncadd.s32 $0xFFFFC000;
	(pc) =	sbr.rel @p0 .LBB2_2-.Ltmp0, $4  }
0x41: {  	[spmem:s2] =	stream.indirect.scatter.add.f32 [tilespmem:s18], [sflag:$0x4], $0x80, s29, s16, $0xb8;
	[tilespmem:$0x1E400] =	vst v63  }
0x42: {  	_ =	swait.ge [sflag:s22], $0x4000  }
0x43: {  	[sflag:s22] =	ssyncset.done $0x0  }
0x44: {  	s28 =	sadd.s32 $0x180, s28;
	[sflag:s22] =	ssyncadd.s32 $0xFFFFC000  }
0x45: {  	[tilespmem:s18], [sflag:$0x2] =	stream.indirect.gather [hbm4b:s4+s16], $0x80, s28, s16, $0xb8;
	[tilespmem:$0x1E400] =	vst v63  }
0x46: {  	_ =	swait.ge [sflag:s19], $0x4000  }
0x47: {  	[sflag:s19] =	ssyncset.done $0x0  }
0x48: {  	[sflag:s19] =	ssyncadd.s32 $0xFFFFC000  }
0x49: {  	[spmem:s2] =	stream.indirect.scatter.add.f32 [tilespmem:s17], [sflag:$0x3], $0x80, s23, s16, $0xb8;
	[tilespmem:$0x1E400] =	vst v63  }
0x4a: {  	_ =	swait.ge [sflag:s20], $0x4000  }
0x4b: {  	[sflag:s20] =	ssyncset.done $0x0  }
0x4c: {  	[sflag:s20] =	ssyncadd.s32 $0xFFFFC000  }
0x4d: {  	_ =	swait.ge [sflag:s21], $0x4000  }
0x4e: {  	[sflag:s21] =	ssyncset.done $0x0  }
0x4f: {  	[sflag:s21] =	ssyncadd.s32 $0xFFFFC000  }
0x50: {  	[spmem:s2] =	stream.indirect.scatter.add.f32 [tilespmem:s18], [sflag:$0x4], $0x80, s24, s16, $0xb8;
	[tilespmem:$0x1E400] =	vst v63  }
0x51: {  	_ =	swait.ge [sflag:s22], $0x4000  }
0x52: {  	[sflag:s22] =	ssyncset.done $0x0  }
0x53: {  	s26 =	simm.s32 $0x0;
	[sflag:s22] =	ssyncadd.s32 $0xFFFFC000  }
0x54: {  	[tilespmem:s26], [sflag:$0x5] =	stream.linear.gather [hbm4b:s9+s26], $0x1400, $0x38;
	[tilespmem:$0x1E400] =	vst v63  }
0x55: {  	_ =	swait.ge [sflag:s14], $0x1400  }
0x56: {  	[sflag:s14] =	ssyncset.done $0x0  }
0x57: {  	[sflag:s14] =	ssyncadd.s32 $0xFFFFEC00  }
0x58: {  	[tilespmem:s15], [sflag:$0x5] =	stream.linear.gather [hbm4b:s10+s26], $0x1400, $0x38;
	[tilespmem:$0x1E400] =	vst v63  }
0x59: {  	_ =	swait.ge [sflag:s14], $0x1400  }
0x5a: {  	[sflag:s14] =	ssyncset.done $0x0  }
0x5b: {  	[sflag:s14] =	ssyncadd.s32 $0xFFFFEC00  }
0x5c: {  	[tilespmem:s17], [sflag:$0x1] =	stream.indirect.gather [hbm4b:s4+s16], $0x80, s26, s16, $0xb8;
	[tilespmem:$0x1E400] =	vst v63  }
0x5d: {  	_ = 	snop  }
0x5e: {  	[tilespmem:s18], [sflag:$0x2] =	stream.indirect.gather [hbm4b:s4+s16], $0x80, s16, s16, $0xb8;
	[tilespmem:$0x1E400] =	vst v63  }
0x5f: {  	_ =	swait.ge [sflag:s19], $0x4000  }
0x60: {  	[sflag:s19] =	ssyncset.done $0x0  }
0x61: {  	s29 =	simm.s32 $0x1400;
	[sflag:s19] =	ssyncadd.s32 $0xFFFFC000  }
0x62: {  	[spmem:s2] =	stream.indirect.scatter.add.f32 [tilespmem:s17], [sflag:$0x3], $0x80, s29, s16, $0xb8;
	[tilespmem:$0x1E400] =	vst v63  }
0x63: {  	_ =	swait.ge [sflag:s20], $0x4000  }
0x64: {  	[sflag:s20] =	ssyncset.done $0x0  }
0x65: {  	s30 =	simm.s32 $0x100;
	[sflag:s20] =	ssyncadd.s32 $0xFFFFC000  }
0x66: {  	[tilespmem:s17], [sflag:$0x1] =	stream.indirect.gather [hbm4b:s4+s16], $0x80, s30, s16, $0xb8;
	[tilespmem:$0x1E400] =	vst v63  }
0x67: {  	_ =	swait.ge [sflag:s21], $0x4000  }
0x68: {  	[sflag:s21] =	ssyncset.done $0x0  }
0x69: {  	s31 =	simm.s32 $0x1480;
	[sflag:s21] =	ssyncadd.s32 $0xFFFFC000  }
0x6a: {  	[spmem:s2] =	stream.indirect.scatter.add.f32 [tilespmem:s18], [sflag:$0x4], $0x80, s31, s16, $0xb8;
	[tilespmem:$0x1E400] =	vst v63  }
0x6b: {  	_ =	swait.ge [sflag:s22], $0x4000  }
0x6c: {  	[sflag:s22] =	ssyncset.done $0x0  }
0x6d: {  	s28 =	simm.s32 $0x180;
	s26 =	simm.s32 $0x400;
	[sflag:s22] =	ssyncadd.s32 $0xFFFFC000  }
.LBB2_4:
0x6e: {  	[tilespmem:s18], [sflag:$0x2] =	stream.indirect.gather [hbm4b:s4+s16], $0x80, s28, s16, $0xb8;
	[tilespmem:$0x1E400] =	vst v63  }
0x6f: {  	s28 =	smov.u32 s26  }
0x70: {  	p0 =	sne.s32 s26, $0x4800;
	s26 =	sadd.s32 $0x400, s26;
	_ =	swait.ge [sflag:s19], $0x4000  }
0x71: {  	s28 =	sshra.s32 s28, $0x2;
	[sflag:s19] =	ssyncset.done $0x0  }
0x72: {  	s29 =	sadd.s32 $0x1400, s28;
	[sflag:s19] =	ssyncadd.s32 $0xFFFFC000  }
0x73: {  	[spmem:s2] =	stream.indirect.scatter.add.f32 [tilespmem:s17], [sflag:$0x3], $0x80, s29, s16, $0xb8;
	[tilespmem:$0x1E400] =	vst v63  }
0x74: {  	_ =	swait.ge [sflag:s20], $0x4000  }
0x75: {  	[sflag:s20] =	ssyncset.done $0x0  }
0x76: {  	s29 =	sadd.s32 $0x100, s28;
	[sflag:s20] =	ssyncadd.s32 $0xFFFFC000  }
0x77: {  	[tilespmem:s17], [sflag:$0x1] =	stream.indirect.gather [hbm4b:s4+s16], $0x80, s29, s16, $0xb8;
	[tilespmem:$0x1E400] =	vst v63  }
0x78: {  	_ =	swait.ge [sflag:s21], $0x4000  }
0x79: {  	[sflag:s21] =	ssyncset.done $0x0  }
.Ltmp1:
0x7a: {  	s29 =	sadd.s32 $0x1480, s28;
	[sflag:s21] =	ssyncadd.s32 $0xFFFFC000;
	(pc) =	sbr.rel @p0 .LBB2_4-.Ltmp1, $4  }
0x7b: {  	[spmem:s2] =	stream.indirect.scatter.add.f32 [tilespmem:s18], [sflag:$0x4], $0x80, s29, s16, $0xb8;
	[tilespmem:$0x1E400] =	vst v63  }
0x7c: {  	_ =	swait.ge [sflag:s22], $0x4000  }
0x7d: {  	[sflag:s22] =	ssyncset.done $0x0  }
0x7e: {  	s28 =	sadd.s32 $0x180, s28;
	[sflag:s22] =	ssyncadd.s32 $0xFFFFC000  }
0x7f: {  	[tilespmem:s18], [sflag:$0x2] =	stream.indirect.gather [hbm4b:s4+s16], $0x80, s28, s16, $0xb8;
	[tilespmem:$0x1E400] =	vst v63  }
0x80: {  	_ =	swait.ge [sflag:s19], $0x4000  }
0x81: {  	[sflag:s19] =	ssyncset.done $0x0  }
0x82: {  	[sflag:s19] =	ssyncadd.s32 $0xFFFFC000  }
0x83: {  	[spmem:s2] =	stream.indirect.scatter.add.f32 [tilespmem:s17], [sflag:$0x3], $0x80, s23, s16, $0xb8;
	[tilespmem:$0x1E400] =	vst v63  }
0x84: {  	_ =	swait.ge [sflag:s20], $0x4000  }
0x85: {  	[sflag:s20] =	ssyncset.done $0x0  }
0x86: {  	[sflag:s20] =	ssyncadd.s32 $0xFFFFC000  }
0x87: {  	_ =	swait.ge [sflag:s21], $0x4000  }
0x88: {  	[sflag:s21] =	ssyncset.done $0x0  }
0x89: {  	[sflag:s21] =	ssyncadd.s32 $0xFFFFC000  }
0x8a: {  	[spmem:s2] =	stream.indirect.scatter.add.f32 [tilespmem:s18], [sflag:$0x4], $0x80, s24, s16, $0xb8;
	[tilespmem:$0x1E400] =	vst v63  }
0x8b: {  	_ =	swait.ge [sflag:s22], $0x4000  }
0x8c: {  	s25 =	sadd.s32 $0x1, s25;
	[sflag:s22] =	ssyncset.done $0x0  }
0x8d: {  	p0 =	sne.s32 s25, s12;
	[sflag:s22] =	ssyncadd.s32 $0xFFFFC000  }
.Ltmp2:
0x8e: {  	[bflag:$0x0] =	sbarrier.arrive $0xFFFF;
	(pc) =	sbr.rel @p0 .LBB2_1-.Ltmp2, $4  }
0x8f: {  	[hbm:s11], [sflag:s6] =	dma.local [spmem:s13], $0x2780  }
0x90: {  	_ =	swait.ge [sflag:s14], $0x2780  }
0x91: {  	[sflag:s14] =	ssyncset.done $0x0  }
0x92: {  	[sflag:s14] =	ssyncadd.s32 $0xFFFFD880  }
0x93: {  	_ =	sfence.sel $0x180000  }
0x94: {  	[bflag:$0x0] =	sbarrier.arrive $0xFFFF  }
0x95: {  	p0 =	sne.s32 s1, $0x0;
	_ =	strace $0x9000004A  }
0x96: {  	s0 =	sadd.s32 @!p0 $0x100000, s0;
	[bflag:$0x2] =	sbarrier.arrive $0xFFFF  }
0x97: {  	[sflag:s0] =	ssyncadd.tile.s32 @!p0 $0x1;
	_ =	shalt  }
.Lfunc_end2:
_tile_overlayer_lowered:
.L_overlay_start_2:
0x98: {  	(tag) =	ssettag $0x2  }
0x99: {  	s0 =	rddreg [dreg:$0x0];
	s2 =	stileid.u32  }
0x9a: {  	s1 =	rddreg [dreg:$0x1];
	p0 =	sne.s32 s2, $0x0  }
0x9b: {  	s3 =	rddreg [dreg:$0x2];
	[bflag:$0x3] =	sbarrier.arrive $0xFFFF;
	s2 =	simm.s32 @!p0 $0x1C05  }
0x9c: {  	[timem:s3], [sflag:s2] =	dma.local @!p0 [hbm:s0], s1  }
0x9d: {  	s0 =	simm.s32 @!p0 $0x5  }
0x9e: {  	_ =	swait.ge @!p0 [sflag:s0], s1  }
0x9f: {  	s1 =	ssub.s32 @!p0 $0x0, s1;
	[sflag:s0] =	ssyncset.done @!p0 $0x0  }
0xa0: {  	[sflag:s0] =	ssyncadd.s32 @!p0 s1  }
0xa1: {  	[bflag:$0x3] =	sbarrier.arrive $0xFFFF  }
0xa2: {  	_ =	shalt  }

// kernel: kernel.14.cloned.1.call-start
scs
__scs_entry_jumppad:
0x0: {  	(pc) =	sbr.rel $0x88, $3  }
0x1: {  	(tag) =	ssettag $0x0;
	lr =	simm.s32 $0x1  }
0x2: {  	[smem:$0x3F9A] =	sst lr;
	_ =	strace $0xD0000000  }
0x3: {  	_ = 	snop  }
0x4: {  	_ = 	snop  }
0x5: {  	_ = 	snop  }
0x6: {  	_ = 	snop  }
0x7: {  	_ = 	snop  }
__scs_overlays_trampoline_lowered:
0x8: {  	[smem:$0x3FA9] =	sst s0  }
0x9: {  	[smem:$0x3FAA] =	sst s1  }
0xa: {  	[smem:$0x3FAB] =	sst s2  }
0xb: {  	[smem:$0x3FAC] =	sst s3  }
0xc: {  	[smem:$0x3FAD] =	sst s4  }
0xd: {  	[smem:$0x3FAE] =	sst s5  }
0xe: {  	[smem:$0x3FAF] =	sst s6  }
0xf: {  	[smem:$0x3FB0] =	sst s7  }
0x10: {  	[smem:$0x3FB1] =	sst s8  }
0x11: {  	[smem:$0x3FB2] =	sst s9;
	s0 =	simm.s32 @!p0 $0x0  }
0x12: {  	s1 =	sld [smem:$0x3F98];
	s0 =	simm.s32 @p0 $0x1  }
0x13: {  	[smem:$0x3FB3] =	sst s0;
	s0 =	simm.s32 @!p1 $0x0  }
0x14: {  	s2 =	sld [smem:$0x3F97];
	s0 =	simm.s32 @p1 $0x1  }
0x15: {  	[smem:$0x3FB4] =	sst s0;
	s0 =	simm.s32 @!p2 $0x0  }
0x16: {  	s3 =	sld [smem:$0x3FDB];
	s0 =	simm.s32 @p2 $0x1  }
0x17: {  	s4 =	simm.s32 $0x1BF5;
	[smem:$0x3FB6] =	sst s0  }
0x18: {  	s0 =	sld [smem:$0x3F99];
	_ =	swait.ge [sflag:s4], $0x0  }
0x19: {  	s7 =	sld [smem:$0x3F9A]  }
0x1a: {  	s8 =	sadd.s32 $0xFFFFE003, lr  }
0x1b: {  	s9 =	sadd.s32 $0xFFFFFEF7, lr;
	s5 =	simm.s32 $0xFFFFFFFF;
	p2 =	slt.u32 s8, $0xFFFFF086  }
0x1c: {  	p1 =	slt.u32 s9, $0xF7A;
	s5 =	simm.s32 @!p2 $0x0  }
0x1d: {  	s5 =	simm.s32 @p1 $0x1;
	p0 =	seq.s32 s7, s2  }
0x1e: {  	s7 =	smul.u32 @!p0 $0xF7A, s2;
	p2 =	seq.s32 @!p0 s5, $0x0  }
0x1f: {  	s9 =	smul.u32 $0xF7A, s1;
	s8 =	simm.s32 @!p0 $0x1BF5;
	p2 =	por !p2, p0  }
0x20: {  	[sflag:s8] =	ssyncset.s32 @!p0 $0xFFFFF086;
	s6 =	sadd.s32 @!p0 s3, s7;
	s7 =	simm.s32 @!p0 $0x108  }
0x21: {  	s3 =	sadd.s32 s3, s9;
	s6 =	sadd.s32 @!p0 $0x88, s6;
	s7 =	simm.s32 @p2 $0x1082  }
0x22: {  	[simem:s7], [sflag:s8] =	dma.local @!p0 [hbm:s6], $0xF7A  }
0x23: {  	s9 =	sor.u32 $0xD0000000, s2;
	s6 =	simm.s32 $0x108;
	_ =	swait.ge @!p0 [sflag:s8], $0x0  }
0x24: {  	s3 =	sadd.s32 $0x88, s3;
	s6 =	simm.s32 @!p1 $0x1082;
	[sflag:s4] =	ssyncset.s32 $0xFFFFF086  }
0x25: {  	[simem:s6], [sflag:s4] =	dma.local [hbm:s3], $0xF7A  }
0x26: {  	[smem:$0x3F9A] =	sst s1;
	(tag) =	ssettag s2;
	_ =	strace s9  }
0x27: {  	s1 =	sld [smem:$0x3FAA]  }
0x28: {  	s2 =	sld [smem:$0x3FAB]  }
0x29: {  	s4 =	sld [smem:$0x3FAD]  }
0x2a: {  	p0 =	seq.s32 s5, $0x0;
	s5 =	sld [smem:$0x3FAE]  }
0x2b: {  	s6 =	sld [smem:$0x3FAF]  }
0x2c: {  	s7 =	sld [smem:$0x3FB0]  }
0x2d: {  	s3 =	simm.s32 $0x108;
	s8 =	sld [smem:$0x3FB1]  }
0x2e: {  	s3 =	simm.s32 @!p0 $0x1082;
	s9 =	sld [smem:$0x3FB2]  }
0x2f: {  	lr =	sadd.s32 s0, s3;
	s0 =	sld [smem:$0x3FA9]  }
0x30: {  	s3 =	sld [smem:$0x3FAC]  }
0x31: {  	[smem:$0x3FB5] =	sst s10  }
0x32: {  	s10 =	sld [smem:$0x3FB3];
	_ =	sdelay $0x3  }
0x33: {  	p0 =	seq.s32 s10, $0x1;
	s10 =	sld [smem:$0x3FB5];
	_ =	sdelay $0x3  }
0x34: {  	[smem:$0x3FB5] =	sst s10  }
0x35: {  	s10 =	sld [smem:$0x3FB4];
	_ =	sdelay $0x3  }
0x36: {  	p1 =	seq.s32 s10, $0x1;
	s10 =	sld [smem:$0x3FB5];
	_ =	sdelay $0x3  }
0x37: {  	[smem:$0x3FB5] =	sst s10  }
0x38: {  	s10 =	sld [smem:$0x3FB6]  }
0x39: {  	_ = 	snop;
	(pc) =	sbr.ind lr, $3  }
0x3a: {  	_ = 	snop  }
0x3b: {  	_ = 	snop  }
0x3c: {  	p2 =	seq.s32 s10, $0x1;
	s10 =	sld [smem:$0x3FB5]  }
0x3d: {  	_ =	shalt  }
0x3e: {  	_ =	shalt  }
0x3f: {  	_ =	shalt  }
0x40: {  	_ =	shalt  }
0x41: {  	_ =	shalt  }
0x42: {  	_ =	shalt  }
0x43: {  	_ =	shalt  }
0x44: {  	_ =	shalt  }
0x45: {  	_ =	shalt  }
0x46: {  	_ =	shalt  }
0x47: {  	_ =	shalt  }
0x48: {  	_ =	shalt  }
0x49: {  	_ =	shalt  }
0x4a: {  	_ =	shalt  }
0x4b: {  	_ =	shalt  }
0x4c: {  	_ =	shalt  }
0x4d: {  	_ =	shalt  }
0x4e: {  	_ =	shalt  }
0x4f: {  	_ =	shalt  }
0x50: {  	_ =	shalt  }
0x51: {  	_ =	shalt  }
0x52: {  	_ =	shalt  }
0x53: {  	_ =	shalt  }
0x54: {  	_ =	shalt  }
0x55: {  	_ =	shalt  }
0x56: {  	_ =	shalt  }
0x57: {  	_ =	shalt  }
0x58: {  	_ =	shalt  }
0x59: {  	_ =	shalt  }
0x5a: {  	_ =	shalt  }
0x5b: {  	_ =	shalt  }
0x5c: {  	_ =	shalt  }
0x5d: {  	_ =	shalt  }
0x5e: {  	_ =	shalt  }
0x5f: {  	_ =	shalt  }
0x60: {  	_ =	shalt  }
0x61: {  	_ =	shalt  }
0x62: {  	_ =	shalt  }
0x63: {  	_ =	shalt  }
0x64: {  	_ =	shalt  }
0x65: {  	_ =	shalt  }
0x66: {  	_ =	shalt  }
0x67: {  	_ =	shalt  }
0x68: {  	_ =	shalt  }
0x69: {  	_ =	shalt  }
0x6a: {  	_ =	shalt  }
0x6b: {  	_ =	shalt  }
0x6c: {  	_ =	shalt  }
0x6d: {  	_ =	shalt  }
0x6e: {  	_ =	shalt  }
0x6f: {  	_ =	shalt  }
0x70: {  	_ =	shalt  }
0x71: {  	_ =	shalt  }
0x72: {  	_ =	shalt  }
0x73: {  	_ =	shalt  }
0x74: {  	_ =	shalt  }
0x75: {  	_ =	shalt  }
0x76: {  	_ =	shalt  }
0x77: {  	_ =	shalt  }
0x78: {  	_ =	shalt  }
0x79: {  	_ =	shalt  }
0x7a: {  	_ =	shalt  }
0x7b: {  	_ =	shalt  }
0x7c: {  	_ =	shalt  }
0x7d: {  	_ =	shalt  }
0x7e: {  	_ =	shalt  }
0x7f: {  	_ =	shalt  }
0x80: {  	_ =	shalt  }
0x81: {  	_ =	shalt  }
0x82: {  	_ =	shalt  }
0x83: {  	_ =	shalt  }
0x84: {  	_ =	shalt  }
0x85: {  	_ =	shalt  }
0x86: {  	_ =	shalt  }
0x87: {  	_ =	shalt  }
.Lfunc_end0:
.L_simem_size_0:
called_computation.2_lowered:
.L_overlay_start_0:
0x88: {  	s2 =	sld [smem:$0x3FD9]  }
0x89: {  	s3 =	sld [smem:$0x3FFE];
	_ =	sdelay $0x1  }
0x8a: {  	s1 =	srdreg.scid  }
0x8b: {  	s0 =	sand.u32 $0x1, s1  }
0x8c: {  	s17 =	sshll.u32 s0, $0xA;
	s2 =	sadd.s32 s3, s2  }
0x8d: {  	s2 =	sadd.s32 s2, s17  }
0x8e: {  	[smem:$0x3FC1] =	sst s2  }
0x8f: {  	_ = 	snop  }
0x90: {  	s2 =	sld [smem:$0x3FD0];
	(tm) =	ssettm $0x1  }
0x91: {  	s18 =	sld [smem:$0x3FFB];
	_ =	sdelay $0x3  }
0x92: {  	_ =	strace s18  }
0x93: {  	s3 =	sld [smem:$0x3FFC];
	_ =	sdelay $0x3  }
0x94: {  	_ =	strace s3  }
0x95: {  	s3 =	sld [smem:$0x3FFD];
	_ =	sdelay $0x3  }
0x96: {  	_ =	strace s3  }
0x97: {  	_ =	strace $0x8FFFFFFF  }
0x98: {  	s19 =	sld [smem:$0x3FDB];
	_ =	sdelay $0x1  }
0x99: {  	s4 =	simm.s32 $_scs_section_size  }
0x9a: {  	s5 =	simm.s32 $_size__tile_overlayer_lowered;
	s6 =	simm.s32 $_tile_overlayer_lowered  }
0x9b: {  	s22 =	simm.s32 $0x1BFF;
	s21 =	sshll.u32 s6, $0x1;
	s3 =	sadd.s32 s4, s19  }
0x9c: {  	s7 =	simm.s32 $0x0;
	s20 =	sshll.u32 s5, $0x1;
	s5 =	sadd.s32 s21, s3  }
0x9d: {  	[timem:s7], [sflag:s22] =	dma.local [hbm:s5], s20  }
0x9e: {  	_ =	swait.ge [sflag:s22], s20  }
0x9f: {  	s4 =	ssub.s32 $0x0, s20;
	[sflag:s22] =	ssyncset.done $0x0  }
0xa0: {  	[sflag:s22] =	ssyncadd.s32 s4;
	_ =	sdelay $0x1  }
0xa1: {  	s23 =	simm.s32 $0x1B8B  }
0xa2: {  	_ =	swait.ge [sflag:s23], $0x1  }
0xa3: {  	[sflag:s23] =	ssyncset.done $0x0  }
0xa4: {  	s25 =	simm.s32 $0x1B8E;
	s24 =	sld [smem:$0x3FFE];
	[sflag:s23] =	ssyncadd.s32 $0xFFFFFFFF  }
0xa5: {  	s26 =	simm.s32 $execute0_lowered;
	[smem:$0x3FD2] =	sst s25  }
0xa6: {  	s5 =	sshll.u32 s26, $0x1;
	_ =	strace $0x8000004C;
	[dreg:$0x1] =	wrdreg $0xFFFFFFFF  }
0xa7: {  	s28 =	simm.s32 $_size_execute0_lowered;
	s3 =	sadd.s32 s3, s5;
	[dreg:$0x0] =	wrdreg $0x0  }
0xa8: {  	s5 =	sshll.u32 s28, $0x1;
	[dreg:$0x2] =	wrdreg s3  }
0xa9: {  	[dreg:$0x3] =	wrdreg s5  }
0xaa: {  	[dreg:$0x4] =	wrdreg $0xC0  }
0xab: {  	_ =	task [dreg:s7], $0x5FFFF  }
0xac: {  	[dreg:$0x1] =	wrdreg $0xFFFFFFFF  }
0xad: {  	[dreg:$0x0] =	wrdreg $0x60  }
0xae: {  	[dreg:$0x2] =	wrdreg s2  }
0xaf: {  	[dreg:$0x3] =	wrdreg s24  }
0xb0: {  	[dreg:$0x4] =	wrdreg $0xA8000  }
0xb1: {  	[dreg:$0x5] =	wrdreg $0x9  }
0xb2: {  	_ =	task.clear_ibuf [dreg:s7], $0x6FFFF;
	_ =	strace $0x9000004C  }
0xb3: {  	s29 =	simm.s32 $0x9;
	_ =	strace $0x8000004E  }
0xb4: {  	_ =	swait.ge [sflag:s29], $0x1  }
0xb5: {  	[sflag:s29] =	ssyncadd.s32 $0xFFFFFFFF  }
0xb6: {  	_ =	strace $0x9000004E  }
0xb7: {  	_ =	sfence  }
0xb8: {  	s30 =	sld [smem:$0x0];
	_ =	sdelay $0x2  }
0xb9: {  	s31 =	sshll.u32 s1, $0xD;
	s1 =	sshrl.u32 s1, $0x2  }
0xba: {  	s3 =	sand.u32 $0x4000, s31;
	s1 =	sadd.s32 s1, s30  }
0xbb: {  	s0 =	sor.u32 s3, s0;
	s1 =	sshll.u32 s1, $0x11  }
0xbc: {  	s0 =	sor.u32 s1, s0  }
0xbd: {  	s0 =	sadd.s32 $0x8F2B, s0  }
0xbe: {  	[sflag:s0] =	ssyncadd.remote.s32 $0x1  }
0xbf: {  	_ =	sfence.sel $0xFFFF  }
0xc0: {  	[dreg:$0x0] =	wrdreg $0xFFFFFFFF;
	(pc) =	sbr.abs _section_cstart, $3  }
0xc1: {  	[dreg:$0x1] =	wrdreg $0xFFFFFFFF  }
0xc2: {  	_ =	task.clear_ibuf [dreg:s7], $0x2FFFF;
	_ =	strace $0x9FFFFFFF  }
0xc3: {  	(tm) =	ssettm $0x7FFFFFFF  }
tec
execute0_lowered:
.L_overlay_start_1:
0x0: {  	(tag) =	ssettag $0x1  }
0x1: {  	s9 =	rddreg [dreg:$0x0]  }
0x2: {  	s5 =	rddreg [dreg:$0x1]  }
0x3: {  	s2 =	rddreg [dreg:$0x2]  }
0x4: {  	s0 =	rddreg [dreg:$0x3]  }
0x5: {  	s4 =	srdreg.scid;
	s1 =	stileid.u32  }
0x6: {  	s3 =	simm.s32 $0x0;
	s15 =	simm.s32 $0x1400;
	s16 =	simm.s32 $0x80  }
0x7: {  	s17 =	simm.s32 $0x2800;
	s18 =	simm.s32 $0x6800;
	s19 =	simm.s32 $0x1  }
0x8: {  	s20 =	simm.s32 $0x3;
	s21 =	simm.s32 $0x2;
	s22 =	simm.s32 $0x4  }
0x9: {  	s6 =	sand.u32 $0x1, s4;
	s7 =	smul.u32 $0x13C00, s1;
	[smem:$0x7FF] =	sst s3  }
0xa: {  	s10 =	sadd.s32 $0x2800, s5;
	s4 =	sadd.s32 $0xC800, s5;
	s11 =	smul.u32 $0x4F000, s1  }
0xb: {  	s29 =	sshll.u32 s1, $0x6;
	s8 =	smul.u32 $0x13C000, s6;
	s12 =	sshll.u32 s6, $0x4  }
0xc: {  	_ =	strace $0x8000004D;
	s23 =	ssub.s32 $0x2, s6;
	s24 =	sor.u32 s1, s12  }
0xd: {  	s25 =	sshrl.u32 s23, $0x1;
	s11 =	sshrl.u32 s11, $0x2;
	s28 =	sshrl.u32 s7, $0x3  }
0xe: {  	s8 =	sadd.s32 s7, s8;
	s6 =	smul.u32 $0x2800, s24;
	s26 =	ssub.s32 s23, s25  }
0xf: {  	s14 =	sadd.s32 s11, s2;
	s23 =	simm.s32 $0x2700;
	s24 =	simm.s32 $0x2780  }
0x10: {  	s25 =	simm.s32 $0x0;
	s8 =	sshrl.u32 s8, $0x3;
	s12 =	smax.u32 s26, $0x1  }
0x11: {  	s13 =	sadd.s32 s8, s5;
	s5 =	sadd.s32 s4, s28;
	s30 =	sshrl.u32 s6, $0x3  }
0x12: {  	s6 =	sor.u32 $0x1C05, s29;
	s7 =	sadd.s32 s9, s30;
	s31 =	sadd.s32 $0x280, s30  }
0x13: {  	s8 =	sadd.s32 s10, s30;
	s11 =	sadd.s32 $0x34000, s13;
	s13 =	sshrl.u32 s14, $0x3  }
0x14: {  	s14 =	simm.s32 $0x5;
	s9 =	sadd.s32 s9, s31;
	s10 =	sadd.s32 s10, s31  }
.LBB2_1:
0x15: {  	[spmem:s13], [sflag:s6] =	dma.local [hbm:s5], $0x2780  }
0x16: {  	_ =	swait.ge [sflag:s14], $0x2780  }
0x17: {  	[sflag:s14] =	ssyncset.done $0x0  }
0x18: {  	[sflag:s14] =	ssyncadd.s32 $0xFFFFD880  }
0x19: {  	[bflag:$0x0] =	sbarrier.arrive $0xFFFF  }
0x1a: {  	[tilespmem:s3], [sflag:$0x5] =	stream.linear.gather [hbm4b:s7+s3], $0x1400, $0x38;
	[tilespmem:$0x1E400] =	vst v63  }
0x1b: {  	_ =	swait.ge [sflag:s14], $0x1400  }
0x1c: {  	[sflag:s14] =	ssyncset.done $0x0  }
0x1d: {  	[sflag:s14] =	ssyncadd.s32 $0xFFFFEC00  }
0x1e: {  	[tilespmem:s15], [sflag:$0x5] =	stream.linear.gather [hbm4b:s8+s3], $0x1400, $0x38;
	[tilespmem:$0x1E400] =	vst v63  }
0x1f: {  	_ =	swait.ge [sflag:s14], $0x1400  }
0x20: {  	[sflag:s14] =	ssyncset.done $0x0  }
0x21: {  	[sflag:s14] =	ssyncadd.s32 $0xFFFFEC00  }
0x22: {  	[tilespmem:s17], [sflag:$0x1] =	stream.indirect.gather [hbm4b:s4+s16], $0x80, s3, s16, $0xb8;
	[tilespmem:$0x1E400] =	vst v63  }
0x23: {  	_ = 	snop  }
0x24: {  	[tilespmem:s18], [sflag:$0x2] =	stream.indirect.gather [hbm4b:s4+s16], $0x80, s16, s16, $0xb8;
	[tilespmem:$0x1E400] =	vst v63  }
0x25: {  	_ =	swait.ge [sflag:s19], $0x4000  }
0x26: {  	[sflag:s19] =	ssyncset.done $0x0  }
0x27: {  	s26 =	simm.s32 $0x1400;
	[sflag:s19] =	ssyncadd.s32 $0xFFFFC000  }
0x28: {  	[spmem:s2] =	stream.indirect.scatter.add.f32 [tilespmem:s17], [sflag:$0x3], $0x80, s26, s16, $0xb8;
	[tilespmem:$0x1E400] =	vst v63  }
0x29: {  	_ =	swait.ge [sflag:s20], $0x4000  }
0x2a: {  	[sflag:s20] =	ssyncset.done $0x0  }
0x2b: {  	s30 =	simm.s32 $0x100;
	[sflag:s20] =	ssyncadd.s32 $0xFFFFC000  }
0x2c: {  	[tilespmem:s17], [sflag:$0x1] =	stream.indirect.gather [hbm4b:s4+s16], $0x80, s30, s16, $0xb8;
	[tilespmem:$0x1E400] =	vst v63  }
0x2d: {  	_ =	swait.ge [sflag:s21], $0x4000  }
0x2e: {  	[sflag:s21] =	ssyncset.done $0x0  }
0x2f: {  	s31 =	simm.s32 $0x1480;
	[sflag:s21] =	ssyncadd.s32 $0xFFFFC000  }
0x30: {  	[spmem:s2] =	stream.indirect.scatter.add.f32 [tilespmem:s18], [sflag:$0x4], $0x80, s31, s16, $0xb8;
	[tilespmem:$0x1E400] =	vst v63  }
0x31: {  	_ =	swait.ge [sflag:s22], $0x4000  }
0x32: {  	[sflag:s22] =	ssyncset.done $0x0  }
0x33: {  	s28 =	simm.s32 $0x180;
	s26 =	simm.s32 $0x400;
	[sflag:s22] =	ssyncadd.s32 $0xFFFFC000  }
.LBB2_2:
0x34: {  	[tilespmem:s18], [sflag:$0x2] =	stream.indirect.gather [hbm4b:s4+s16], $0x80, s28, s16, $0xb8;
	[tilespmem:$0x1E400] =	vst v63  }
0x35: {  	s28 =	smov.u32 s26  }
0x36: {  	p0 =	sne.s32 s26, $0x4800;
	s26 =	sadd.s32 $0x400, s26;
	_ =	swait.ge [sflag:s19], $0x4000  }
0x37: {  	s28 =	sshra.s32 s28, $0x2;
	[sflag:s19] =	ssyncset.done $0x0  }
0x38: {  	s29 =	sadd.s32 $0x1400, s28;
	[sflag:s19] =	ssyncadd.s32 $0xFFFFC000  }
0x39: {  	[spmem:s2] =	stream.indirect.scatter.add.f32 [tilespmem:s17], [sflag:$0x3], $0x80, s29, s16, $0xb8;
	[tilespmem:$0x1E400] =	vst v63  }
0x3a: {  	_ =	swait.ge [sflag:s20], $0x4000  }
0x3b: {  	[sflag:s20] =	ssyncset.done $0x0  }
0x3c: {  	s29 =	sadd.s32 $0x100, s28;
	[sflag:s20] =	ssyncadd.s32 $0xFFFFC000  }
0x3d: {  	[tilespmem:s17], [sflag:$0x1] =	stream.indirect.gather [hbm4b:s4+s16], $0x80, s29, s16, $0xb8;
	[tilespmem:$0x1E400] =	vst v63  }
0x3e: {  	_ =	swait.ge [sflag:s21], $0x4000  }
0x3f: {  	[sflag:s21] =	ssyncset.done $0x0  }
.Ltmp0:
0x40: {  	s29 =	sadd.s32 $0x1480, s28;
	[sflag:s21] =	ssyncadd.s32 $0xFFFFC000;
	(pc) =	sbr.rel @p0 .LBB2_2-.Ltmp0, $4  }
0x41: {  	[spmem:s2] =	stream.indirect.scatter.add.f32 [tilespmem:s18], [sflag:$0x4], $0x80, s29, s16, $0xb8;
	[tilespmem:$0x1E400] =	vst v63  }
0x42: {  	_ =	swait.ge [sflag:s22], $0x4000  }
0x43: {  	[sflag:s22] =	ssyncset.done $0x0  }
0x44: {  	s28 =	sadd.s32 $0x180, s28;
	[sflag:s22] =	ssyncadd.s32 $0xFFFFC000  }
0x45: {  	[tilespmem:s18], [sflag:$0x2] =	stream.indirect.gather [hbm4b:s4+s16], $0x80, s28, s16, $0xb8;
	[tilespmem:$0x1E400] =	vst v63  }
0x46: {  	_ =	swait.ge [sflag:s19], $0x4000  }
0x47: {  	[sflag:s19] =	ssyncset.done $0x0  }
0x48: {  	[sflag:s19] =	ssyncadd.s32 $0xFFFFC000  }
0x49: {  	[spmem:s2] =	stream.indirect.scatter.add.f32 [tilespmem:s17], [sflag:$0x3], $0x80, s23, s16, $0xb8;
	[tilespmem:$0x1E400] =	vst v63  }
0x4a: {  	_ =	swait.ge [sflag:s20], $0x4000  }
0x4b: {  	[sflag:s20] =	ssyncset.done $0x0  }
0x4c: {  	[sflag:s20] =	ssyncadd.s32 $0xFFFFC000  }
0x4d: {  	_ =	swait.ge [sflag:s21], $0x4000  }
0x4e: {  	[sflag:s21] =	ssyncset.done $0x0  }
0x4f: {  	[sflag:s21] =	ssyncadd.s32 $0xFFFFC000  }
0x50: {  	[spmem:s2] =	stream.indirect.scatter.add.f32 [tilespmem:s18], [sflag:$0x4], $0x80, s24, s16, $0xb8;
	[tilespmem:$0x1E400] =	vst v63  }
0x51: {  	_ =	swait.ge [sflag:s22], $0x4000  }
0x52: {  	[sflag:s22] =	ssyncset.done $0x0  }
0x53: {  	s26 =	simm.s32 $0x0;
	[sflag:s22] =	ssyncadd.s32 $0xFFFFC000  }
0x54: {  	[tilespmem:s26], [sflag:$0x5] =	stream.linear.gather [hbm4b:s9+s26], $0x1400, $0x38;
	[tilespmem:$0x1E400] =	vst v63  }
0x55: {  	_ =	swait.ge [sflag:s14], $0x1400  }
0x56: {  	[sflag:s14] =	ssyncset.done $0x0  }
0x57: {  	[sflag:s14] =	ssyncadd.s32 $0xFFFFEC00  }
0x58: {  	[tilespmem:s15], [sflag:$0x5] =	stream.linear.gather [hbm4b:s10+s26], $0x1400, $0x38;
	[tilespmem:$0x1E400] =	vst v63  }
0x59: {  	_ =	swait.ge [sflag:s14], $0x1400  }
0x5a: {  	[sflag:s14] =	ssyncset.done $0x0  }
0x5b: {  	[sflag:s14] =	ssyncadd.s32 $0xFFFFEC00  }
0x5c: {  	[tilespmem:s17], [sflag:$0x1] =	stream.indirect.gather [hbm4b:s4+s16], $0x80, s26, s16, $0xb8;
	[tilespmem:$0x1E400] =	vst v63  }
0x5d: {  	_ = 	snop  }
0x5e: {  	[tilespmem:s18], [sflag:$0x2] =	stream.indirect.gather [hbm4b:s4+s16], $0x80, s16, s16, $0xb8;
	[tilespmem:$0x1E400] =	vst v63  }
0x5f: {  	_ =	swait.ge [sflag:s19], $0x4000  }
0x60: {  	[sflag:s19] =	ssyncset.done $0x0  }
0x61: {  	s29 =	simm.s32 $0x1400;
	[sflag:s19] =	ssyncadd.s32 $0xFFFFC000  }
0x62: {  	[spmem:s2] =	stream.indirect.scatter.add.f32 [tilespmem:s17], [sflag:$0x3], $0x80, s29, s16, $0xb8;
	[tilespmem:$0x1E400] =	vst v63  }
0x63: {  	_ =	swait.ge [sflag:s20], $0x4000  }
0x64: {  	[sflag:s20] =	ssyncset.done $0x0  }
0x65: {  	s30 =	simm.s32 $0x100;
	[sflag:s20] =	ssyncadd.s32 $0xFFFFC000  }
0x66: {  	[tilespmem:s17], [sflag:$0x1] =	stream.indirect.gather [hbm4b:s4+s16], $0x80, s30, s16, $0xb8;
	[tilespmem:$0x1E400] =	vst v63  }
0x67: {  	_ =	swait.ge [sflag:s21], $0x4000  }
0x68: {  	[sflag:s21] =	ssyncset.done $0x0  }
0x69: {  	s31 =	simm.s32 $0x1480;
	[sflag:s21] =	ssyncadd.s32 $0xFFFFC000  }
0x6a: {  	[spmem:s2] =	stream.indirect.scatter.add.f32 [tilespmem:s18], [sflag:$0x4], $0x80, s31, s16, $0xb8;
	[tilespmem:$0x1E400] =	vst v63  }
0x6b: {  	_ =	swait.ge [sflag:s22], $0x4000  }
0x6c: {  	[sflag:s22] =	ssyncset.done $0x0  }
0x6d: {  	s28 =	simm.s32 $0x180;
	s26 =	simm.s32 $0x400;
	[sflag:s22] =	ssyncadd.s32 $0xFFFFC000  }
.LBB2_4:
0x6e: {  	[tilespmem:s18], [sflag:$0x2] =	stream.indirect.gather [hbm4b:s4+s16], $0x80, s28, s16, $0xb8;
	[tilespmem:$0x1E400] =	vst v63  }
0x6f: {  	s28 =	smov.u32 s26  }
0x70: {  	p0 =	sne.s32 s26, $0x4800;
	s26 =	sadd.s32 $0x400, s26;
	_ =	swait.ge [sflag:s19], $0x4000  }
0x71: {  	s28 =	sshra.s32 s28, $0x2;
	[sflag:s19] =	ssyncset.done $0x0  }
0x72: {  	s29 =	sadd.s32 $0x1400, s28;
	[sflag:s19] =	ssyncadd.s32 $0xFFFFC000  }
0x73: {  	[spmem:s2] =	stream.indirect.scatter.add.f32 [tilespmem:s17], [sflag:$0x3], $0x80, s29, s16, $0xb8;
	[tilespmem:$0x1E400] =	vst v63  }
0x74: {  	_ =	swait.ge [sflag:s20], $0x4000  }
0x75: {  	[sflag:s20] =	ssyncset.done $0x0  }
0x76: {  	s29 =	sadd.s32 $0x100, s28;
	[sflag:s20] =	ssyncadd.s32 $0xFFFFC000  }
0x77: {  	[tilespmem:s17], [sflag:$0x1] =	stream.indirect.gather [hbm4b:s4+s16], $0x80, s29, s16, $0xb8;
	[tilespmem:$0x1E400] =	vst v63  }
0x78: {  	_ =	swait.ge [sflag:s21], $0x4000  }
0x79: {  	[sflag:s21] =	ssyncset.done $0x0  }
.Ltmp1:
0x7a: {  	s29 =	sadd.s32 $0x1480, s28;
	[sflag:s21] =	ssyncadd.s32 $0xFFFFC000;
	(pc) =	sbr.rel @p0 .LBB2_4-.Ltmp1, $4  }
0x7b: {  	[spmem:s2] =	stream.indirect.scatter.add.f32 [tilespmem:s18], [sflag:$0x4], $0x80, s29, s16, $0xb8;
	[tilespmem:$0x1E400] =	vst v63  }
0x7c: {  	_ =	swait.ge [sflag:s22], $0x4000  }
0x7d: {  	[sflag:s22] =	ssyncset.done $0x0  }
0x7e: {  	s28 =	sadd.s32 $0x180, s28;
	[sflag:s22] =	ssyncadd.s32 $0xFFFFC000  }
0x7f: {  	[tilespmem:s18], [sflag:$0x2] =	stream.indirect.gather [hbm4b:s4+s16], $0x80, s28, s16, $0xb8;
	[tilespmem:$0x1E400] =	vst v63  }
0x80: {  	_ =	swait.ge [sflag:s19], $0x4000  }
0x81: {  	[sflag:s19] =	ssyncset.done $0x0  }
0x82: {  	[sflag:s19] =	ssyncadd.s32 $0xFFFFC000  }
0x83: {  	[spmem:s2] =	stream.indirect.scatter.add.f32 [tilespmem:s17], [sflag:$0x3], $0x80, s23, s16, $0xb8;
	[tilespmem:$0x1E400] =	vst v63  }
0x84: {  	_ =	swait.ge [sflag:s20], $0x4000  }
0x85: {  	[sflag:s20] =	ssyncset.done $0x0  }
0x86: {  	[sflag:s20] =	ssyncadd.s32 $0xFFFFC000  }
0x87: {  	_ =	swait.ge [sflag:s21], $0x4000  }
0x88: {  	[sflag:s21] =	ssyncset.done $0x0  }
0x89: {  	[sflag:s21] =	ssyncadd.s32 $0xFFFFC000  }
0x8a: {  	[spmem:s2] =	stream.indirect.scatter.add.f32 [tilespmem:s18], [sflag:$0x4], $0x80, s24, s16, $0xb8;
	[tilespmem:$0x1E400] =	vst v63  }
0x8b: {  	_ =	swait.ge [sflag:s22], $0x4000  }
0x8c: {  	s25 =	sadd.s32 $0x1, s25;
	[sflag:s22] =	ssyncset.done $0x0  }
0x8d: {  	p0 =	sne.s32 s25, s12;
	[sflag:s22] =	ssyncadd.s32 $0xFFFFC000  }
.Ltmp2:
0x8e: {  	[bflag:$0x0] =	sbarrier.arrive $0xFFFF;
	(pc) =	sbr.rel @p0 .LBB2_1-.Ltmp2, $4  }
0x8f: {  	[hbm:s11], [sflag:s6] =	dma.local [spmem:s13], $0x2780  }
0x90: {  	_ =	swait.ge [sflag:s14], $0x2780  }
0x91: {  	[sflag:s14] =	ssyncset.done $0x0  }
0x92: {  	[sflag:s14] =	ssyncadd.s32 $0xFFFFD880  }
0x93: {  	_ =	sfence.sel $0x180000  }
0x94: {  	[bflag:$0x0] =	sbarrier.arrive $0xFFFF  }
0x95: {  	p0 =	sne.s32 s1, $0x0;
	_ =	strace $0x9000004D  }
0x96: {  	s0 =	sadd.s32 @!p0 $0x100000, s0;
	[bflag:$0x2] =	sbarrier.arrive $0xFFFF  }
0x97: {  	[sflag:s0] =	ssyncadd.tile.s32 @!p0 $0x1;
	_ =	shalt  }
.Lfunc_end2:
_tile_overlayer_lowered:
.L_overlay_start_2:
0x98: {  	(tag) =	ssettag $0x2  }
0x99: {  	s0 =	rddreg [dreg:$0x0];
	s2 =	stileid.u32  }
0x9a: {  	s1 =	rddreg [dreg:$0x1];
	p0 =	sne.s32 s2, $0x0  }
0x9b: {  	s3 =	rddreg [dreg:$0x2];
	[bflag:$0x3] =	sbarrier.arrive $0xFFFF;
	s2 =	simm.s32 @!p0 $0x1C05  }
0x9c: {  	[timem:s3], [sflag:s2] =	dma.local @!p0 [hbm:s0], s1  }
0x9d: {  	s0 =	simm.s32 @!p0 $0x5  }
0x9e: {  	_ =	swait.ge @!p0 [sflag:s0], s1  }
0x9f: {  	s1 =	ssub.s32 @!p0 $0x0, s1;
	[sflag:s0] =	ssyncset.done @!p0 $0x0  }
0xa0: {  	[sflag:s0] =	ssyncadd.s32 @!p0 s1  }
0xa1: {  	[bflag:$0x3] =	sbarrier.arrive $0xFFFF  }
0xa2: {  	_ =	shalt  }

// kernel: kernel.8.cloned.1.call-start
scs
__scs_entry_jumppad:
0x0: {  	(pc) =	sbr.rel $0x88, $3  }
0x1: {  	(tag) =	ssettag $0x0;
	lr =	simm.s32 $0x1  }
0x2: {  	[smem:$0x3F9A] =	sst lr;
	_ =	strace $0xD0000000  }
0x3: {  	_ = 	snop  }
0x4: {  	_ = 	snop  }
0x5: {  	_ = 	snop  }
0x6: {  	_ = 	snop  }
0x7: {  	_ = 	snop  }
__scs_overlays_trampoline_lowered:
0x8: {  	[smem:$0x3FA9] =	sst s0  }
0x9: {  	[smem:$0x3FAA] =	sst s1  }
0xa: {  	[smem:$0x3FAB] =	sst s2  }
0xb: {  	[smem:$0x3FAC] =	sst s3  }
0xc: {  	[smem:$0x3FAD] =	sst s4  }
0xd: {  	[smem:$0x3FAE] =	sst s5  }
0xe: {  	[smem:$0x3FAF] =	sst s6  }
0xf: {  	[smem:$0x3FB0] =	sst s7  }
0x10: {  	[smem:$0x3FB1] =	sst s8  }
0x11: {  	[smem:$0x3FB2] =	sst s9;
	s0 =	simm.s32 @!p0 $0x0  }
0x12: {  	s1 =	sld [smem:$0x3F98];
	s0 =	simm.s32 @p0 $0x1  }
0x13: {  	[smem:$0x3FB3] =	sst s0;
	s0 =	simm.s32 @!p1 $0x0  }
0x14: {  	s2 =	sld [smem:$0x3F97];
	s0 =	simm.s32 @p1 $0x1  }
0x15: {  	[smem:$0x3FB4] =	sst s0;
	s0 =	simm.s32 @!p2 $0x0  }
0x16: {  	s3 =	sld [smem:$0x3FDB];
	s0 =	simm.s32 @p2 $0x1  }
0x17: {  	s4 =	simm.s32 $0x1BF5;
	[smem:$0x3FB6] =	sst s0  }
0x18: {  	s0 =	sld [smem:$0x3F99];
	_ =	swait.ge [sflag:s4], $0x0  }
0x19: {  	s7 =	sld [smem:$0x3F9A]  }
0x1a: {  	s8 =	sadd.s32 $0xFFFFE003, lr  }
0x1b: {  	s9 =	sadd.s32 $0xFFFFFEF7, lr;
	s5 =	simm.s32 $0xFFFFFFFF;
	p2 =	slt.u32 s8, $0xFFFFF086  }
0x1c: {  	p1 =	slt.u32 s9, $0xF7A;
	s5 =	simm.s32 @!p2 $0x0  }
0x1d: {  	s5 =	simm.s32 @p1 $0x1;
	p0 =	seq.s32 s7, s2  }
0x1e: {  	s7 =	smul.u32 @!p0 $0xF7A, s2;
	p2 =	seq.s32 @!p0 s5, $0x0  }
0x1f: {  	s9 =	smul.u32 $0xF7A, s1;
	s8 =	simm.s32 @!p0 $0x1BF5;
	p2 =	por !p2, p0  }
0x20: {  	[sflag:s8] =	ssyncset.s32 @!p0 $0xFFFFF086;
	s6 =	sadd.s32 @!p0 s3, s7;
	s7 =	simm.s32 @!p0 $0x108  }
0x21: {  	s3 =	sadd.s32 s3, s9;
	s6 =	sadd.s32 @!p0 $0x88, s6;
	s7 =	simm.s32 @p2 $0x1082  }
0x22: {  	[simem:s7], [sflag:s8] =	dma.local @!p0 [hbm:s6], $0xF7A  }
0x23: {  	s9 =	sor.u32 $0xD0000000, s2;
	s6 =	simm.s32 $0x108;
	_ =	swait.ge @!p0 [sflag:s8], $0x0  }
0x24: {  	s3 =	sadd.s32 $0x88, s3;
	s6 =	simm.s32 @!p1 $0x1082;
	[sflag:s4] =	ssyncset.s32 $0xFFFFF086  }
0x25: {  	[simem:s6], [sflag:s4] =	dma.local [hbm:s3], $0xF7A  }
0x26: {  	[smem:$0x3F9A] =	sst s1;
	(tag) =	ssettag s2;
	_ =	strace s9  }
0x27: {  	s1 =	sld [smem:$0x3FAA]  }
0x28: {  	s2 =	sld [smem:$0x3FAB]  }
0x29: {  	s4 =	sld [smem:$0x3FAD]  }
0x2a: {  	p0 =	seq.s32 s5, $0x0;
	s5 =	sld [smem:$0x3FAE]  }
0x2b: {  	s6 =	sld [smem:$0x3FAF]  }
0x2c: {  	s7 =	sld [smem:$0x3FB0]  }
0x2d: {  	s3 =	simm.s32 $0x108;
	s8 =	sld [smem:$0x3FB1]  }
0x2e: {  	s3 =	simm.s32 @!p0 $0x1082;
	s9 =	sld [smem:$0x3FB2]  }
0x2f: {  	lr =	sadd.s32 s0, s3;
	s0 =	sld [smem:$0x3FA9]  }
0x30: {  	s3 =	sld [smem:$0x3FAC]  }
0x31: {  	[smem:$0x3FB5] =	sst s10  }
0x32: {  	s10 =	sld [smem:$0x3FB3];
	_ =	sdelay $0x3  }
0x33: {  	p0 =	seq.s32 s10, $0x1;
	s10 =	sld [smem:$0x3FB5];
	_ =	sdelay $0x3  }
0x34: {  	[smem:$0x3FB5] =	sst s10  }
0x35: {  	s10 =	sld [smem:$0x3FB4];
	_ =	sdelay $0x3  }
0x36: {  	p1 =	seq.s32 s10, $0x1;
	s10 =	sld [smem:$0x3FB5];
	_ =	sdelay $0x3  }
0x37: {  	[smem:$0x3FB5] =	sst s10  }
0x38: {  	s10 =	sld [smem:$0x3FB6]  }
0x39: {  	_ = 	snop;
	(pc) =	sbr.ind lr, $3  }
0x3a: {  	_ = 	snop  }
0x3b: {  	_ = 	snop  }
0x3c: {  	p2 =	seq.s32 s10, $0x1;
	s10 =	sld [smem:$0x3FB5]  }
0x3d: {  	_ =	shalt  }
0x3e: {  	_ =	shalt  }
0x3f: {  	_ =	shalt  }
0x40: {  	_ =	shalt  }
0x41: {  	_ =	shalt  }
0x42: {  	_ =	shalt  }
0x43: {  	_ =	shalt  }
0x44: {  	_ =	shalt  }
0x45: {  	_ =	shalt  }
0x46: {  	_ =	shalt  }
0x47: {  	_ =	shalt  }
0x48: {  	_ =	shalt  }
0x49: {  	_ =	shalt  }
0x4a: {  	_ =	shalt  }
0x4b: {  	_ =	shalt  }
0x4c: {  	_ =	shalt  }
0x4d: {  	_ =	shalt  }
0x4e: {  	_ =	shalt  }
0x4f: {  	_ =	shalt  }
0x50: {  	_ =	shalt  }
0x51: {  	_ =	shalt  }
0x52: {  	_ =	shalt  }
0x53: {  	_ =	shalt  }
0x54: {  	_ =	shalt  }
0x55: {  	_ =	shalt  }
0x56: {  	_ =	shalt  }
0x57: {  	_ =	shalt  }
0x58: {  	_ =	shalt  }
0x59: {  	_ =	shalt  }
0x5a: {  	_ =	shalt  }
0x5b: {  	_ =	shalt  }
0x5c: {  	_ =	shalt  }
0x5d: {  	_ =	shalt  }
0x5e: {  	_ =	shalt  }
0x5f: {  	_ =	shalt  }
0x60: {  	_ =	shalt  }
0x61: {  	_ =	shalt  }
0x62: {  	_ =	shalt  }
0x63: {  	_ =	shalt  }
0x64: {  	_ =	shalt  }
0x65: {  	_ =	shalt  }
0x66: {  	_ =	shalt  }
0x67: {  	_ =	shalt  }
0x68: {  	_ =	shalt  }
0x69: {  	_ =	shalt  }
0x6a: {  	_ =	shalt  }
0x6b: {  	_ =	shalt  }
0x6c: {  	_ =	shalt  }
0x6d: {  	_ =	shalt  }
0x6e: {  	_ =	shalt  }
0x6f: {  	_ =	shalt  }
0x70: {  	_ =	shalt  }
0x71: {  	_ =	shalt  }
0x72: {  	_ =	shalt  }
0x73: {  	_ =	shalt  }
0x74: {  	_ =	shalt  }
0x75: {  	_ =	shalt  }
0x76: {  	_ =	shalt  }
0x77: {  	_ =	shalt  }
0x78: {  	_ =	shalt  }
0x79: {  	_ =	shalt  }
0x7a: {  	_ =	shalt  }
0x7b: {  	_ =	shalt  }
0x7c: {  	_ =	shalt  }
0x7d: {  	_ =	shalt  }
0x7e: {  	_ =	shalt  }
0x7f: {  	_ =	shalt  }
0x80: {  	_ =	shalt  }
0x81: {  	_ =	shalt  }
0x82: {  	_ =	shalt  }
0x83: {  	_ =	shalt  }
0x84: {  	_ =	shalt  }
0x85: {  	_ =	shalt  }
0x86: {  	_ =	shalt  }
0x87: {  	_ =	shalt  }
.Lfunc_end0:
.L_simem_size_0:
called_computation_lowered:
.L_overlay_start_0:
0x88: {  	s2 =	sld [smem:$0x3FD9]  }
0x89: {  	s3 =	sld [smem:$0x3FFE];
	_ =	sdelay $0x1  }
0x8a: {  	s1 =	srdreg.scid  }
0x8b: {  	s0 =	sand.u32 $0x1, s1  }
0x8c: {  	s16 =	sshll.u32 s0, $0xA;
	s2 =	sadd.s32 s3, s2  }
0x8d: {  	s2 =	sadd.s32 s2, s16  }
0x8e: {  	[smem:$0x3FC1] =	sst s2  }
0x8f: {  	_ = 	snop  }
0x90: {  	(tm) =	ssettm $0x1  }
0x91: {  	s17 =	sld [smem:$0x3FFB];
	_ =	sdelay $0x3  }
0x92: {  	_ =	strace s17  }
0x93: {  	s2 =	sld [smem:$0x3FFC];
	_ =	sdelay $0x3  }
0x94: {  	_ =	strace s2  }
0x95: {  	s2 =	sld [smem:$0x3FFD];
	_ =	sdelay $0x3  }
0x96: {  	_ =	strace s2  }
0x97: {  	_ =	strace $0x8FFFFFFF  }
0x98: {  	s18 =	sld [smem:$0x3FDB];
	_ =	sdelay $0x1  }
0x99: {  	s19 =	simm.s32 $_scs_section_size  }
0x9a: {  	s4 =	simm.s32 $_size__tile_overlayer_lowered;
	s5 =	simm.s32 $_tile_overlayer_lowered  }
0x9b: {  	s22 =	simm.s32 $0x1BFF;
	s21 =	sshll.u32 s5, $0x1;
	s2 =	sadd.s32 s19, s18  }
0x9c: {  	s6 =	simm.s32 $0x0;
	s20 =	sshll.u32 s4, $0x1;
	s4 =	sadd.s32 s21, s2  }
0x9d: {  	[timem:s6], [sflag:s22] =	dma.local [hbm:s4], s20  }
0x9e: {  	_ =	swait.ge [sflag:s22], s20  }
0x9f: {  	s3 =	ssub.s32 $0x0, s20;
	[sflag:s22] =	ssyncset.done $0x0  }
0xa0: {  	[sflag:s22] =	ssyncadd.s32 s3;
	_ =	sdelay $0x1  }
0xa1: {  	s23 =	simm.s32 $0x1B8B  }
0xa2: {  	_ =	swait.ge [sflag:s23], $0x1  }
0xa3: {  	[sflag:s23] =	ssyncset.done $0x0  }
0xa4: {  	s25 =	simm.s32 $0x1B8E;
	s24 =	sld [smem:$0x3FFE];
	[sflag:s23] =	ssyncadd.s32 $0xFFFFFFFF  }
0xa5: {  	s26 =	simm.s32 $execute0_lowered;
	[smem:$0x3FD2] =	sst s25  }
0xa6: {  	s4 =	sshll.u32 s26, $0x1;
	_ =	strace $0x80000046;
	[dreg:$0x1] =	wrdreg $0xFFFFFFFF  }
0xa7: {  	s28 =	simm.s32 $_size_execute0_lowered;
	s2 =	sadd.s32 s2, s4;
	[dreg:$0x0] =	wrdreg $0x0  }
0xa8: {  	s4 =	sshll.u32 s28, $0x1;
	[dreg:$0x2] =	wrdreg s2  }
0xa9: {  	[dreg:$0x3] =	wrdreg s4  }
0xaa: {  	[dreg:$0x4] =	wrdreg $0xC0  }
0xab: {  	_ =	task [dreg:s6], $0x5FFFF  }
0xac: {  	[dreg:$0x1] =	wrdreg $0xFFFFFFFF  }
0xad: {  	[dreg:$0x0] =	wrdreg $0x60  }
0xae: {  	[dreg:$0x2] =	wrdreg s24  }
0xaf: {  	[dreg:$0x3] =	wrdreg $0x68000  }
0xb0: {  	[dreg:$0x4] =	wrdreg $0x9  }
0xb1: {  	_ =	task.clear_ibuf [dreg:s6], $0x5FFFF;
	_ =	strace $0x90000046  }
0xb2: {  	s29 =	simm.s32 $0x9;
	_ =	strace $0x80000048  }
0xb3: {  	_ =	swait.ge [sflag:s29], $0x1  }
0xb4: {  	[sflag:s29] =	ssyncadd.s32 $0xFFFFFFFF  }
0xb5: {  	_ =	strace $0x90000048  }
0xb6: {  	_ =	sfence  }
0xb7: {  	s30 =	sld [smem:$0x0];
	_ =	sdelay $0x2  }
0xb8: {  	s31 =	sshll.u32 s1, $0xD;
	s1 =	sshrl.u32 s1, $0x2  }
0xb9: {  	s3 =	sand.u32 $0x4000, s31;
	s1 =	sadd.s32 s1, s30  }
0xba: {  	s0 =	sor.u32 s3, s0;
	s1 =	sshll.u32 s1, $0x11  }
0xbb: {  	s0 =	sor.u32 s1, s0  }
0xbc: {  	s0 =	sadd.s32 $0x8F2B, s0  }
0xbd: {  	[sflag:s0] =	ssyncadd.remote.s32 $0x1  }
0xbe: {  	_ =	sfence.sel $0xFFFF  }
0xbf: {  	[dreg:$0x0] =	wrdreg $0xFFFFFFFF;
	(pc) =	sbr.abs _section_cstart, $3  }
0xc0: {  	[dreg:$0x1] =	wrdreg $0xFFFFFFFF  }
0xc1: {  	_ =	task.clear_ibuf [dreg:s6], $0x2FFFF;
	_ =	strace $0x9FFFFFFF  }
0xc2: {  	(tm) =	ssettm $0x7FFFFFFF  }
0xc3: {  	_ =	shalt  }
tec
execute0_lowered:
.L_overlay_start_1:
0x0: {  	(tag) =	ssettag $0x1  }
0x1: {  	s6 =	rddreg [dreg:$0x0]  }
0x2: {  	s0 =	srdreg.scid;
	s2 =	rddreg [dreg:$0x1];
	s3 =	simm.s32 $0x0  }
0x3: {  	s13 =	simm.s32 $0x80;
	s14 =	simm.s32 $0x100;
	s15 =	simm.s32 $0x180  }
0x4: {  	s16 =	simm.s32 $0x200;
	s17 =	simm.s32 $0x280;
	s18 =	simm.s32 $0x300  }
0x5: {  	s19 =	simm.s32 $0x380;
	s20 =	simm.s32 $0x1;
	s21 =	simm.s32 $0x2  }
0x6: {  	s22 =	simm.s32 $0x3;
	s23 =	simm.s32 $0x4;
	s24 =	simm.s32 $0x5  }
0x7: {  	s25 =	simm.s32 $0x6;
	s28 =	simm.s32 $0x8;
	s5 =	sand.u32 $0x1, s0  }
0x8: {  	s29 =	simm.s32 $0x0;
	s0 =	stileid.u32;
	s7 =	smul.u32 $0x13C000, s5  }
0x9: {  	[smem:$0x7FF] =	sst s3;
	s1 =	sshll.u32 s5, $0x4;
	s8 =	smul.u32 $0x13C00, s0  }
0xa: {  	_ =	strace $0x80000047;
	s26 =	ssub.s32 $0x2, s5;
	s10 =	smul.u32 $0x4F000, s0  }
0xb: {  	s5 =	sadd.s32 $0xF000, s6;
	s11 =	sshll.u32 s0, $0x6;
	s1 =	sor.u32 s0, s1  }
0xc: {  	s30 =	sshrl.u32 s26, $0x1;
	s11 =	sor.u32 $0x1C09, s11;
	s4 =	smul.u32 $0x500, s1  }
0xd: {  	s7 =	sadd.s32 s8, s7;
	s8 =	ssub.s32 s26, s30;
	s31 =	sshrl.u32 s10, $0x2  }
0xe: {  	s10 =	simm.s32 $0x2800;
	s26 =	simm.s32 $0x7;
	s7 =	sshrl.u32 s7, $0x3  }
0xf: {  	s12 =	sadd.s32 s31, s2;
	s8 =	smax.u32 s8, $0x1;
	s9 =	sadd.s32 s4, s6  }
0x10: {  	s4 =	sadd.s32 $0xC800, s6;
	s7 =	sadd.s32 s7, s6;
	s12 =	sshrl.u32 s12, $0x3  }
0x11: {  	s6 =	sadd.s32 $0x2800, s9;
	s7 =	sadd.s32 $0xF800, s7;
	s9 =	simm.s32 $0x9  }
.LBB2_1:
0x12: {  	[tilespmem:s3], [sflag:$0x9] =	stream.linear.gather [hbm4b:s6+s3], $0x2800, $0x38;
	[tilespmem:$0x1A400] =	vst v63  }
0x13: {  	_ =	swait.ge [sflag:s9], $0x2800  }
0x14: {  	[sflag:s9] =	ssyncset.done $0x0  }
0x15: {  	[sflag:s9] =	ssyncadd.s32 $0xFFFFD800  }
0x16: {  	[tilespmem:s10], [sflag:$0x9] =	stream.linear.gather [hbm4b:s5+s3], $0x4000, $0x38;
	[tilespmem:$0x1A400] =	vst v63  }
0x17: {  	_ =	swait.ge [sflag:s9], $0x4000  }
0x18: {  	[sflag:s9] =	ssyncset.done $0x0  }
0x19: {  	[sflag:s9] =	ssyncadd.s32 $0xFFFFC000  }
0x1a: {  	[spmem:s12], [sflag:s11] =	dma.local [hbm:s4], $0x2780  }
0x1b: {  	_ =	swait.ge [sflag:s9], $0x2780  }
0x1c: {  	[sflag:s9] =	ssyncset.done $0x0  }
0x1d: {  	[sflag:s9] =	ssyncadd.s32 $0xFFFFD880  }
0x1e: {  	[bflag:$0x0] =	sbarrier.arrive $0xFFFF  }
0x1f: {  	[spmem:s2] =	stream.indirect.scatter.add.f32 [tilespmem:s10], [sflag:$0x1], $0x80, s3, s13, $0xb8;
	[tilespmem:$0x1A400] =	vst v63  }
0x20: {  	_ = 	snop  }
0x21: {  	[spmem:s2] =	stream.indirect.scatter.add.f32 [tilespmem:s10], [sflag:$0x2], $0x80, s13, s13, $0xb8;
	[tilespmem:$0x1A400] =	vst v63  }
0x22: {  	_ = 	snop  }
0x23: {  	[spmem:s2] =	stream.indirect.scatter.add.f32 [tilespmem:s10], [sflag:$0x3], $0x80, s14, s13, $0xb8;
	[tilespmem:$0x1A400] =	vst v63  }
0x24: {  	_ = 	snop  }
0x25: {  	[spmem:s2] =	stream.indirect.scatter.add.f32 [tilespmem:s10], [sflag:$0x4], $0x80, s15, s13, $0xb8;
	[tilespmem:$0x1A400] =	vst v63  }
0x26: {  	_ = 	snop  }
0x27: {  	[spmem:s2] =	stream.indirect.scatter.add.f32 [tilespmem:s10], [sflag:$0x5], $0x80, s16, s13, $0xb8;
	[tilespmem:$0x1A400] =	vst v63  }
0x28: {  	_ = 	snop  }
0x29: {  	[spmem:s2] =	stream.indirect.scatter.add.f32 [tilespmem:s10], [sflag:$0x6], $0x80, s17, s13, $0xb8;
	[tilespmem:$0x1A400] =	vst v63  }
0x2a: {  	_ = 	snop  }
0x2b: {  	[spmem:s2] =	stream.indirect.scatter.add.f32 [tilespmem:s10], [sflag:$0x7], $0x80, s18, s13, $0xb8;
	[tilespmem:$0x1A400] =	vst v63  }
0x2c: {  	_ = 	snop  }
0x2d: {  	[spmem:s2] =	stream.indirect.scatter.add.f32 [tilespmem:s10], [sflag:$0x8], $0x80, s19, s13, $0xb8;
	[tilespmem:$0x1A400] =	vst v63  }
0x2e: {  	_ =	swait.ge [sflag:s20], $0x4000  }
0x2f: {  	[sflag:s20] =	ssyncset.done $0x0  }
0x30: {  	s30 =	simm.s32 $0x400;
	[sflag:s20] =	ssyncadd.s32 $0xFFFFC000  }
0x31: {  	[spmem:s2] =	stream.indirect.scatter.add.f32 [tilespmem:s10], [sflag:$0x1], $0x80, s30, s13, $0xb8;
	[tilespmem:$0x1A400] =	vst v63  }
0x32: {  	_ =	swait.ge [sflag:s21], $0x4000  }
0x33: {  	[sflag:s21] =	ssyncset.done $0x0  }
0x34: {  	s30 =	simm.s32 $0x480;
	[sflag:s21] =	ssyncadd.s32 $0xFFFFC000  }
0x35: {  	[spmem:s2] =	stream.indirect.scatter.add.f32 [tilespmem:s10], [sflag:$0x2], $0x80, s30, s13, $0xb8;
	[tilespmem:$0x1A400] =	vst v63  }
0x36: {  	_ =	swait.ge [sflag:s22], $0x4000  }
0x37: {  	[sflag:s22] =	ssyncset.done $0x0  }
0x38: {  	s30 =	simm.s32 $0x500;
	[sflag:s22] =	ssyncadd.s32 $0xFFFFC000  }
0x39: {  	[spmem:s2] =	stream.indirect.scatter.add.f32 [tilespmem:s10], [sflag:$0x3], $0x80, s30, s13, $0xb8;
	[tilespmem:$0x1A400] =	vst v63  }
0x3a: {  	_ =	swait.ge [sflag:s23], $0x4000  }
0x3b: {  	[sflag:s23] =	ssyncset.done $0x0  }
0x3c: {  	s30 =	simm.s32 $0x580;
	[sflag:s23] =	ssyncadd.s32 $0xFFFFC000  }
0x3d: {  	[spmem:s2] =	stream.indirect.scatter.add.f32 [tilespmem:s10], [sflag:$0x4], $0x80, s30, s13, $0xb8;
	[tilespmem:$0x1A400] =	vst v63  }
0x3e: {  	_ =	swait.ge [sflag:s24], $0x4000  }
0x3f: {  	[sflag:s24] =	ssyncset.done $0x0  }
0x40: {  	s30 =	simm.s32 $0x600;
	[sflag:s24] =	ssyncadd.s32 $0xFFFFC000  }
0x41: {  	[spmem:s2] =	stream.indirect.scatter.add.f32 [tilespmem:s10], [sflag:$0x5], $0x80, s30, s13, $0xb8;
	[tilespmem:$0x1A400] =	vst v63  }
0x42: {  	_ =	swait.ge [sflag:s25], $0x4000  }
0x43: {  	[sflag:s25] =	ssyncset.done $0x0  }
0x44: {  	s30 =	simm.s32 $0x680;
	[sflag:s25] =	ssyncadd.s32 $0xFFFFC000  }
0x45: {  	[spmem:s2] =	stream.indirect.scatter.add.f32 [tilespmem:s10], [sflag:$0x6], $0x80, s30, s13, $0xb8;
	[tilespmem:$0x1A400] =	vst v63  }
0x46: {  	_ =	swait.ge [sflag:s26], $0x4000  }
0x47: {  	[sflag:s26] =	ssyncset.done $0x0  }
0x48: {  	s30 =	simm.s32 $0x700;
	[sflag:s26] =	ssyncadd.s32 $0xFFFFC000  }
0x49: {  	[spmem:s2] =	stream.indirect.scatter.add.f32 [tilespmem:s10], [sflag:$0x7], $0x80, s30, s13, $0xb8;
	[tilespmem:$0x1A400] =	vst v63  }
0x4a: {  	_ =	swait.ge [sflag:s28], $0x4000  }
0x4b: {  	[sflag:s28] =	ssyncset.done $0x0  }
0x4c: {  	s31 =	simm.s32 $0x780;
	s30 =	simm.s32 $0x1000;
	[sflag:s28] =	ssyncadd.s32 $0xFFFFC000  }
.LBB2_2:
0x4d: {  	[spmem:s2] =	stream.indirect.scatter.add.f32 [tilespmem:s10], [sflag:$0x8], $0x80, s31, s13, $0xb8;
	[tilespmem:$0x1A400] =	vst v63  }
0x4e: {  	s31 =	smov.u32 s30  }
0x4f: {  	p0 =	sne.s32 s30, $0x8000;
	s30 =	sadd.s32 $0x1000, s30;
	_ =	swait.ge [sflag:s20], $0x4000  }
0x50: {  	s31 =	sshra.s32 s31, $0x2;
	[sflag:s20] =	ssyncset.done $0x0  }
0x51: {  	s1 =	sadd.s32 $0x400, s31;
	[sflag:s20] =	ssyncadd.s32 $0xFFFFC000  }
0x52: {  	[spmem:s2] =	stream.indirect.scatter.add.f32 [tilespmem:s10], [sflag:$0x1], $0x80, s1, s13, $0xb8;
	[tilespmem:$0x1A400] =	vst v63  }
0x53: {  	_ =	swait.ge [sflag:s21], $0x4000  }
0x54: {  	[sflag:s21] =	ssyncset.done $0x0  }
0x55: {  	s1 =	sadd.s32 $0x480, s31;
	[sflag:s21] =	ssyncadd.s32 $0xFFFFC000  }
0x56: {  	[spmem:s2] =	stream.indirect.scatter.add.f32 [tilespmem:s10], [sflag:$0x2], $0x80, s1, s13, $0xb8;
	[tilespmem:$0x1A400] =	vst v63  }
0x57: {  	_ =	swait.ge [sflag:s22], $0x4000  }
0x58: {  	[sflag:s22] =	ssyncset.done $0x0  }
0x59: {  	s1 =	sadd.s32 $0x500, s31;
	[sflag:s22] =	ssyncadd.s32 $0xFFFFC000  }
0x5a: {  	[spmem:s2] =	stream.indirect.scatter.add.f32 [tilespmem:s10], [sflag:$0x3], $0x80, s1, s13, $0xb8;
	[tilespmem:$0x1A400] =	vst v63  }
0x5b: {  	_ =	swait.ge [sflag:s23], $0x4000  }
0x5c: {  	[sflag:s23] =	ssyncset.done $0x0  }
0x5d: {  	s1 =	sadd.s32 $0x580, s31;
	[sflag:s23] =	ssyncadd.s32 $0xFFFFC000  }
0x5e: {  	[spmem:s2] =	stream.indirect.scatter.add.f32 [tilespmem:s10], [sflag:$0x4], $0x80, s1, s13, $0xb8;
	[tilespmem:$0x1A400] =	vst v63  }
0x5f: {  	_ =	swait.ge [sflag:s24], $0x4000  }
0x60: {  	[sflag:s24] =	ssyncset.done $0x0  }
0x61: {  	s1 =	sadd.s32 $0x600, s31;
	[sflag:s24] =	ssyncadd.s32 $0xFFFFC000  }
0x62: {  	[spmem:s2] =	stream.indirect.scatter.add.f32 [tilespmem:s10], [sflag:$0x5], $0x80, s1, s13, $0xb8;
	[tilespmem:$0x1A400] =	vst v63  }
0x63: {  	_ =	swait.ge [sflag:s25], $0x4000  }
0x64: {  	[sflag:s25] =	ssyncset.done $0x0  }
0x65: {  	s1 =	sadd.s32 $0x680, s31;
	[sflag:s25] =	ssyncadd.s32 $0xFFFFC000  }
0x66: {  	[spmem:s2] =	stream.indirect.scatter.add.f32 [tilespmem:s10], [sflag:$0x6], $0x80, s1, s13, $0xb8;
	[tilespmem:$0x1A400] =	vst v63  }
0x67: {  	_ =	swait.ge [sflag:s26], $0x4000  }
0x68: {  	[sflag:s26] =	ssyncset.done $0x0  }
.Ltmp0:
0x69: {  	s1 =	sadd.s32 $0x700, s31;
	[sflag:s26] =	ssyncadd.s32 $0xFFFFC000;
	(pc) =	sbr.rel @p0 .LBB2_2-.Ltmp0, $4  }
0x6a: {  	[spmem:s2] =	stream.indirect.scatter.add.f32 [tilespmem:s10], [sflag:$0x7], $0x80, s1, s13, $0xb8;
	[tilespmem:$0x1A400] =	vst v63  }
0x6b: {  	_ =	swait.ge [sflag:s28], $0x4000  }
0x6c: {  	[sflag:s28] =	ssyncset.done $0x0  }
0x6d: {  	s31 =	sadd.s32 $0x780, s31;
	[sflag:s28] =	ssyncadd.s32 $0xFFFFC000  }
0x6e: {  	[spmem:s2] =	stream.indirect.scatter.add.f32 [tilespmem:s10], [sflag:$0x8], $0x80, s31, s13, $0xb8;
	[tilespmem:$0x1A400] =	vst v63  }
0x6f: {  	_ =	swait.ge [sflag:s20], $0x4000  }
0x70: {  	[sflag:s20] =	ssyncset.done $0x0  }
0x71: {  	[sflag:s20] =	ssyncadd.s32 $0xFFFFC000  }
0x72: {  	_ =	swait.ge [sflag:s21], $0x4000  }
0x73: {  	[sflag:s21] =	ssyncset.done $0x0  }
0x74: {  	[sflag:s21] =	ssyncadd.s32 $0xFFFFC000  }
0x75: {  	_ =	swait.ge [sflag:s22], $0x4000  }
0x76: {  	[sflag:s22] =	ssyncset.done $0x0  }
0x77: {  	[sflag:s22] =	ssyncadd.s32 $0xFFFFC000  }
0x78: {  	_ =	swait.ge [sflag:s23], $0x4000  }
0x79: {  	[sflag:s23] =	ssyncset.done $0x0  }
0x7a: {  	[sflag:s23] =	ssyncadd.s32 $0xFFFFC000  }
0x7b: {  	_ =	swait.ge [sflag:s24], $0x4000  }
0x7c: {  	[sflag:s24] =	ssyncset.done $0x0  }
0x7d: {  	[sflag:s24] =	ssyncadd.s32 $0xFFFFC000  }
0x7e: {  	_ =	swait.ge [sflag:s25], $0x4000  }
0x7f: {  	[sflag:s25] =	ssyncset.done $0x0  }
0x80: {  	[sflag:s25] =	ssyncadd.s32 $0xFFFFC000  }
0x81: {  	_ =	swait.ge [sflag:s26], $0x4000  }
0x82: {  	[sflag:s26] =	ssyncset.done $0x0  }
0x83: {  	[sflag:s26] =	ssyncadd.s32 $0xFFFFC000  }
0x84: {  	_ =	swait.ge [sflag:s28], $0x4000  }
0x85: {  	s29 =	sadd.s32 $0x1, s29;
	[sflag:s28] =	ssyncset.done $0x0  }
0x86: {  	p0 =	sne.s32 s29, s8;
	[sflag:s28] =	ssyncadd.s32 $0xFFFFC000  }
.Ltmp1:
0x87: {  	[bflag:$0x0] =	sbarrier.arrive $0xFFFF;
	(pc) =	sbr.rel @p0 .LBB2_1-.Ltmp1, $4  }
0x88: {  	[hbm:s7], [sflag:s11] =	dma.local [spmem:s12], $0x2780  }
0x89: {  	_ =	swait.ge [sflag:s9], $0x2780  }
0x8a: {  	[sflag:s9] =	ssyncset.done $0x0  }
0x8b: {  	[sflag:s9] =	ssyncadd.s32 $0xFFFFD880  }
0x8c: {  	_ =	sfence.sel $0x180000  }
0x8d: {  	[bflag:$0x0] =	sbarrier.arrive $0xFFFF  }
0x8e: {  	_ =	strace $0x90000047  }
0x8f: {  	[bflag:$0x2] =	sbarrier.arrive $0xFFFF  }
0x90: {  	p0 =	sne.s32 s0, $0x0;
	s0 =	rddreg [dreg:$0x2]  }
0x91: {  	s0 =	sadd.s32 @!p0 $0x100000, s0  }
0x92: {  	[sflag:s0] =	ssyncadd.tile.s32 @!p0 $0x1;
	_ =	shalt  }
.Lfunc_end2:
_tile_overlayer_lowered:
.L_overlay_start_2:
0x93: {  	(tag) =	ssettag $0x2  }
0x94: {  	s0 =	rddreg [dreg:$0x0];
	s2 =	stileid.u32  }
0x95: {  	s1 =	rddreg [dreg:$0x1];
	p0 =	sne.s32 s2, $0x0  }
0x96: {  	s3 =	rddreg [dreg:$0x2];
	[bflag:$0x3] =	sbarrier.arrive $0xFFFF;
	s2 =	simm.s32 @!p0 $0x1C09  }
0x97: {  	[timem:s3], [sflag:s2] =	dma.local @!p0 [hbm:s0], s1  }
0x98: {  	s0 =	simm.s32 @!p0 $0x9  }
0x99: {  	_ =	swait.ge @!p0 [sflag:s0], s1  }
0x9a: {  	s1 =	ssub.s32 @!p0 $0x0, s1;
	[sflag:s0] =	ssyncset.done @!p0 $0x0  }
0x9b: {  	[sflag:s0] =	ssyncadd.s32 @!p0 s1  }
0x9c: {  	[bflag:$0x3] =	sbarrier.arrive $0xFFFF  }
0x9d: {  	_ =	shalt  }

</sc_bundles>
